<compile_context>
chip_gen: v7x
topology: tpu7x:2x2x1
jax: 0.10.2.dev20260603
libtpu: 0.0.44.dev20260713+nightly
codegen_flags: <defaults>
</compile_context>

<pallas_src>
import functools

import jax
import jax.numpy as jnp
from jax import lax
from jax.experimental import pallas as pl
from jax.experimental.pallas import tpu as pltpu
from jax.experimental.pallas import tpu_sc as plsc

_EDIM = 32
_D = 64
_B = 16384
_NROW = 1000000
_NC = 2
_NS = 16
_NW = _NC * _NS
_BPW = _B // _NW
_UNROLL = 16


def _sc_gather_body(uid_hbm, iid_hbm, ut_hbm, it_hbm, ue_hbm, ie_hbm,
                    ids_v, sel_v, sem):
    wid = lax.axis_index("s") * _NC + lax.axis_index("c")
    base = wid * _BPW

    for ids, table, out in ((uid_hbm, ut_hbm, ue_hbm),
                            (iid_hbm, it_hbm, ie_hbm)):
        pltpu.sync_copy(ids.at[wid], ids_v)

        def fire(g, _, table=table):
            vec = ids_v[pl.ds(pl.multiple_of(g * _UNROLL, _UNROLL), _UNROLL)]
            for u in range(_UNROLL):
                rid = vec[u]
                pltpu.async_copy(
                    table.at[rid >> 3, rid & 7],
                    sel_v.at[g * _UNROLL + u], sem)
            return _

        lax.fori_loop(0, _BPW // _UNROLL, fire, None)

        def drain(g, _, table=table):
            for _u in range(_UNROLL):
                pltpu.make_async_copy(table.at[0, 0], sel_v.at[0], sem).wait()
            return _

        lax.fori_loop(0, _BPW // _UNROLL, drain, None)
        pltpu.sync_copy(sel_v, out.at[pl.ds(base, _BPW)])


_sc_gather = functools.partial(
    pl.kernel,
    out_type=[
        jax.ShapeDtypeStruct((_B, _D), jnp.float32),
        jax.ShapeDtypeStruct((_B, _D), jnp.float32),
    ],
    mesh=plsc.VectorSubcoreMesh(core_axis_name="c", subcore_axis_name="s"),
    scratch_types=[
        pltpu.VMEM((_BPW,), jnp.int32),
        pltpu.VMEM((_BPW, _D), jnp.float32),
        pltpu.SemaphoreType.DMA,
    ],
)(_sc_gather_body)


def _mlp_body(ue_ref, ie_ref, w1u_ref, w1i_ref, b1_ref, w2_ref, b2_ref,
              w3l_ref, w3r_ref, b3_ref, o_ref):
    ue = ue_ref[...]
    ie = ie_ref[...]
    left = ue[:, :_EDIM] * ie[:, :_EDIM]
    h1 = jnp.dot(ue[:, _EDIM:], w1u_ref[...], preferred_element_type=jnp.float32)
    h1 = h1 + jnp.dot(ie[:, _EDIM:], w1i_ref[...], preferred_element_type=jnp.float32)
    h1 = jnp.maximum(h1 + b1_ref[...], 0.0)
    h2 = jnp.dot(h1, w2_ref[...], preferred_element_type=jnp.float32)
    h2 = jnp.maximum(h2 + b2_ref[...], 0.0)
    o = jnp.sum(left * w3l_ref[...], axis=1) + jnp.sum(h2 * w3r_ref[...], axis=1)
    o_ref[...] = o + b3_ref[...]


_BLK = 2048
_GRID = _B // _BLK


def _mlp_head(ue, ie, w1u, w1i, b1, w2, b2, w3l, w3r, b3):
    full = lambda shape: pl.BlockSpec(shape, lambda i: (0, 0))
    return pl.pallas_call(
        _mlp_body,
        grid=(_GRID,),
        in_specs=[
            pl.BlockSpec((_BLK, _D), lambda i: (i, 0)),
            pl.BlockSpec((_BLK, _D), lambda i: (i, 0)),
            full((_EDIM, _EDIM)),
            full((_EDIM, _EDIM)),
            full((1, _EDIM)),
            full((_EDIM, _EDIM // 2)),
            full((1, _EDIM // 2)),
            full((1, _EDIM)),
            full((1, _EDIM // 2)),
            pl.BlockSpec((1,), lambda i: (0,)),
        ],
        out_specs=pl.BlockSpec((_BLK,), lambda i: (i,)),
        out_shape=jax.ShapeDtypeStruct((_B,), jnp.float32),
    )(ue, ie, w1u, w1i, b1, w2, b2, w3l, w3r, b3)


def kernel(user_ids, item_ids, user_table, item_table, W1, b1, W2, b2, W3, b3):
    uid = user_ids.astype(jnp.int32).reshape(_NW, _BPW)
    iid = item_ids.astype(jnp.int32).reshape(_NW, _BPW)
    ut3 = user_table.reshape(_NROW // 8, 8, _D)
    it3 = item_table.reshape(_NROW // 8, 8, _D)
    ue, ie = _sc_gather(uid, iid, ut3, it3)
    return _mlp_head(
        ue, ie,
        W1[:, :_EDIM].T, W1[:, _EDIM:].T, b1[None, :],
        W2.T, b2[None, :],
        W3[:, :_EDIM], W3[:, _EDIM:], b3,
    )

# --- scband reference (transcript-rebuilt; emitter-appended) ---
"""Pipeline reference for scband-neu-mf-8856222564938 (READ-ONLY COPY).

The authoritative reference and input builder live on the scoring server;
editing this copy changes nothing except your own understanding.
"""

import jax, jax.numpy as jnp
import numpy as np

NUM_USERS = 1000000
NUM_ITEMS = 1000000
EDIM = 32
BATCH = 16384


def setup_inputs(seed: int = 0) -> dict:
    key = jax.random.key(seed)
    ks = jax.random.split(key, 10)
    user_ids = jax.random.randint(ks[0], (BATCH,), 0, NUM_USERS, dtype=jnp.int32).astype(jnp.int64)
    item_ids = jax.random.randint(ks[1], (BATCH,), 0, NUM_ITEMS, dtype=jnp.int32).astype(jnp.int64)
    user_table = jax.random.normal(ks[2], (NUM_USERS, 2 * EDIM), dtype=jnp.float32) * 0.01
    item_table = jax.random.normal(ks[3], (NUM_ITEMS, 2 * EDIM), dtype=jnp.float32) * 0.01
    W1 = jax.random.normal(ks[4], (EDIM, 2 * EDIM), dtype=jnp.float32) * (1.0 / np.sqrt(2 * EDIM))
    b1 = jnp.zeros((EDIM,), dtype=jnp.float32)
    W2 = jax.random.normal(ks[5], (EDIM // 2, EDIM), dtype=jnp.float32) * (1.0 / np.sqrt(EDIM))
    b2 = jnp.zeros((EDIM // 2,), dtype=jnp.float32)
    W3 = jax.random.normal(ks[6], (1, EDIM // 2 + EDIM), dtype=jnp.float32) * (1.0 / np.sqrt(EDIM // 2 + EDIM))
    b3 = jnp.zeros((1,), dtype=jnp.float32)
    return {
        "user_ids": user_ids,
        "item_ids": item_ids,
        "user_table": user_table,
        "item_table": item_table,
        "W1": W1, "b1": b1,
        "W2": W2, "b2": b2,
        "W3": W3, "b3": b3,
    }


def reference(user_ids, item_ids, user_table, item_table, W1, b1, W2, b2, W3, b3):
    ue = jnp.take(user_table, user_ids, axis=0)
    ie = jnp.take(item_table, item_ids, axis=0)
    gmf_u, mlp_u = ue[:, :EDIM], ue[:, EDIM:]
    gmf_i, mlp_i = ie[:, :EDIM], ie[:, EDIM:]
    left = gmf_u * gmf_i
    right = jnp.concatenate([mlp_u, mlp_i], axis=-1)
    right = jax.nn.relu(right @ W1.T + b1)
    right = jax.nn.relu(right @ W2.T + b2)
    o = (jnp.concatenate([left, right], axis=-1) @ W3.T + b3)
    return jnp.squeeze(o, axis=-1)

if __name__ == "__main__":
    import jax
    _d = setup_inputs()
    print(jax.jit(kernel)(*tuple(_d.values())))

</pallas_src>

<mosaic_0001>
#map = affine_map<(d0, d1) -> (0, 0)>
#map1 = affine_map<(d0, d1) -> (0, 0, 0)>
module attributes {stable_mosaic.version = 14 : i64} {
  func.func @_sc_gather_body(%arg0: i32, %arg1: i32, %arg2: memref<32x512xi32, #tpu.memory_space<hbm>>, %arg3: memref<32x512xi32, #tpu.memory_space<hbm>>, %arg4: memref<125000x8x64xf32, #tpu.memory_space<hbm>>, %arg5: memref<125000x8x64xf32, #tpu.memory_space<hbm>>, %arg6: memref<16384x64xf32, #tpu.memory_space<hbm>>, %arg7: memref<16384x64xf32, #tpu.memory_space<hbm>>, %arg8: memref<512xi32, #tpu.memory_space<vmem>>, %arg9: memref<512x64xf32, #tpu.memory_space<vmem>>, %arg10: memref<!tpu.dma_semaphore, #tpu.memory_space<semaphore_mem>>) attributes {dimension_semantics = [#tpu.dimension_semantics<core_parallel>, #tpu.dimension_semantics<subcore_parallel>], iteration_bounds = array<i64: 2, 16>, scalar_prefetch = 0 : i64, scratch_operands = 3 : i64, tpu.core_type = #tpu.core_type<sc_vector_subcore>, window_params = [{transform_indices = #map}, {transform_indices = #map}, {transform_indices = #map1}, {transform_indices = #map1}, {transform_indices = #map}, {transform_indices = #map}]} {
    %mul3A = arith.constant 2 : i32
    %mul3A_0 = arith.muli %arg1, %mul3A : i32
    %add3A = arith.addi %mul3A_0, %arg0 : i32
    %mul3A_1 = arith.constant 512 : i32
    %mul3A_2 = arith.muli %add3A, %mul3A_1 : i32
    "tpu.region"() ({
      %run_scoped3A = tpu.sem_alloc : memref<!tpu.dma_semaphore, #tpu.memory_space<semaphore_mem>>
      %dma_start3A = arith.constant 0 : i32
      %dma_start3A_22 = tpu.memref_slice %arg2[%add3A, %dma_start3A] : memref<32x512xi32, #tpu.memory_space<hbm>> -> memref<1x512xi32, #tpu.memory_space<hbm>>
      %dma_start3A_23 = tpu.memref_squeeze %dma_start3A_22 : memref<1x512xi32, #tpu.memory_space<hbm>> -> memref<512xi32, #tpu.memory_space<hbm>>
      %dma_start3A_24 = arith.constant 0 : i32
      %dma_start3A_25 = tpu.memref_slice %arg2[%add3A, %dma_start3A_24] : memref<32x512xi32, #tpu.memory_space<hbm>> -> memref<1x512xi32, #tpu.memory_space<hbm>>
      %dma_start3A_26 = tpu.memref_squeeze %dma_start3A_25 : memref<1x512xi32, #tpu.memory_space<hbm>> -> memref<512xi32, #tpu.memory_space<hbm>>
      tpu.enqueue_dma source(%dma_start3A_26 : memref<512xi32, #tpu.memory_space<hbm>>) target(%arg8 : memref<512xi32, #tpu.memory_space<vmem>>) target_semaphore(%run_scoped3A : memref<!tpu.dma_semaphore, #tpu.memory_space<semaphore_mem>>)
      %dma_wait3A = arith.constant 0 : i32
      %dma_wait3A_27 = tpu.memref_slice %arg2[%add3A, %dma_wait3A] : memref<32x512xi32, #tpu.memory_space<hbm>> -> memref<1x512xi32, #tpu.memory_space<hbm>>
      %dma_wait3A_28 = tpu.memref_squeeze %dma_wait3A_27 : memref<1x512xi32, #tpu.memory_space<hbm>> -> memref<512xi32, #tpu.memory_space<hbm>>
      %dma_wait3A_29 = arith.constant 0 : i32
      %dma_wait3A_30 = tpu.memref_slice %arg2[%add3A, %dma_wait3A_29] : memref<32x512xi32, #tpu.memory_space<hbm>> -> memref<1x512xi32, #tpu.memory_space<hbm>>
      %dma_wait3A_31 = tpu.memref_squeeze %dma_wait3A_30 : memref<1x512xi32, #tpu.memory_space<hbm>> -> memref<512xi32, #tpu.memory_space<hbm>>
      tpu.wait_dma2 semaphore(%run_scoped3A : memref<!tpu.dma_semaphore, #tpu.memory_space<semaphore_mem>>) src(%dma_wait3A_31 : memref<512xi32, #tpu.memory_space<hbm>>) dst(%arg8 : memref<512xi32, #tpu.memory_space<vmem>>)
      tpu.yield
    }) : () -> ()
    %scan3A = arith.constant 0 : i32
    %scan3A_3 = arith.constant 32 : i32
    %scan3A_4 = arith.addi %scan3A, %scan3A_3 : i32
    %scan3A_5 = arith.constant 1 : i32
    scf.for %scan3A_22 = %scan3A to %scan3A_4 step %scan3A_5  : i32 {
      %mul3A_23 = arith.constant 16 : i32
      %mul3A_24 = arith.muli %scan3A_22, %mul3A_23 : i32
      %multiple_of3A = tpu.assume_multiple %mul3A_24, 16 : i32
      %get3A = arith.index_cast %multiple_of3A : i32 to index
      %get3A_25 = tpu.vector_load %arg8[%get3A] {strides = array<i32>} : memref<512xi32, #tpu.memory_space<vmem>>, vector<16xi32>,
      %get3A_26 = vector.shape_cast %get3A_25 : vector<16xi32> to vector<16xi32>
      %slice3A = vector.extract_strided_slice %get3A_26 {offsets = [0], sizes = [1], strides = [1]} : vector<16xi32> to vector<1xi32>
      %squeeze3A = vector.extract %slice3A[0] : i32 from vector<1xi32>
      %shift_right_arithmetic3A = arith.constant 3 : i32
      %shift_right_arithmetic3A_27 = arith.shrsi %squeeze3A, %shift_right_arithmetic3A : i32
      %and3A = arith.constant 7 : i32
      %and3A_28 = arith.andi %squeeze3A, %and3A : i32
      %mul3A_29 = arith.constant 16 : i32
      %mul3A_30 = arith.muli %scan3A_22, %mul3A_29 : i32
      %add3A_31 = arith.constant 0 : i32
      %add3A_32 = arith.addi %mul3A_30, %add3A_31 : i32
      %dma_start3A = arith.constant 0 : i32
      %dma_start3A_33 = tpu.memref_slice %arg9[%add3A_32, %dma_start3A] : memref<512x64xf32, #tpu.memory_space<vmem>> -> memref<1x64xf32, #tpu.memory_space<vmem>>
      %dma_start3A_34 = tpu.memref_squeeze %dma_start3A_33 : memref<1x64xf32, #tpu.memory_space<vmem>> -> memref<64xf32, #tpu.memory_space<vmem>>
      %dma_start3A_35 = arith.constant 0 : i32
      %dma_start3A_36 = tpu.memref_slice %arg4[%shift_right_arithmetic3A_27, %and3A_28, %dma_start3A_35] : memref<125000x8x64xf32, #tpu.memory_space<hbm>> -> memref<1x1x64xf32, #tpu.memory_space<hbm>>
      %dma_start3A_37 = tpu.memref_squeeze %dma_start3A_36 : memref<1x1x64xf32, #tpu.memory_space<hbm>> -> memref<64xf32, #tpu.memory_space<hbm>>
      %dma_start3A_38 = arith.constant 0 : i32
      %dma_start3A_39 = tpu.memref_slice %arg9[%add3A_32, %dma_start3A_38] : memref<512x64xf32, #tpu.memory_space<vmem>> -> memref<1x64xf32, #tpu.memory_space<vmem>>
      %dma_start3A_40 = tpu.memref_squeeze %dma_start3A_39 : memref<1x64xf32, #tpu.memory_space<vmem>> -> memref<64xf32, #tpu.memory_space<vmem>>
      %dma_start3A_41 = arith.constant 0 : i32
      %dma_start3A_42 = tpu.memref_slice %arg4[%shift_right_arithmetic3A_27, %and3A_28, %dma_start3A_41] : memref<125000x8x64xf32, #tpu.memory_space<hbm>> -> memref<1x1x64xf32, #tpu.memory_space<hbm>>
      %dma_start3A_43 = tpu.memref_squeeze %dma_start3A_42 : memref<1x1x64xf32, #tpu.memory_space<hbm>> -> memref<64xf32, #tpu.memory_space<hbm>>
      tpu.enqueue_dma source(%dma_start3A_43 : memref<64xf32, #tpu.memory_space<hbm>>) target(%dma_start3A_40 : memref<64xf32, #tpu.memory_space<vmem>>) target_semaphore(%arg10 : memref<!tpu.dma_semaphore, #tpu.memory_space<semaphore_mem>>)
      %slice3A_44 = vector.extract_strided_slice %get3A_26 {offsets = [1], sizes = [1], strides = [1]} : vector<16xi32> to vector<1xi32>
      %squeeze3A_45 = vector.extract %slice3A_44[0] : i32 from vector<1xi32>
      %shift_right_arithmetic3A_46 = arith.constant 3 : i32
      %shift_right_arithmetic3A_47 = arith.shrsi %squeeze3A_45, %shift_right_arithmetic3A_46 : i32
      %and3A_48 = arith.constant 7 : i32
      %and3A_49 = arith.andi %squeeze3A_45, %and3A_48 : i32
      %mul3A_50 = arith.constant 16 : i32
      %mul3A_51 = arith.muli %scan3A_22, %mul3A_50 : i32
      %add3A_52 = arith.constant 1 : i32
      %add3A_53 = arith.addi %mul3A_51, %add3A_52 : i32
      %dma_start3A_54 = arith.constant 0 : i32
      %dma_start3A_55 = tpu.memref_slice %arg9[%add3A_53, %dma_start3A_54] : memref<512x64xf32, #tpu.memory_space<vmem>> -> memref<1x64xf32, #tpu.memory_space<vmem>>
      %dma_start3A_56 = tpu.memref_squeeze %dma_start3A_55 : memref<1x64xf32, #tpu.memory_space<vmem>> -> memref<64xf32, #tpu.memory_space<vmem>>
      %dma_start3A_57 = arith.constant 0 : i32
      %dma_start3A_58 = tpu.memref_slice %arg4[%shift_right_arithmetic3A_47, %and3A_49, %dma_start3A_57] : memref<125000x8x64xf32, #tpu.memory_space<hbm>> -> memref<1x1x64xf32, #tpu.memory_space<hbm>>
      %dma_start3A_59 = tpu.memref_squeeze %dma_start3A_58 : memref<1x1x64xf32, #tpu.memory_space<hbm>> -> memref<64xf32, #tpu.memory_space<hbm>>
      %dma_start3A_60 = arith.constant 0 : i32
      %dma_start3A_61 = tpu.memref_slice %arg9[%add3A_53, %dma_start3A_60] : memref<512x64xf32, #tpu.memory_space<vmem>> -> memref<1x64xf32, #tpu.memory_space<vmem>>
      %dma_start3A_62 = tpu.memref_squeeze %dma_start3A_61 : memref<1x64xf32, #tpu.memory_space<vmem>> -> memref<64xf32, #tpu.memory_space<vmem>>
      %dma_start3A_63 = arith.constant 0 : i32
      %dma_start3A_64 = tpu.memref_slice %arg4[%shift_right_arithmetic3A_47, %and3A_49, %dma_start3A_63] : memref<125000x8x64xf32, #tpu.memory_space<hbm>> -> memref<1x1x64xf32, #tpu.memory_space<hbm>>
      %dma_start3A_65 = tpu.memref_squeeze %dma_start3A_64 : memref<1x1x64xf32, #tpu.memory_space<hbm>> -> memref<64xf32, #tpu.memory_space<hbm>>
      tpu.enqueue_dma source(%dma_start3A_65 : memref<64xf32, #tpu.memory_space<hbm>>) target(%dma_start3A_62 : memref<64xf32, #tpu.memory_space<vmem>>) target_semaphore(%arg10 : memref<!tpu.dma_semaphore, #tpu.memory_space<semaphore_mem>>)
      %slice3A_66 = vector.extract_strided_slice %get3A_26 {offsets = [2], sizes = [1], strides = [1]} : vector<16xi32> to vector<1xi32>
      %squeeze3A_67 = vector.extract %slice3A_66[0] : i32 from vector<1xi32>
      %shift_right_arithmetic3A_68 = arith.constant 3 : i32
      %shift_right_arithmetic3A_69 = arith.shrsi %squeeze3A_67, %shift_right_arithmetic3A_68 : i32
      %and3A_70 = arith.constant 7 : i32
      %and3A_71 = arith.andi %squeeze3A_67, %and3A_70 : i32
      %mul3A_72 = arith.constant 16 : i32
      %mul3A_73 = arith.muli %scan3A_22, %mul3A_72 : i32
      %add3A_74 = arith.constant 2 : i32
      %add3A_75 = arith.addi %mul3A_73, %add3A_74 : i32
      %dma_start3A_76 = arith.constant 0 : i32
      %dma_start3A_77 = tpu.memref_slice %arg9[%add3A_75, %dma_start3A_76] : memref<512x64xf32, #tpu.memory_space<vmem>> -> memref<1x64xf32, #tpu.memory_space<vmem>>
      %dma_start3A_78 = tpu.memref_squeeze %dma_start3A_77 : memref<1x64xf32, #tpu.memory_space<vmem>> -> memref<64xf32, #tpu.memory_space<vmem>>
      %dma_start3A_79 = arith.constant 0 : i32
      %dma_start3A_80 = tpu.memref_slice %arg4[%shift_right_arithmetic3A_69, %and3A_71, %dma_start3A_79] : memref<125000x8x64xf32, #tpu.memory_space<hbm>> -> memref<1x1x64xf32, #tpu.memory_space<hbm>>
      %dma_start3A_81 = tpu.memref_squeeze %dma_start3A_80 : memref<1x1x64xf32, #tpu.memory_space<hbm>> -> memref<64xf32, #tpu.memory_space<hbm>>
      %dma_start3A_82 = arith.constant 0 : i32
      %dma_start3A_83 = tpu.memref_slice %arg9[%add3A_75, %dma_start3A_82] : memref<512x64xf32, #tpu.memory_space<vmem>> -> memref<1x64xf32, #tpu.memory_space<vmem>>
      %dma_start3A_84 = tpu.memref_squeeze %dma_start3A_83 : memref<1x64xf32, #tpu.memory_space<vmem>> -> memref<64xf32, #tpu.memory_space<vmem>>
      %dma_start3A_85 = arith.constant 0 : i32
      %dma_start3A_86 = tpu.memref_slice %arg4[%shift_right_arithmetic3A_69, %and3A_71, %dma_start3A_85] : memref<125000x8x64xf32, #tpu.memory_space<hbm>> -> memref<1x1x64xf32, #tpu.memory_space<hbm>>
      %dma_start3A_87 = tpu.memref_squeeze %dma_start3A_86 : memref<1x1x64xf32, #tpu.memory_space<hbm>> -> memref<64xf32, #tpu.memory_space<hbm>>
      tpu.enqueue_dma source(%dma_start3A_87 : memref<64xf32, #tpu.memory_space<hbm>>) target(%dma_start3A_84 : memref<64xf32, #tpu.memory_space<vmem>>) target_semaphore(%arg10 : memref<!tpu.dma_semaphore, #tpu.memory_space<semaphore_mem>>)
      %slice3A_88 = vector.extract_strided_slice %get3A_26 {offsets = [3], sizes = [1], strides = [1]} : vector<16xi32> to vector<1xi32>
      %squeeze3A_89 = vector.extract %slice3A_88[0] : i32 from vector<1xi32>
      %shift_right_arithmetic3A_90 = arith.constant 3 : i32
      %shift_right_arithmetic3A_91 = arith.shrsi %squeeze3A_89, %shift_right_arithmetic3A_90 : i32
      %and3A_92 = arith.constant 7 : i32
      %and3A_93 = arith.andi %squeeze3A_89, %and3A_92 : i32
      %mul3A_94 = arith.constant 16 : i32
      %mul3A_95 = arith.muli %scan3A_22, %mul3A_94 : i32
      %add3A_96 = arith.constant 3 : i32
      %add3A_97 = arith.addi %mul3A_95, %add3A_96 : i32
      %dma_start3A_98 = arith.constant 0 : i32
      %dma_start3A_99 = tpu.memref_slice %arg9[%add3A_97, %dma_start3A_98] : memref<512x64xf32, #tpu.memory_space<vmem>> -> memref<1x64xf32, #tpu.memory_space<vmem>>
      %dma_start3A_100 = tpu.memref_squeeze %dma_start3A_99 : memref<1x64xf32, #tpu.memory_space<vmem>> -> memref<64xf32, #tpu.memory_space<vmem>>
      %dma_start3A_101 = arith.constant 0 : i32
      %dma_start3A_102 = tpu.memref_slice %arg4[%shift_right_arithmetic3A_91, %and3A_93, %dma_start3A_101] : memref<125000x8x64xf32, #tpu.memory_space<hbm>> -> memref<1x1x64xf32, #tpu.memory_space<hbm>>
      %dma_start3A_103 = tpu.memref_squeeze %dma_start3A_102 : memref<1x1x64xf32, #tpu.memory_space<hbm>> -> memref<64xf32, #tpu.memory_space<hbm>>
      %dma_start3A_104 = arith.constant 0 : i32
      %dma_start3A_105 = tpu.memref_slice %arg9[%add3A_97, %dma_start3A_104] : memref<512x64xf32, #tpu.memory_space<vmem>> -> memref<1x64xf32, #tpu.memory_space<vmem>>
      %dma_start3A_106 = tpu.memref_squeeze %dma_start3A_105 : memref<1x64xf32, #tpu.memory_space<vmem>> -> memref<64xf32, #tpu.memory_space<vmem>>
      %dma_start3A_107 = arith.constant 0 : i32
      %dma_start3A_108 = tpu.memref_slice %arg4[%shift_right_arithmetic3A_91, %and3A_93, %dma_start3A_107] : memref<125000x8x64xf32, #tpu.memory_space<hbm>> -> memref<1x1x64xf32, #tpu.memory_space<hbm>>
      %dma_start3A_109 = tpu.memref_squeeze %dma_start3A_108 : memref<1x1x64xf32, #tpu.memory_space<hbm>> -> memref<64xf32, #tpu.memory_space<hbm>>
      tpu.enqueue_dma source(%dma_start3A_109 : memref<64xf32, #tpu.memory_space<hbm>>) target(%dma_start3A_106 : memref<64xf32, #tpu.memory_space<vmem>>) target_semaphore(%arg10 : memref<!tpu.dma_semaphore, #tpu.memory_space<semaphore_mem>>)
      %slice3A_110 = vector.extract_strided_slice %get3A_26 {offsets = [4], sizes = [1], strides = [1]} : vector<16xi32> to vector<1xi32>
      %squeeze3A_111 = vector.extract %slice3A_110[0] : i32 from vector<1xi32>
      %shift_right_arithmetic3A_112 = arith.constant 3 : i32
      %shift_right_arithmetic3A_113 = arith.shrsi %squeeze3A_111, %shift_right_arithmetic3A_112 : i32
      %and3A_114 = arith.constant 7 : i32
      %and3A_115 = arith.andi %squeeze3A_111, %and3A_114 : i32
      %mul3A_116 = arith.constant 16 : i32
      %mul3A_117 = arith.muli %scan3A_22, %mul3A_116 : i32
      %add3A_118 = arith.constant 4 : i32
      %add3A_119 = arith.addi %mul3A_117, %add3A_118 : i32
      %dma_start3A_120 = arith.constant 0 : i32
      %dma_start3A_121 = tpu.memref_slice %arg9[%add3A_119, %dma_start3A_120] : memref<512x64xf32, #tpu.memory_space<vmem>> -> memref<1x64xf32, #tpu.memory_space<vmem>>
      %dma_start3A_122 = tpu.memref_squeeze %dma_start3A_121 : memref<1x64xf32, #tpu.memory_space<vmem>> -> memref<64xf32, #tpu.memory_space<vmem>>
      %dma_start3A_123 = arith.constant 0 : i32
      %dma_start3A_124 = tpu.memref_slice %arg4[%shift_right_arithmetic3A_113, %and3A_115, %dma_start3A_123] : memref<125000x8x64xf32, #tpu.memory_space<hbm>> -> memref<1x1x64xf32, #tpu.memory_space<hbm>>
      %dma_start3A_125 = tpu.memref_squeeze %dma_start3A_124 : memref<1x1x64xf32, #tpu.memory_space<hbm>> -> memref<64xf32, #tpu.memory_space<hbm>>
      %dma_start3A_126 = arith.constant 0 : i32
      %dma_start3A_127 = tpu.memref_slice %arg9[%add3A_119, %dma_start3A_126] : memref<512x64xf32, #tpu.memory_space<vmem>> -> memref<1x64xf32, #tpu.memory_space<vmem>>
      %dma_start3A_128 = tpu.memref_squeeze %dma_start3A_127 : memref<1x64xf32, #tpu.memory_space<vmem>> -> memref<64xf32, #tpu.memory_space<vmem>>
      %dma_start3A_129 = arith.constant 0 : i32
      %dma_start3A_130 = tpu.memref_slice %arg4[%shift_right_arithmetic3A_113, %and3A_115, %dma_start3A_129] : memref<125000x8x64xf32, #tpu.memory_space<hbm>> -> memref<1x1x64xf32, #tpu.memory_space<hbm>>
      %dma_start3A_131 = tpu.memref_squeeze %dma_start3A_130 : memref<1x1x64xf32, #tpu.memory_space<hbm>> -> memref<64xf32, #tpu.memory_space<hbm>>
      tpu.enqueue_dma source(%dma_start3A_131 : memref<64xf32, #tpu.memory_space<hbm>>) target(%dma_start3A_128 : memref<64xf32, #tpu.memory_space<vmem>>) target_semaphore(%arg10 : memref<!tpu.dma_semaphore, #tpu.memory_space<semaphore_mem>>)
      %slice3A_132 = vector.extract_strided_slice %get3A_26 {offsets = [5], sizes = [1], strides = [1]} : vector<16xi32> to vector<1xi32>
      %squeeze3A_133 = vector.extract %slice3A_132[0] : i32 from vector<1xi32>
      %shift_right_arithmetic3A_134 = arith.constant 3 : i32
      %shift_right_arithmetic3A_135 = arith.shrsi %squeeze3A_133, %shift_right_arithmetic3A_134 : i32
      %and3A_136 = arith.constant 7 : i32
      %and3A_137 = arith.andi %squeeze3A_133, %and3A_136 : i32
      %mul3A_138 = arith.constant 16 : i32
      %mul3A_139 = arith.muli %scan3A_22, %mul3A_138 : i32
      %add3A_140 = arith.constant 5 : i32
      %add3A_141 = arith.addi %mul3A_139, %add3A_140 : i32
      %dma_start3A_142 = arith.constant 0 : i32
      %dma_start3A_143 = tpu.memref_slice %arg9[%add3A_141, %dma_start3A_142] : memref<512x64xf32, #tpu.memory_space<vmem>> -> memref<1x64xf32, #tpu.memory_space<vmem>>
      %dma_start3A_144 = tpu.memref_squeeze %dma_start3A_143 : memref<1x64xf32, #tpu.memory_space<vmem>> -> memref<64xf32, #tpu.memory_space<vmem>>
      %dma_start3A_145 = arith.constant 0 : i32
      %dma_start3A_146 = tpu.memref_slice %arg4[%shift_right_arithmetic3A_135, %and3A_137, %dma_start3A_145] : memref<125000x8x64xf32, #tpu.memory_space<hbm>> -> memref<1x1x64xf32, #tpu.memory_space<hbm>>
      %dma_start3A_147 = tpu.memref_squeeze %dma_start3A_146 : memref<1x1x64xf32, #tpu.memory_space<hbm>> -> memref<64xf32, #tpu.memory_space<hbm>>
      %dma_start3A_148 = arith.constant 0 : i32
      %dma_start3A_149 = tpu.memref_slice %arg9[%add3A_141, %dma_start3A_148] : memref<512x64xf32, #tpu.memory_space<vmem>> -> memref<1x64xf32, #tpu.memory_space<vmem>>
      %dma_start3A_150 = tpu.memref_squeeze %dma_start3A_149 : memref<1x64xf32, #tpu.memory_space<vmem>> -> memref<64xf32, #tpu.memory_space<vmem>>
      %dma_start3A_151 = arith.constant 0 : i32
      %dma_start3A_152 = tpu.memref_slice %arg4[%shift_right_arithmetic3A_135, %and3A_137, %dma_start3A_151] : memref<125000x8x64xf32, #tpu.memory_space<hbm>> -> memref<1x1x64xf32, #tpu.memory_space<hbm>>
      %dma_start3A_153 = tpu.memref_squeeze %dma_start3A_152 : memref<1x1x64xf32, #tpu.memory_space<hbm>> -> memref<64xf32, #tpu.memory_space<hbm>>
      tpu.enqueue_dma source(%dma_start3A_153 : memref<64xf32, #tpu.memory_space<hbm>>) target(%dma_start3A_150 : memref<64xf32, #tpu.memory_space<vmem>>) target_semaphore(%arg10 : memref<!tpu.dma_semaphore, #tpu.memory_space<semaphore_mem>>)
      %slice3A_154 = vector.extract_strided_slice %get3A_26 {offsets = [6], sizes = [1], strides = [1]} : vector<16xi32> to vector<1xi32>
      %squeeze3A_155 = vector.extract %slice3A_154[0] : i32 from vector<1xi32>
      %shift_right_arithmetic3A_156 = arith.constant 3 : i32
      %shift_right_arithmetic3A_157 = arith.shrsi %squeeze3A_155, %shift_right_arithmetic3A_156 : i32
      %and3A_158 = arith.constant 7 : i32
      %and3A_159 = arith.andi %squeeze3A_155, %and3A_158 : i32
      %mul3A_160 = arith.constant 16 : i32
      %mul3A_161 = arith.muli %scan3A_22, %mul3A_160 : i32
      %add3A_162 = arith.constant 6 : i32
      %add3A_163 = arith.addi %mul3A_161, %add3A_162 : i32
      %dma_start3A_164 = arith.constant 0 : i32
      %dma_start3A_165 = tpu.memref_slice %arg9[%add3A_163, %dma_start3A_164] : memref<512x64xf32, #tpu.memory_space<vmem>> -> memref<1x64xf32, #tpu.memory_space<vmem>>
      %dma_start3A_166 = tpu.memref_squeeze %dma_start3A_165 : memref<1x64xf32, #tpu.memory_space<vmem>> -> memref<64xf32, #tpu.memory_space<vmem>>
      %dma_start3A_167 = arith.constant 0 : i32
      %dma_start3A_168 = tpu.memref_slice %arg4[%shift_right_arithmetic3A_157, %and3A_159, %dma_start3A_167] : memref<125000x8x64xf32, #tpu.memory_space<hbm>> -> memref<1x1x64xf32, #tpu.memory_space<hbm>>
      %dma_start3A_169 = tpu.memref_squeeze %dma_start3A_168 : memref<1x1x64xf32, #tpu.memory_space<hbm>> -> memref<64xf32, #tpu.memory_space<hbm>>
      %dma_start3A_170 = arith.constant 0 : i32
      %dma_start3A_171 = tpu.memref_slice %arg9[%add3A_163, %dma_start3A_170] : memref<512x64xf32, #tpu.memory_space<vmem>> -> memref<1x64xf32, #tpu.memory_space<vmem>>
      %dma_start3A_172 = tpu.memref_squeeze %dma_start3A_171 : memref<1x64xf32, #tpu.memory_space<vmem>> -> memref<64xf32, #tpu.memory_space<vmem>>
      %dma_start3A_173 = arith.constant 0 : i32
      %dma_start3A_174 = tpu.memref_slice %arg4[%shift_right_arithmetic3A_157, %and3A_159, %dma_start3A_173] : memref<125000x8x64xf32, #tpu.memory_space<hbm>> -> memref<1x1x64xf32, #tpu.memory_space<hbm>>
      %dma_start3A_175 = tpu.memref_squeeze %dma_start3A_174 : memref<1x1x64xf32, #tpu.memory_space<hbm>> -> memref<64xf32, #tpu.memory_space<hbm>>
      tpu.enqueue_dma source(%dma_start3A_175 : memref<64xf32, #tpu.memory_space<hbm>>) target(%dma_start3A_172 : memref<64xf32, #tpu.memory_space<vmem>>) target_semaphore(%arg10 : memref<!tpu.dma_semaphore, #tpu.memory_space<semaphore_mem>>)
      %slice3A_176 = vector.extract_strided_slice %get3A_26 {offsets = [7], sizes = [1], strides = [1]} : vector<16xi32> to vector<1xi32>
      %squeeze3A_177 = vector.extract %slice3A_176[0] : i32 from vector<1xi32>
      %shift_right_arithmetic3A_178 = arith.constant 3 : i32
      %shift_right_arithmetic3A_179 = arith.shrsi %squeeze3A_177, %shift_right_arithmetic3A_178 : i32
      %and3A_180 = arith.constant 7 : i32
      %and3A_181 = arith.andi %squeeze3A_177, %and3A_180 : i32
      %mul3A_182 = arith.constant 16 : i32
      %mul3A_183 = arith.muli %scan3A_22, %mul3A_182 : i32
      %add3A_184 = arith.constant 7 : i32
      %add3A_185 = arith.addi %mul3A_183, %add3A_184 : i32
      %dma_start3A_186 = arith.constant 0 : i32
      %dma_start3A_187 = tpu.memref_slice %arg9[%add3A_185, %dma_start3A_186] : memref<512x64xf32, #tpu.memory_space<vmem>> -> memref<1x64xf32, #tpu.memory_space<vmem>>
      %dma_start3A_188 = tpu.memref_squeeze %dma_start3A_187 : memref<1x64xf32, #tpu.memory_space<vmem>> -> memref<64xf32, #tpu.memory_space<vmem>>
      %dma_start3A_189 = arith.constant 0 : i32
      %dma_start3A_190 = tpu.memref_slice %arg4[%shift_right_arithmetic3A_179, %and3A_181, %dma_start3A_189] : memref<125000x8x64xf32, #tpu.memory_space<hbm>> -> memref<1x1x64xf32, #tpu.memory_space<hbm>>
      %dma_start3A_191 = tpu.memref_squeeze %dma_start3A_190 : memref<1x1x64xf32, #tpu.memory_space<hbm>> -> memref<64xf32, #tpu.memory_space<hbm>>
      %dma_start3A_192 = arith.constant 0 : i32
      %dma_start3A_193 = tpu.memref_slice %arg9[%add3A_185, %dma_start3A_192] : memref<512x64xf32, #tpu.memory_space<vmem>> -> memref<1x64xf32, #tpu.memory_space<vmem>>
      %dma_start3A_194 = tpu.memref_squeeze %dma_start3A_193 : memref<1x64xf32, #tpu.memory_space<vmem>> -> memref<64xf32, #tpu.memory_space<vmem>>
      %dma_start3A_195 = arith.constant 0 : i32
      %dma_start3A_196 = tpu.memref_slice %arg4[%shift_right_arithmetic3A_179, %and3A_181, %dma_start3A_195] : memref<125000x8x64xf32, #tpu.memory_space<hbm>> -> memref<1x1x64xf32, #tpu.memory_space<hbm>>
      %dma_start3A_197 = tpu.memref_squeeze %dma_start3A_196 : memref<1x1x64xf32, #tpu.memory_space<hbm>> -> memref<64xf32, #tpu.memory_space<hbm>>
      tpu.enqueue_dma source(%dma_start3A_197 : memref<64xf32, #tpu.memory_space<hbm>>) target(%dma_start3A_194 : memref<64xf32, #tpu.memory_space<vmem>>) target_semaphore(%arg10 : memref<!tpu.dma_semaphore, #tpu.memory_space<semaphore_mem>>)
      %slice3A_198 = vector.extract_strided_slice %get3A_26 {offsets = [8], sizes = [1], strides = [1]} : vector<16xi32> to vector<1xi32>
      %squeeze3A_199 = vector.extract %slice3A_198[0] : i32 from vector<1xi32>
      %shift_right_arithmetic3A_200 = arith.constant 3 : i32
      %shift_right_arithmetic3A_201 = arith.shrsi %squeeze3A_199, %shift_right_arithmetic3A_200 : i32
      %and3A_202 = arith.constant 7 : i32
      %and3A_203 = arith.andi %squeeze3A_199, %and3A_202 : i32
      %mul3A_204 = arith.constant 16 : i32
      %mul3A_205 = arith.muli %scan3A_22, %mul3A_204 : i32
      %add3A_206 = arith.constant 8 : i32
      %add3A_207 = arith.addi %mul3A_205, %add3A_206 : i32
      %dma_start3A_208 = arith.constant 0 : i32
      %dma_start3A_209 = tpu.memref_slice %arg9[%add3A_207, %dma_start3A_208] : memref<512x64xf32, #tpu.memory_space<vmem>> -> memref<1x64xf32, #tpu.memory_space<vmem>>
      %dma_start3A_210 = tpu.memref_squeeze %dma_start3A_209 : memref<1x64xf32, #tpu.memory_space<vmem>> -> memref<64xf32, #tpu.memory_space<vmem>>
      %dma_start3A_211 = arith.constant 0 : i32
      %dma_start3A_212 = tpu.memref_slice %arg4[%shift_right_arithmetic3A_201, %and3A_203, %dma_start3A_211] : memref<125000x8x64xf32, #tpu.memory_space<hbm>> -> memref<1x1x64xf32, #tpu.memory_space<hbm>>
      %dma_start3A_213 = tpu.memref_squeeze %dma_start3A_212 : memref<1x1x64xf32, #tpu.memory_space<hbm>> -> memref<64xf32, #tpu.memory_space<hbm>>
      %dma_start3A_214 = arith.constant 0 : i32
      %dma_start3A_215 = tpu.memref_slice %arg9[%add3A_207, %dma_start3A_214] : memref<512x64xf32, #tpu.memory_space<vmem>> -> memref<1x64xf32, #tpu.memory_space<vmem>>
      %dma_start3A_216 = tpu.memref_squeeze %dma_start3A_215 : memref<1x64xf32, #tpu.memory_space<vmem>> -> memref<64xf32, #tpu.memory_space<vmem>>
      %dma_start3A_217 = arith.constant 0 : i32
      %dma_start3A_218 = tpu.memref_slice %arg4[%shift_right_arithmetic3A_201, %and3A_203, %dma_start3A_217] : memref<125000x8x64xf32, #tpu.memory_space<hbm>> -> memref<1x1x64xf32, #tpu.memory_space<hbm>>
      %dma_start3A_219 = tpu.memref_squeeze %dma_start3A_218 : memref<1x1x64xf32, #tpu.memory_space<hbm>> -> memref<64xf32, #tpu.memory_space<hbm>>
      tpu.enqueue_dma source(%dma_start3A_219 : memref<64xf32, #tpu.memory_space<hbm>>) target(%dma_start3A_216 : memref<64xf32, #tpu.memory_space<vmem>>) target_semaphore(%arg10 : memref<!tpu.dma_semaphore, #tpu.memory_space<semaphore_mem>>)
      %slice3A_220 = vector.extract_strided_slice %get3A_26 {offsets = [9], sizes = [1], strides = [1]} : vector<16xi32> to vector<1xi32>
      %squeeze3A_221 = vector.extract %slice3A_220[0] : i32 from vector<1xi32>
      %shift_right_arithmetic3A_222 = arith.constant 3 : i32
      %shift_right_arithmetic3A_223 = arith.shrsi %squeeze3A_221, %shift_right_arithmetic3A_222 : i32
      %and3A_224 = arith.constant 7 : i32
      %and3A_225 = arith.andi %squeeze3A_221, %and3A_224 : i32
      %mul3A_226 = arith.constant 16 : i32
      %mul3A_227 = arith.muli %scan3A_22, %mul3A_226 : i32
      %add3A_228 = arith.constant 9 : i32
      %add3A_229 = arith.addi %mul3A_227, %add3A_228 : i32
      %dma_start3A_230 = arith.constant 0 : i32
      %dma_start3A_231 = tpu.memref_slice %arg9[%add3A_229, %dma_start3A_230] : memref<512x64xf32, #tpu.memory_space<vmem>> -> memref<1x64xf32, #tpu.memory_space<vmem>>
      %dma_start3A_232 = tpu.memref_squeeze %dma_start3A_231 : memref<1x64xf32, #tpu.memory_space<vmem>> -> memref<64xf32, #tpu.memory_space<vmem>>
      %dma_start3A_233 = arith.constant 0 : i32
      %dma_start3A_234 = tpu.memref_slice %arg4[%shift_right_arithmetic3A_223, %and3A_225, %dma_start3A_233] : memref<125000x8x64xf32, #tpu.memory_space<hbm>> -> memref<1x1x64xf32, #tpu.memory_space<hbm>>
      %dma_start3A_235 = tpu.memref_squeeze %dma_start3A_234 : memref<1x1x64xf32, #tpu.memory_space<hbm>> -> memref<64xf32, #tpu.memory_space<hbm>>
      %dma_start3A_236 = arith.constant 0 : i32
      %dma_start3A_237 = tpu.memref_slice %arg9[%add3A_229, %dma_start3A_236] : memref<512x64xf32, #tpu.memory_space<vmem>> -> memref<1x64xf32, #tpu.memory_space<vmem>>
      %dma_start3A_238 = tpu.memref_squeeze %dma_start3A_237 : memref<1x64xf32, #tpu.memory_space<vmem>> -> memref<64xf32, #tpu.memory_space<vmem>>
      %dma_start3A_239 = arith.constant 0 : i32
      %dma_start3A_240 = tpu.memref_slice %arg4[%shift_right_arithmetic3A_223, %and3A_225, %dma_start3A_239] : memref<125000x8x64xf32, #tpu.memory_space<hbm>> -> memref<1x1x64xf32, #tpu.memory_space<hbm>>
      %dma_start3A_241 = tpu.memref_squeeze %dma_start3A_240 : memref<1x1x64xf32, #tpu.memory_space<hbm>> -> memref<64xf32, #tpu.memory_space<hbm>>
      tpu.enqueue_dma source(%dma_start3A_241 : memref<64xf32, #tpu.memory_space<hbm>>) target(%dma_start3A_238 : memref<64xf32, #tpu.memory_space<vmem>>) target_semaphore(%arg10 : memref<!tpu.dma_semaphore, #tpu.memory_space<semaphore_mem>>)
      %slice3A_242 = vector.extract_strided_slice %get3A_26 {offsets = [10], sizes = [1], strides = [1]} : vector<16xi32> to vector<1xi32>
      %squeeze3A_243 = vector.extract %slice3A_242[0] : i32 from vector<1xi32>
      %shift_right_arithmetic3A_244 = arith.constant 3 : i32
      %shift_right_arithmetic3A_245 = arith.shrsi %squeeze3A_243, %shift_right_arithmetic3A_244 : i32
      %and3A_246 = arith.constant 7 : i32
      %and3A_247 = arith.andi %squeeze3A_243, %and3A_246 : i32
      %mul3A_248 = arith.constant 16 : i32
      %mul3A_249 = arith.muli %scan3A_22, %mul3A_248 : i32
      %add3A_250 = arith.constant 10 : i32
      %add3A_251 = arith.addi %mul3A_249, %add3A_250 : i32
      %dma_start3A_252 = arith.constant 0 : i32
      %dma_start3A_253 = tpu.memref_slice %arg9[%add3A_251, %dma_start3A_252] : memref<512x64xf32, #tpu.memory_space<vmem>> -> memref<1x64xf32, #tpu.memory_space<vmem>>
      %dma_start3A_254 = tpu.memref_squeeze %dma_start3A_253 : memref<1x64xf32, #tpu.memory_space<vmem>> -> memref<64xf32, #tpu.memory_space<vmem>>
      %dma_start3A_255 = arith.constant 0 : i32
      %dma_start3A_256 = tpu.memref_slice %arg4[%shift_right_arithmetic3A_245, %and3A_247, %dma_start3A_255] : memref<125000x8x64xf32, #tpu.memory_space<hbm>> -> memref<1x1x64xf32, #tpu.memory_space<hbm>>
      %dma_start3A_257 = tpu.memref_squeeze %dma_start3A_256 : memref<1x1x64xf32, #tpu.memory_space<hbm>> -> memref<64xf32, #tpu.memory_space<hbm>>
      %dma_start3A_258 = arith.constant 0 : i32
      %dma_start3A_259 = tpu.memref_slice %arg9[%add3A_251, %dma_start3A_258] : memref<512x64xf32, #tpu.memory_space<vmem>> -> memref<1x64xf32, #tpu.memory_space<vmem>>
      %dma_start3A_260 = tpu.memref_squeeze %dma_start3A_259 : memref<1x64xf32, #tpu.memory_space<vmem>> -> memref<64xf32, #tpu.memory_space<vmem>>
      %dma_start3A_261 = arith.constant 0 : i32
      %dma_start3A_262 = tpu.memref_slice %arg4[%shift_right_arithmetic3A_245, %and3A_247, %dma_start3A_261] : memref<125000x8x64xf32, #tpu.memory_space<hbm>> -> memref<1x1x64xf32, #tpu.memory_space<hbm>>
      %dma_start3A_263 = tpu.memref_squeeze %dma_start3A_262 : memref<1x1x64xf32, #tpu.memory_space<hbm>> -> memref<64xf32, #tpu.memory_space<hbm>>
      tpu.enqueue_dma source(%dma_start3A_263 : memref<64xf32, #tpu.memory_space<hbm>>) target(%dma_start3A_260 : memref<64xf32, #tpu.memory_space<vmem>>) target_semaphore(%arg10 : memref<!tpu.dma_semaphore, #tpu.memory_space<semaphore_mem>>)
      %slice3A_264 = vector.extract_strided_slice %get3A_26 {offsets = [11], sizes = [1], strides = [1]} : vector<16xi32> to vector<1xi32>
      %squeeze3A_265 = vector.extract %slice3A_264[0] : i32 from vector<1xi32>
      %shift_right_arithmetic3A_266 = arith.constant 3 : i32
      %shift_right_arithmetic3A_267 = arith.shrsi %squeeze3A_265, %shift_right_arithmetic3A_266 : i32
      %and3A_268 = arith.constant 7 : i32
      %and3A_269 = arith.andi %squeeze3A_265, %and3A_268 : i32
      %mul3A_270 = arith.constant 16 : i32
      %mul3A_271 = arith.muli %scan3A_22, %mul3A_270 : i32
      %add3A_272 = arith.constant 11 : i32
      %add3A_273 = arith.addi %mul3A_271, %add3A_272 : i32
      %dma_start3A_274 = arith.constant 0 : i32
      %dma_start3A_275 = tpu.memref_slice %arg9[%add3A_273, %dma_start3A_274] : memref<512x64xf32, #tpu.memory_space<vmem>> -> memref<1x64xf32, #tpu.memory_space<vmem>>
      %dma_start3A_276 = tpu.memref_squeeze %dma_start3A_275 : memref<1x64xf32, #tpu.memory_space<vmem>> -> memref<64xf32, #tpu.memory_space<vmem>>
      %dma_start3A_277 = arith.constant 0 : i32
      %dma_start3A_278 = tpu.memref_slice %arg4[%shift_right_arithmetic3A_267, %and3A_269, %dma_start3A_277] : memref<125000x8x64xf32, #tpu.memory_space<hbm>> -> memref<1x1x64xf32, #tpu.memory_space<hbm>>
      %dma_start3A_279 = tpu.memref_squeeze %dma_start3A_278 : memref<1x1x64xf32, #tpu.memory_space<hbm>> -> memref<64xf32, #tpu.memory_space<hbm>>
      %dma_start3A_280 = arith.constant 0 : i32
      %dma_start3A_281 = tpu.memref_slice %arg9[%add3A_273, %dma_start3A_280] : memref<512x64xf32, #tpu.memory_space<vmem>> -> memref<1x64xf32, #tpu.memory_space<vmem>>
      %dma_start3A_282 = tpu.memref_squeeze %dma_start3A_281 : memref<1x64xf32, #tpu.memory_space<vmem>> -> memref<64xf32, #tpu.memory_space<vmem>>
      %dma_start3A_283 = arith.constant 0 : i32
      %dma_start3A_284 = tpu.memref_slice %arg4[%shift_right_arithmetic3A_267, %and3A_269, %dma_start3A_283] : memref<125000x8x64xf32, #tpu.memory_space<hbm>> -> memref<1x1x64xf32, #tpu.memory_space<hbm>>
      %dma_start3A_285 = tpu.memref_squeeze %dma_start3A_284 : memref<1x1x64xf32, #tpu.memory_space<hbm>> -> memref<64xf32, #tpu.memory_space<hbm>>
      tpu.enqueue_dma source(%dma_start3A_285 : memref<64xf32, #tpu.memory_space<hbm>>) target(%dma_start3A_282 : memref<64xf32, #tpu.memory_space<vmem>>) target_semaphore(%arg10 : memref<!tpu.dma_semaphore, #tpu.memory_space<semaphore_mem>>)
      %slice3A_286 = vector.extract_strided_slice %get3A_26 {offsets = [12], sizes = [1], strides = [1]} : vector<16xi32> to vector<1xi32>
      %squeeze3A_287 = vector.extract %slice3A_286[0] : i32 from vector<1xi32>
      %shift_right_arithmetic3A_288 = arith.constant 3 : i32
      %shift_right_arithmetic3A_289 = arith.shrsi %squeeze3A_287, %shift_right_arithmetic3A_288 : i32
      %and3A_290 = arith.constant 7 : i32
      %and3A_291 = arith.andi %squeeze3A_287, %and3A_290 : i32
      %mul3A_292 = arith.constant 16 : i32
      %mul3A_293 = arith.muli %scan3A_22, %mul3A_292 : i32
      %add3A_294 = arith.constant 12 : i32
      %add3A_295 = arith.addi %mul3A_293, %add3A_294 : i32
      %dma_start3A_296 = arith.constant 0 : i32
      %dma_start3A_297 = tpu.memref_slice %arg9[%add3A_295, %dma_start3A_296] : memref<512x64xf32, #tpu.memory_space<vmem>> -> memref<1x64xf32, #tpu.memory_space<vmem>>
      %dma_start3A_298 = tpu.memref_squeeze %dma_start3A_297 : memref<1x64xf32, #tpu.memory_space<vmem>> -> memref<64xf32, #tpu.memory_space<vmem>>
      %dma_start3A_299 = arith.constant 0 : i32
      %dma_start3A_300 = tpu.memref_slice %arg4[%shift_right_arithmetic3A_289, %and3A_291, %dma_start3A_299] : memref<125000x8x64xf32, #tpu.memory_space<hbm>> -> memref<1x1x64xf32, #tpu.memory_space<hbm>>
      %dma_start3A_301 = tpu.memref_squeeze %dma_start3A_300 : memref<1x1x64xf32, #tpu.memory_space<hbm>> -> memref<64xf32, #tpu.memory_space<hbm>>
      %dma_start3A_302 = arith.constant 0 : i32
      %dma_start3A_303 = tpu.memref_slice %arg9[%add3A_295, %dma_start3A_302] : memref<512x64xf32, #tpu.memory_space<vmem>> -> memref<1x64xf32, #tpu.memory_space<vmem>>
      %dma_start3A_304 = tpu.memref_squeeze %dma_start3A_303 : memref<1x64xf32, #tpu.memory_space<vmem>> -> memref<64xf32, #tpu.memory_space<vmem>>
      %dma_start3A_305 = arith.constant 0 : i32
      %dma_start3A_306 = tpu.memref_slice %arg4[%shift_right_arithmetic3A_289, %and3A_291, %dma_start3A_305] : memref<125000x8x64xf32, #tpu.memory_space<hbm>> -> memref<1x1x64xf32, #tpu.memory_space<hbm>>
      %dma_start3A_307 = tpu.memref_squeeze %dma_start3A_306 : memref<1x1x64xf32, #tpu.memory_space<hbm>> -> memref<64xf32, #tpu.memory_space<hbm>>
      tpu.enqueue_dma source(%dma_start3A_307 : memref<64xf32, #tpu.memory_space<hbm>>) target(%dma_start3A_304 : memref<64xf32, #tpu.memory_space<vmem>>) target_semaphore(%arg10 : memref<!tpu.dma_semaphore, #tpu.memory_space<semaphore_mem>>)
      %slice3A_308 = vector.extract_strided_slice %get3A_26 {offsets = [13], sizes = [1], strides = [1]} : vector<16xi32> to vector<1xi32>
      %squeeze3A_309 = vector.extract %slice3A_308[0] : i32 from vector<1xi32>
      %shift_right_arithmetic3A_310 = arith.constant 3 : i32
      %shift_right_arithmetic3A_311 = arith.shrsi %squeeze3A_309, %shift_right_arithmetic3A_310 : i32
      %and3A_312 = arith.constant 7 : i32
      %and3A_313 = arith.andi %squeeze3A_309, %and3A_312 : i32
      %mul3A_314 = arith.constant 16 : i32
      %mul3A_315 = arith.muli %scan3A_22, %mul3A_314 : i32
      %add3A_316 = arith.constant 13 : i32
      %add3A_317 = arith.addi %mul3A_315, %add3A_316 : i32
      %dma_start3A_318 = arith.constant 0 : i32
      %dma_start3A_319 = tpu.memref_slice %arg9[%add3A_317, %dma_start3A_318] : memref<512x64xf32, #tpu.memory_space<vmem>> -> memref<1x64xf32, #tpu.memory_space<vmem>>
      %dma_start3A_320 = tpu.memref_squeeze %dma_start3A_319 : memref<1x64xf32, #tpu.memory_space<vmem>> -> memref<64xf32, #tpu.memory_space<vmem>>
      %dma_start3A_321 = arith.constant 0 : i32
      %dma_start3A_322 = tpu.memref_slice %arg4[%shift_right_arithmetic3A_311, %and3A_313, %dma_start3A_321] : memref<125000x8x64xf32, #tpu.memory_space<hbm>> -> memref<1x1x64xf32, #tpu.memory_space<hbm>>
      %dma_start3A_323 = tpu.memref_squeeze %dma_start3A_322 : memref<1x1x64xf32, #tpu.memory_space<hbm>> -> memref<64xf32, #tpu.memory_space<hbm>>
      %dma_start3A_324 = arith.constant 0 : i32
      %dma_start3A_325 = tpu.memref_slice %arg9[%add3A_317, %dma_start3A_324] : memref<512x64xf32, #tpu.memory_space<vmem>> -> memref<1x64xf32, #tpu.memory_space<vmem>>
      %dma_start3A_326 = tpu.memref_squeeze %dma_start3A_325 : memref<1x64xf32, #tpu.memory_space<vmem>> -> memref<64xf32, #tpu.memory_space<vmem>>
      %dma_start3A_327 = arith.constant 0 : i32
      %dma_start3A_328 = tpu.memref_slice %arg4[%shift_right_arithmetic3A_311, %and3A_313, %dma_start3A_327] : memref<125000x8x64xf32, #tpu.memory_space<hbm>> -> memref<1x1x64xf32, #tpu.memory_space<hbm>>
      %dma_start3A_329 = tpu.memref_squeeze %dma_start3A_328 : memref<1x1x64xf32, #tpu.memory_space<hbm>> -> memref<64xf32, #tpu.memory_space<hbm>>
      tpu.enqueue_dma source(%dma_start3A_329 : memref<64xf32, #tpu.memory_space<hbm>>) target(%dma_start3A_326 : memref<64xf32, #tpu.memory_space<vmem>>) target_semaphore(%arg10 : memref<!tpu.dma_semaphore, #tpu.memory_space<semaphore_mem>>)
      %slice3A_330 = vector.extract_strided_slice %get3A_26 {offsets = [14], sizes = [1], strides = [1]} : vector<16xi32> to vector<1xi32>
      %squeeze3A_331 = vector.extract %slice3A_330[0] : i32 from vector<1xi32>
      %shift_right_arithmetic3A_332 = arith.constant 3 : i32
      %shift_right_arithmetic3A_333 = arith.shrsi %squeeze3A_331, %shift_right_arithmetic3A_332 : i32
      %and3A_334 = arith.constant 7 : i32
      %and3A_335 = arith.andi %squeeze3A_331, %and3A_334 : i32
      %mul3A_336 = arith.constant 16 : i32
      %mul3A_337 = arith.muli %scan3A_22, %mul3A_336 : i32
      %add3A_338 = arith.constant 14 : i32
      %add3A_339 = arith.addi %mul3A_337, %add3A_338 : i32
      %dma_start3A_340 = arith.constant 0 : i32
      %dma_start3A_341 = tpu.memref_slice %arg9[%add3A_339, %dma_start3A_340] : memref<512x64xf32, #tpu.memory_space<vmem>> -> memref<1x64xf32, #tpu.memory_space<vmem>>
      %dma_start3A_342 = tpu.memref_squeeze %dma_start3A_341 : memref<1x64xf32, #tpu.memory_space<vmem>> -> memref<64xf32, #tpu.memory_space<vmem>>
      %dma_start3A_343 = arith.constant 0 : i32
      %dma_start3A_344 = tpu.memref_slice %arg4[%shift_right_arithmetic3A_333, %and3A_335, %dma_start3A_343] : memref<125000x8x64xf32, #tpu.memory_space<hbm>> -> memref<1x1x64xf32, #tpu.memory_space<hbm>>
      %dma_start3A_345 = tpu.memref_squeeze %dma_start3A_344 : memref<1x1x64xf32, #tpu.memory_space<hbm>> -> memref<64xf32, #tpu.memory_space<hbm>>
      %dma_start3A_346 = arith.constant 0 : i32
      %dma_start3A_347 = tpu.memref_slice %arg9[%add3A_339, %dma_start3A_346] : memref<512x64xf32, #tpu.memory_space<vmem>> -> memref<1x64xf32, #tpu.memory_space<vmem>>
      %dma_start3A_348 = tpu.memref_squeeze %dma_start3A_347 : memref<1x64xf32, #tpu.memory_space<vmem>> -> memref<64xf32, #tpu.memory_space<vmem>>
      %dma_start3A_349 = arith.constant 0 : i32
      %dma_start3A_350 = tpu.memref_slice %arg4[%shift_right_arithmetic3A_333, %and3A_335, %dma_start3A_349] : memref<125000x8x64xf32, #tpu.memory_space<hbm>> -> memref<1x1x64xf32, #tpu.memory_space<hbm>>
      %dma_start3A_351 = tpu.memref_squeeze %dma_start3A_350 : memref<1x1x64xf32, #tpu.memory_space<hbm>> -> memref<64xf32, #tpu.memory_space<hbm>>
      tpu.enqueue_dma source(%dma_start3A_351 : memref<64xf32, #tpu.memory_space<hbm>>) target(%dma_start3A_348 : memref<64xf32, #tpu.memory_space<vmem>>) target_semaphore(%arg10 : memref<!tpu.dma_semaphore, #tpu.memory_space<semaphore_mem>>)
      %slice3A_352 = vector.extract_strided_slice %get3A_26 {offsets = [15], sizes = [1], strides = [1]} : vector<16xi32> to vector<1xi32>
      %squeeze3A_353 = vector.extract %slice3A_352[0] : i32 from vector<1xi32>
      %shift_right_arithmetic3A_354 = arith.constant 3 : i32
      %shift_right_arithmetic3A_355 = arith.shrsi %squeeze3A_353, %shift_right_arithmetic3A_354 : i32
      %and3A_356 = arith.constant 7 : i32
      %and3A_357 = arith.andi %squeeze3A_353, %and3A_356 : i32
      %mul3A_358 = arith.constant 16 : i32
      %mul3A_359 = arith.muli %scan3A_22, %mul3A_358 : i32
      %add3A_360 = arith.constant 15 : i32
      %add3A_361 = arith.addi %mul3A_359, %add3A_360 : i32
      %dma_start3A_362 = arith.constant 0 : i32
      %dma_start3A_363 = tpu.memref_slice %arg9[%add3A_361, %dma_start3A_362] : memref<512x64xf32, #tpu.memory_space<vmem>> -> memref<1x64xf32, #tpu.memory_space<vmem>>
      %dma_start3A_364 = tpu.memref_squeeze %dma_start3A_363 : memref<1x64xf32, #tpu.memory_space<vmem>> -> memref<64xf32, #tpu.memory_space<vmem>>
      %dma_start3A_365 = arith.constant 0 : i32
      %dma_start3A_366 = tpu.memref_slice %arg4[%shift_right_arithmetic3A_355, %and3A_357, %dma_start3A_365] : memref<125000x8x64xf32, #tpu.memory_space<hbm>> -> memref<1x1x64xf32, #tpu.memory_space<hbm>>
      %dma_start3A_367 = tpu.memref_squeeze %dma_start3A_366 : memref<1x1x64xf32, #tpu.memory_space<hbm>> -> memref<64xf32, #tpu.memory_space<hbm>>
      %dma_start3A_368 = arith.constant 0 : i32
      %dma_start3A_369 = tpu.memref_slice %arg9[%add3A_361, %dma_start3A_368] : memref<512x64xf32, #tpu.memory_space<vmem>> -> memref<1x64xf32, #tpu.memory_space<vmem>>
      %dma_start3A_370 = tpu.memref_squeeze %dma_start3A_369 : memref<1x64xf32, #tpu.memory_space<vmem>> -> memref<64xf32, #tpu.memory_space<vmem>>
      %dma_start3A_371 = arith.constant 0 : i32
      %dma_start3A_372 = tpu.memref_slice %arg4[%shift_right_arithmetic3A_355, %and3A_357, %dma_start3A_371] : memref<125000x8x64xf32, #tpu.memory_space<hbm>> -> memref<1x1x64xf32, #tpu.memory_space<hbm>>
      %dma_start3A_373 = tpu.memref_squeeze %dma_start3A_372 : memref<1x1x64xf32, #tpu.memory_space<hbm>> -> memref<64xf32, #tpu.memory_space<hbm>>
      tpu.enqueue_dma source(%dma_start3A_373 : memref<64xf32, #tpu.memory_space<hbm>>) target(%dma_start3A_370 : memref<64xf32, #tpu.memory_space<vmem>>) target_semaphore(%arg10 : memref<!tpu.dma_semaphore, #tpu.memory_space<semaphore_mem>>)
    }
    %scan3A_6 = arith.constant 32 : i32
    %scan3A_7 = arith.constant 0 : i32
    %scan3A_8 = arith.constant 32 : i32
    %scan3A_9 = arith.addi %scan3A_7, %scan3A_8 : i32
    %scan3A_10 = arith.constant 1 : i32
    scf.for %scan3A_22 = %scan3A_7 to %scan3A_9 step %scan3A_10  : i32 {
      %dma_wait3A = arith.constant 0 : i32
      %dma_wait3A_23 = arith.constant 0 : i32
      %dma_wait3A_24 = arith.constant 0 : i32
      %dma_wait3A_25 = arith.constant 0 : i32
      %dma_wait3A_26 = tpu.memref_slice %arg9[%dma_wait3A_24, %dma_wait3A_25] : memref<512x64xf32, #tpu.memory_space<vmem>> -> memref<1x64xf32, #tpu.memory_space<vmem>>
      %dma_wait3A_27 = tpu.memref_squeeze %dma_wait3A_26 : memref<1x64xf32, #tpu.memory_space<vmem>> -> memref<64xf32, #tpu.memory_space<vmem>>
      %dma_wait3A_28 = arith.constant 0 : i32
      %dma_wait3A_29 = tpu.memref_slice %arg4[%dma_wait3A, %dma_wait3A_23, %dma_wait3A_28] : memref<125000x8x64xf32, #tpu.memory_space<hbm>> -> memref<1x1x64xf32, #tpu.memory_space<hbm>>
      %dma_wait3A_30 = tpu.memref_squeeze %dma_wait3A_29 : memref<1x1x64xf32, #tpu.memory_space<hbm>> -> memref<64xf32, #tpu.memory_space<hbm>>
      %dma_wait3A_31 = arith.constant 0 : i32
      %dma_wait3A_32 = tpu.memref_slice %arg9[%dma_wait3A_24, %dma_wait3A_31] : memref<512x64xf32, #tpu.memory_space<vmem>> -> memref<1x64xf32, #tpu.memory_space<vmem>>
      %dma_wait3A_33 = tpu.memref_squeeze %dma_wait3A_32 : memref<1x64xf32, #tpu.memory_space<vmem>> -> memref<64xf32, #tpu.memory_space<vmem>>
      %dma_wait3A_34 = arith.constant 0 : i32
      %dma_wait3A_35 = tpu.memref_slice %arg4[%dma_wait3A, %dma_wait3A_23, %dma_wait3A_34] : memref<125000x8x64xf32, #tpu.memory_space<hbm>> -> memref<1x1x64xf32, #tpu.memory_space<hbm>>
      %dma_wait3A_36 = tpu.memref_squeeze %dma_wait3A_35 : memref<1x1x64xf32, #tpu.memory_space<hbm>> -> memref<64xf32, #tpu.memory_space<hbm>>
      tpu.wait_dma2 semaphore(%arg10 : memref<!tpu.dma_semaphore, #tpu.memory_space<semaphore_mem>>) src(%dma_wait3A_36 : memref<64xf32, #tpu.memory_space<hbm>>) dst(%dma_wait3A_33 : memref<64xf32, #tpu.memory_space<vmem>>)
      %dma_wait3A_37 = arith.constant 0 : i32
      %dma_wait3A_38 = arith.constant 0 : i32
      %dma_wait3A_39 = arith.constant 0 : i32
      %dma_wait3A_40 = arith.constant 0 : i32
      %dma_wait3A_41 = tpu.memref_slice %arg9[%dma_wait3A_39, %dma_wait3A_40] : memref<512x64xf32, #tpu.memory_space<vmem>> -> memref<1x64xf32, #tpu.memory_space<vmem>>
      %dma_wait3A_42 = tpu.memref_squeeze %dma_wait3A_41 : memref<1x64xf32, #tpu.memory_space<vmem>> -> memref<64xf32, #tpu.memory_space<vmem>>
      %dma_wait3A_43 = arith.constant 0 : i32
      %dma_wait3A_44 = tpu.memref_slice %arg4[%dma_wait3A_37, %dma_wait3A_38, %dma_wait3A_43] : memref<125000x8x64xf32, #tpu.memory_space<hbm>> -> memref<1x1x64xf32, #tpu.memory_space<hbm>>
      %dma_wait3A_45 = tpu.memref_squeeze %dma_wait3A_44 : memref<1x1x64xf32, #tpu.memory_space<hbm>> -> memref<64xf32, #tpu.memory_space<hbm>>
      %dma_wait3A_46 = arith.constant 0 : i32
      %dma_wait3A_47 = tpu.memref_slice %arg9[%dma_wait3A_39, %dma_wait3A_46] : memref<512x64xf32, #tpu.memory_space<vmem>> -> memref<1x64xf32, #tpu.memory_space<vmem>>
      %dma_wait3A_48 = tpu.memref_squeeze %dma_wait3A_47 : memref<1x64xf32, #tpu.memory_space<vmem>> -> memref<64xf32, #tpu.memory_space<vmem>>
      %dma_wait3A_49 = arith.constant 0 : i32
      %dma_wait3A_50 = tpu.memref_slice %arg4[%dma_wait3A_37, %dma_wait3A_38, %dma_wait3A_49] : memref<125000x8x64xf32, #tpu.memory_space<hbm>> -> memref<1x1x64xf32, #tpu.memory_space<hbm>>
      %dma_wait3A_51 = tpu.memref_squeeze %dma_wait3A_50 : memref<1x1x64xf32, #tpu.memory_space<hbm>> -> memref<64xf32, #tpu.memory_space<hbm>>
      tpu.wait_dma2 semaphore(%arg10 : memref<!tpu.dma_semaphore, #tpu.memory_space<semaphore_mem>>) src(%dma_wait3A_51 : memref<64xf32, #tpu.memory_space<hbm>>) dst(%dma_wait3A_48 : memref<64xf32, #tpu.memory_space<vmem>>)
      %dma_wait3A_52 = arith.constant 0 : i32
      %dma_wait3A_53 = arith.constant 0 : i32
      %dma_wait3A_54 = arith.constant 0 : i32
      %dma_wait3A_55 = arith.constant 0 : i32
      %dma_wait3A_56 = tpu.memref_slice %arg9[%dma_wait3A_54, %dma_wait3A_55] : memref<512x64xf32, #tpu.memory_space<vmem>> -> memref<1x64xf32, #tpu.memory_space<vmem>>
      %dma_wait3A_57 = tpu.memref_squeeze %dma_wait3A_56 : memref<1x64xf32, #tpu.memory_space<vmem>> -> memref<64xf32, #tpu.memory_space<vmem>>
      %dma_wait3A_58 = arith.constant 0 : i32
      %dma_wait3A_59 = tpu.memref_slice %arg4[%dma_wait3A_52, %dma_wait3A_53, %dma_wait3A_58] : memref<125000x8x64xf32, #tpu.memory_space<hbm>> -> memref<1x1x64xf32, #tpu.memory_space<hbm>>
      %dma_wait3A_60 = tpu.memref_squeeze %dma_wait3A_59 : memref<1x1x64xf32, #tpu.memory_space<hbm>> -> memref<64xf32, #tpu.memory_space<hbm>>
      %dma_wait3A_61 = arith.constant 0 : i32
      %dma_wait3A_62 = tpu.memref_slice %arg9[%dma_wait3A_54, %dma_wait3A_61] : memref<512x64xf32, #tpu.memory_space<vmem>> -> memref<1x64xf32, #tpu.memory_space<vmem>>
      %dma_wait3A_63 = tpu.memref_squeeze %dma_wait3A_62 : memref<1x64xf32, #tpu.memory_space<vmem>> -> memref<64xf32, #tpu.memory_space<vmem>>
      %dma_wait3A_64 = arith.constant 0 : i32
      %dma_wait3A_65 = tpu.memref_slice %arg4[%dma_wait3A_52, %dma_wait3A_53, %dma_wait3A_64] : memref<125000x8x64xf32, #tpu.memory_space<hbm>> -> memref<1x1x64xf32, #tpu.memory_space<hbm>>
      %dma_wait3A_66 = tpu.memref_squeeze %dma_wait3A_65 : memref<1x1x64xf32, #tpu.memory_space<hbm>> -> memref<64xf32, #tpu.memory_space<hbm>>
      tpu.wait_dma2 semaphore(%arg10 : memref<!tpu.dma_semaphore, #tpu.memory_space<semaphore_mem>>) src(%dma_wait3A_66 : memref<64xf32, #tpu.memory_space<hbm>>) dst(%dma_wait3A_63 : memref<64xf32, #tpu.memory_space<vmem>>)
      %dma_wait3A_67 = arith.constant 0 : i32
      %dma_wait3A_68 = arith.constant 0 : i32
      %dma_wait3A_69 = arith.constant 0 : i32
      %dma_wait3A_70 = arith.constant 0 : i32
      %dma_wait3A_71 = tpu.memref_slice %arg9[%dma_wait3A_69, %dma_wait3A_70] : memref<512x64xf32, #tpu.memory_space<vmem>> -> memref<1x64xf32, #tpu.memory_space<vmem>>
      %dma_wait3A_72 = tpu.memref_squeeze %dma_wait3A_71 : memref<1x64xf32, #tpu.memory_space<vmem>> -> memref<64xf32, #tpu.memory_space<vmem>>
      %dma_wait3A_73 = arith.constant 0 : i32
      %dma_wait3A_74 = tpu.memref_slice %arg4[%dma_wait3A_67, %dma_wait3A_68, %dma_wait3A_73] : memref<125000x8x64xf32, #tpu.memory_space<hbm>> -> memref<1x1x64xf32, #tpu.memory_space<hbm>>
      %dma_wait3A_75 = tpu.memref_squeeze %dma_wait3A_74 : memref<1x1x64xf32, #tpu.memory_space<hbm>> -> memref<64xf32, #tpu.memory_space<hbm>>
      %dma_wait3A_76 = arith.constant 0 : i32
      %dma_wait3A_77 = tpu.memref_slice %arg9[%dma_wait3A_69, %dma_wait3A_76] : memref<512x64xf32, #tpu.memory_space<vmem>> -> memref<1x64xf32, #tpu.memory_space<vmem>>
      %dma_wait3A_78 = tpu.memref_squeeze %dma_wait3A_77 : memref<1x64xf32, #tpu.memory_space<vmem>> -> memref<64xf32, #tpu.memory_space<vmem>>
      %dma_wait3A_79 = arith.constant 0 : i32
      %dma_wait3A_80 = tpu.memref_slice %arg4[%dma_wait3A_67, %dma_wait3A_68, %dma_wait3A_79] : memref<125000x8x64xf32, #tpu.memory_space<hbm>> -> memref<1x1x64xf32, #tpu.memory_space<hbm>>
      %dma_wait3A_81 = tpu.memref_squeeze %dma_wait3A_80 : memref<1x1x64xf32, #tpu.memory_space<hbm>> -> memref<64xf32, #tpu.memory_space<hbm>>
      tpu.wait_dma2 semaphore(%arg10 : memref<!tpu.dma_semaphore, #tpu.memory_space<semaphore_mem>>) src(%dma_wait3A_81 : memref<64xf32, #tpu.memory_space<hbm>>) dst(%dma_wait3A_78 : memref<64xf32, #tpu.memory_space<vmem>>)
      %dma_wait3A_82 = arith.constant 0 : i32
      %dma_wait3A_83 = arith.constant 0 : i32
      %dma_wait3A_84 = arith.constant 0 : i32
      %dma_wait3A_85 = arith.constant 0 : i32
      %dma_wait3A_86 = tpu.memref_slice %arg9[%dma_wait3A_84, %dma_wait3A_85] : memref<512x64xf32, #tpu.memory_space<vmem>> -> memref<1x64xf32, #tpu.memory_space<vmem>>
      %dma_wait3A_87 = tpu.memref_squeeze %dma_wait3A_86 : memref<1x64xf32, #tpu.memory_space<vmem>> -> memref<64xf32, #tpu.memory_space<vmem>>
      %dma_wait3A_88 = arith.constant 0 : i32
      %dma_wait3A_89 = tpu.memref_slice %arg4[%dma_wait3A_82, %dma_wait3A_83, %dma_wait3A_88] : memref<125000x8x64xf32, #tpu.memory_space<hbm>> -> memref<1x1x64xf32, #tpu.memory_space<hbm>>
      %dma_wait3A_90 = tpu.memref_squeeze %dma_wait3A_89 : memref<1x1x64xf32, #tpu.memory_space<hbm>> -> memref<64xf32, #tpu.memory_space<hbm>>
      %dma_wait3A_91 = arith.constant 0 : i32
      %dma_wait3A_92 = tpu.memref_slice %arg9[%dma_wait3A_84, %dma_wait3A_91] : memref<512x64xf32, #tpu.memory_space<vmem>> -> memref<1x64xf32, #tpu.memory_space<vmem>>
      %dma_wait3A_93 = tpu.memref_squeeze %dma_wait3A_92 : memref<1x64xf32, #tpu.memory_space<vmem>> -> memref<64xf32, #tpu.memory_space<vmem>>
      %dma_wait3A_94 = arith.constant 0 : i32
      %dma_wait3A_95 = tpu.memref_slice %arg4[%dma_wait3A_82, %dma_wait3A_83, %dma_wait3A_94] : memref<125000x8x64xf32, #tpu.memory_space<hbm>> -> memref<1x1x64xf32, #tpu.memory_space<hbm>>
      %dma_wait3A_96 = tpu.memref_squeeze %dma_wait3A_95 : memref<1x1x64xf32, #tpu.memory_space<hbm>> -> memref<64xf32, #tpu.memory_space<hbm>>
      tpu.wait_dma2 semaphore(%arg10 : memref<!tpu.dma_semaphore, #tpu.memory_space<semaphore_mem>>) src(%dma_wait3A_96 : memref<64xf32, #tpu.memory_space<hbm>>) dst(%dma_wait3A_93 : memref<64xf32, #tpu.memory_space<vmem>>)
      %dma_wait3A_97 = arith.constant 0 : i32
      %dma_wait3A_98 = arith.constant 0 : i32
      %dma_wait3A_99 = arith.constant 0 : i32
      %dma_wait3A_100 = arith.constant 0 : i32
      %dma_wait3A_101 = tpu.memref_slice %arg9[%dma_wait3A_99, %dma_wait3A_100] : memref<512x64xf32, #tpu.memory_space<vmem>> -> memref<1x64xf32, #tpu.memory_space<vmem>>
      %dma_wait3A_102 = tpu.memref_squeeze %dma_wait3A_101 : memref<1x64xf32, #tpu.memory_space<vmem>> -> memref<64xf32, #tpu.memory_space<vmem>>
      %dma_wait3A_103 = arith.constant 0 : i32
      %dma_wait3A_104 = tpu.memref_slice %arg4[%dma_wait3A_97, %dma_wait3A_98, %dma_wait3A_103] : memref<125000x8x64xf32, #tpu.memory_space<hbm>> -> memref<1x1x64xf32, #tpu.memory_space<hbm>>
      %dma_wait3A_105 = tpu.memref_squeeze %dma_wait3A_104 : memref<1x1x64xf32, #tpu.memory_space<hbm>> -> memref<64xf32, #tpu.memory_space<hbm>>
      %dma_wait3A_106 = arith.constant 0 : i32
      %dma_wait3A_107 = tpu.memref_slice %arg9[%dma_wait3A_99, %dma_wait3A_106] : memref<512x64xf32, #tpu.memory_space<vmem>> -> memref<1x64xf32, #tpu.memory_space<vmem>>
      %dma_wait3A_108 = tpu.memref_squeeze %dma_wait3A_107 : memref<1x64xf32, #tpu.memory_space<vmem>> -> memref<64xf32, #tpu.memory_space<vmem>>
      %dma_wait3A_109 = arith.constant 0 : i32
      %dma_wait3A_110 = tpu.memref_slice %arg4[%dma_wait3A_97, %dma_wait3A_98, %dma_wait3A_109] : memref<125000x8x64xf32, #tpu.memory_space<hbm>> -> memref<1x1x64xf32, #tpu.memory_space<hbm>>
      %dma_wait3A_111 = tpu.memref_squeeze %dma_wait3A_110 : memref<1x1x64xf32, #tpu.memory_space<hbm>> -> memref<64xf32, #tpu.memory_space<hbm>>
      tpu.wait_dma2 semaphore(%arg10 : memref<!tpu.dma_semaphore, #tpu.memory_space<semaphore_mem>>) src(%dma_wait3A_111 : memref<64xf32, #tpu.memory_space<hbm>>) dst(%dma_wait3A_108 : memref<64xf32, #tpu.memory_space<vmem>>)
      %dma_wait3A_112 = arith.constant 0 : i32
      %dma_wait3A_113 = arith.constant 0 : i32
      %dma_wait3A_114 = arith.constant 0 : i32
      %dma_wait3A_115 = arith.constant 0 : i32
      %dma_wait3A_116 = tpu.memref_slice %arg9[%dma_wait3A_114, %dma_wait3A_115] : memref<512x64xf32, #tpu.memory_space<vmem>> -> memref<1x64xf32, #tpu.memory_space<vmem>>
      %dma_wait3A_117 = tpu.memref_squeeze %dma_wait3A_116 : memref<1x64xf32, #tpu.memory_space<vmem>> -> memref<64xf32, #tpu.memory_space<vmem>>
      %dma_wait3A_118 = arith.constant 0 : i32
      %dma_wait3A_119 = tpu.memref_slice %arg4[%dma_wait3A_112, %dma_wait3A_113, %dma_wait3A_118] : memref<125000x8x64xf32, #tpu.memory_space<hbm>> -> memref<1x1x64xf32, #tpu.memory_space<hbm>>
      %dma_wait3A_120 = tpu.memref_squeeze %dma_wait3A_119 : memref<1x1x64xf32, #tpu.memory_space<hbm>> -> memref<64xf32, #tpu.memory_space<hbm>>
      %dma_wait3A_121 = arith.constant 0 : i32
      %dma_wait3A_122 = tpu.memref_slice %arg9[%dma_wait3A_114, %dma_wait3A_121] : memref<512x64xf32, #tpu.memory_space<vmem>> -> memref<1x64xf32, #tpu.memory_space<vmem>>
      %dma_wait3A_123 = tpu.memref_squeeze %dma_wait3A_122 : memref<1x64xf32, #tpu.memory_space<vmem>> -> memref<64xf32, #tpu.memory_space<vmem>>
      %dma_wait3A_124 = arith.constant 0 : i32
      %dma_wait3A_125 = tpu.memref_slice %arg4[%dma_wait3A_112, %dma_wait3A_113, %dma_wait3A_124] : memref<125000x8x64xf32, #tpu.memory_space<hbm>> -> memref<1x1x64xf32, #tpu.memory_space<hbm>>
      %dma_wait3A_126 = tpu.memref_squeeze %dma_wait3A_125 : memref<1x1x64xf32, #tpu.memory_space<hbm>> -> memref<64xf32, #tpu.memory_space<hbm>>
      tpu.wait_dma2 semaphore(%arg10 : memref<!tpu.dma_semaphore, #tpu.memory_space<semaphore_mem>>) src(%dma_wait3A_126 : memref<64xf32, #tpu.memory_space<hbm>>) dst(%dma_wait3A_123 : memref<64xf32, #tpu.memory_space<vmem>>)
      %dma_wait3A_127 = arith.constant 0 : i32
      %dma_wait3A_128 = arith.constant 0 : i32
      %dma_wait3A_129 = arith.constant 0 : i32
      %dma_wait3A_130 = arith.constant 0 : i32
      %dma_wait3A_131 = tpu.memref_slice %arg9[%dma_wait3A_129, %dma_wait3A_130] : memref<512x64xf32, #tpu.memory_space<vmem>> -> memref<1x64xf32, #tpu.memory_space<vmem>>
      %dma_wait3A_132 = tpu.memref_squeeze %dma_wait3A_131 : memref<1x64xf32, #tpu.memory_space<vmem>> -> memref<64xf32, #tpu.memory_space<vmem>>
      %dma_wait3A_133 = arith.constant 0 : i32
      %dma_wait3A_134 = tpu.memref_slice %arg4[%dma_wait3A_127, %dma_wait3A_128, %dma_wait3A_133] : memref<125000x8x64xf32, #tpu.memory_space<hbm>> -> memref<1x1x64xf32, #tpu.memory_space<hbm>>
      %dma_wait3A_135 = tpu.memref_squeeze %dma_wait3A_134 : memref<1x1x64xf32, #tpu.memory_space<hbm>> -> memref<64xf32, #tpu.memory_space<hbm>>
      %dma_wait3A_136 = arith.constant 0 : i32
      %dma_wait3A_137 = tpu.memref_slice %arg9[%dma_wait3A_129, %dma_wait3A_136] : memref<512x64xf32, #tpu.memory_space<vmem>> -> memref<1x64xf32, #tpu.memory_space<vmem>>
      %dma_wait3A_138 = tpu.memref_squeeze %dma_wait3A_137 : memref<1x64xf32, #tpu.memory_space<vmem>> -> memref<64xf32, #tpu.memory_space<vmem>>
      %dma_wait3A_139 = arith.constant 0 : i32
      %dma_wait3A_140 = tpu.memref_slice %arg4[%dma_wait3A_127, %dma_wait3A_128, %dma_wait3A_139] : memref<125000x8x64xf32, #tpu.memory_space<hbm>> -> memref<1x1x64xf32, #tpu.memory_space<hbm>>
      %dma_wait3A_141 = tpu.memref_squeeze %dma_wait3A_140 : memref<1x1x64xf32, #tpu.memory_space<hbm>> -> memref<64xf32, #tpu.memory_space<hbm>>
      tpu.wait_dma2 semaphore(%arg10 : memref<!tpu.dma_semaphore, #tpu.memory_space<semaphore_mem>>) src(%dma_wait3A_141 : memref<64xf32, #tpu.memory_space<hbm>>) dst(%dma_wait3A_138 : memref<64xf32, #tpu.memory_space<vmem>>)
      %dma_wait3A_142 = arith.constant 0 : i32
      %dma_wait3A_143 = arith.constant 0 : i32
      %dma_wait3A_144 = arith.constant 0 : i32
      %dma_wait3A_145 = arith.constant 0 : i32
      %dma_wait3A_146 = tpu.memref_slice %arg9[%dma_wait3A_144, %dma_wait3A_145] : memref<512x64xf32, #tpu.memory_space<vmem>> -> memref<1x64xf32, #tpu.memory_space<vmem>>
      %dma_wait3A_147 = tpu.memref_squeeze %dma_wait3A_146 : memref<1x64xf32, #tpu.memory_space<vmem>> -> memref<64xf32, #tpu.memory_space<vmem>>
      %dma_wait3A_148 = arith.constant 0 : i32
      %dma_wait3A_149 = tpu.memref_slice %arg4[%dma_wait3A_142, %dma_wait3A_143, %dma_wait3A_148] : memref<125000x8x64xf32, #tpu.memory_space<hbm>> -> memref<1x1x64xf32, #tpu.memory_space<hbm>>
      %dma_wait3A_150 = tpu.memref_squeeze %dma_wait3A_149 : memref<1x1x64xf32, #tpu.memory_space<hbm>> -> memref<64xf32, #tpu.memory_space<hbm>>
      %dma_wait3A_151 = arith.constant 0 : i32
      %dma_wait3A_152 = tpu.memref_slice %arg9[%dma_wait3A_144, %dma_wait3A_151] : memref<512x64xf32, #tpu.memory_space<vmem>> -> memref<1x64xf32, #tpu.memory_space<vmem>>
      %dma_wait3A_153 = tpu.memref_squeeze %dma_wait3A_152 : memref<1x64xf32, #tpu.memory_space<vmem>> -> memref<64xf32, #tpu.memory_space<vmem>>
      %dma_wait3A_154 = arith.constant 0 : i32
      %dma_wait3A_155 = tpu.memref_slice %arg4[%dma_wait3A_142, %dma_wait3A_143, %dma_wait3A_154] : memref<125000x8x64xf32, #tpu.memory_space<hbm>> -> memref<1x1x64xf32, #tpu.memory_space<hbm>>
      %dma_wait3A_156 = tpu.memref_squeeze %dma_wait3A_155 : memref<1x1x64xf32, #tpu.memory_space<hbm>> -> memref<64xf32, #tpu.memory_space<hbm>>
      tpu.wait_dma2 semaphore(%arg10 : memref<!tpu.dma_semaphore, #tpu.memory_space<semaphore_mem>>) src(%dma_wait3A_156 : memref<64xf32, #tpu.memory_space<hbm>>) dst(%dma_wait3A_153 : memref<64xf32, #tpu.memory_space<vmem>>)
      %dma_wait3A_157 = arith.constant 0 : i32
      %dma_wait3A_158 = arith.constant 0 : i32
      %dma_wait3A_159 = arith.constant 0 : i32
      %dma_wait3A_160 = arith.constant 0 : i32
      %dma_wait3A_161 = tpu.memref_slice %arg9[%dma_wait3A_159, %dma_wait3A_160] : memref<512x64xf32, #tpu.memory_space<vmem>> -> memref<1x64xf32, #tpu.memory_space<vmem>>
      %dma_wait3A_162 = tpu.memref_squeeze %dma_wait3A_161 : memref<1x64xf32, #tpu.memory_space<vmem>> -> memref<64xf32, #tpu.memory_space<vmem>>
      %dma_wait3A_163 = arith.constant 0 : i32
      %dma_wait3A_164 = tpu.memref_slice %arg4[%dma_wait3A_157, %dma_wait3A_158, %dma_wait3A_163] : memref<125000x8x64xf32, #tpu.memory_space<hbm>> -> memref<1x1x64xf32, #tpu.memory_space<hbm>>
      %dma_wait3A_165 = tpu.memref_squeeze %dma_wait3A_164 : memref<1x1x64xf32, #tpu.memory_space<hbm>> -> memref<64xf32, #tpu.memory_space<hbm>>
      %dma_wait3A_166 = arith.constant 0 : i32
      %dma_wait3A_167 = tpu.memref_slice %arg9[%dma_wait3A_159, %dma_wait3A_166] : memref<512x64xf32, #tpu.memory_space<vmem>> -> memref<1x64xf32, #tpu.memory_space<vmem>>
      %dma_wait3A_168 = tpu.memref_squeeze %dma_wait3A_167 : memref<1x64xf32, #tpu.memory_space<vmem>> -> memref<64xf32, #tpu.memory_space<vmem>>
      %dma_wait3A_169 = arith.constant 0 : i32
      %dma_wait3A_170 = tpu.memref_slice %arg4[%dma_wait3A_157, %dma_wait3A_158, %dma_wait3A_169] : memref<125000x8x64xf32, #tpu.memory_space<hbm>> -> memref<1x1x64xf32, #tpu.memory_space<hbm>>
      %dma_wait3A_171 = tpu.memref_squeeze %dma_wait3A_170 : memref<1x1x64xf32, #tpu.memory_space<hbm>> -> memref<64xf32, #tpu.memory_space<hbm>>
      tpu.wait_dma2 semaphore(%arg10 : memref<!tpu.dma_semaphore, #tpu.memory_space<semaphore_mem>>) src(%dma_wait3A_171 : memref<64xf32, #tpu.memory_space<hbm>>) dst(%dma_wait3A_168 : memref<64xf32, #tpu.memory_space<vmem>>)
      %dma_wait3A_172 = arith.constant 0 : i32
      %dma_wait3A_173 = arith.constant 0 : i32
      %dma_wait3A_174 = arith.constant 0 : i32
      %dma_wait3A_175 = arith.constant 0 : i32
      %dma_wait3A_176 = tpu.memref_slice %arg9[%dma_wait3A_174, %dma_wait3A_175] : memref<512x64xf32, #tpu.memory_space<vmem>> -> memref<1x64xf32, #tpu.memory_space<vmem>>
      %dma_wait3A_177 = tpu.memref_squeeze %dma_wait3A_176 : memref<1x64xf32, #tpu.memory_space<vmem>> -> memref<64xf32, #tpu.memory_space<vmem>>
      %dma_wait3A_178 = arith.constant 0 : i32
      %dma_wait3A_179 = tpu.memref_slice %arg4[%dma_wait3A_172, %dma_wait3A_173, %dma_wait3A_178] : memref<125000x8x64xf32, #tpu.memory_space<hbm>> -> memref<1x1x64xf32, #tpu.memory_space<hbm>>
      %dma_wait3A_180 = tpu.memref_squeeze %dma_wait3A_179 : memref<1x1x64xf32, #tpu.memory_space<hbm>> -> memref<64xf32, #tpu.memory_space<hbm>>
      %dma_wait3A_181 = arith.constant 0 : i32
      %dma_wait3A_182 = tpu.memref_slice %arg9[%dma_wait3A_174, %dma_wait3A_181] : memref<512x64xf32, #tpu.memory_space<vmem>> -> memref<1x64xf32, #tpu.memory_space<vmem>>
      %dma_wait3A_183 = tpu.memref_squeeze %dma_wait3A_182 : memref<1x64xf32, #tpu.memory_space<vmem>> -> memref<64xf32, #tpu.memory_space<vmem>>
      %dma_wait3A_184 = arith.constant 0 : i32
      %dma_wait3A_185 = tpu.memref_slice %arg4[%dma_wait3A_172, %dma_wait3A_173, %dma_wait3A_184] : memref<125000x8x64xf32, #tpu.memory_space<hbm>> -> memref<1x1x64xf32, #tpu.memory_space<hbm>>
      %dma_wait3A_186 = tpu.memref_squeeze %dma_wait3A_185 : memref<1x1x64xf32, #tpu.memory_space<hbm>> -> memref<64xf32, #tpu.memory_space<hbm>>
      tpu.wait_dma2 semaphore(%arg10 : memref<!tpu.dma_semaphore, #tpu.memory_space<semaphore_mem>>) src(%dma_wait3A_186 : memref<64xf32, #tpu.memory_space<hbm>>) dst(%dma_wait3A_183 : memref<64xf32, #tpu.memory_space<vmem>>)
      %dma_wait3A_187 = arith.constant 0 : i32
      %dma_wait3A_188 = arith.constant 0 : i32
      %dma_wait3A_189 = arith.constant 0 : i32
      %dma_wait3A_190 = arith.constant 0 : i32
      %dma_wait3A_191 = tpu.memref_slice %arg9[%dma_wait3A_189, %dma_wait3A_190] : memref<512x64xf32, #tpu.memory_space<vmem>> -> memref<1x64xf32, #tpu.memory_space<vmem>>
      %dma_wait3A_192 = tpu.memref_squeeze %dma_wait3A_191 : memref<1x64xf32, #tpu.memory_space<vmem>> -> memref<64xf32, #tpu.memory_space<vmem>>
      %dma_wait3A_193 = arith.constant 0 : i32
      %dma_wait3A_194 = tpu.memref_slice %arg4[%dma_wait3A_187, %dma_wait3A_188, %dma_wait3A_193] : memref<125000x8x64xf32, #tpu.memory_space<hbm>> -> memref<1x1x64xf32, #tpu.memory_space<hbm>>
      %dma_wait3A_195 = tpu.memref_squeeze %dma_wait3A_194 : memref<1x1x64xf32, #tpu.memory_space<hbm>> -> memref<64xf32, #tpu.memory_space<hbm>>
      %dma_wait3A_196 = arith.constant 0 : i32
      %dma_wait3A_197 = tpu.memref_slice %arg9[%dma_wait3A_189, %dma_wait3A_196] : memref<512x64xf32, #tpu.memory_space<vmem>> -> memref<1x64xf32, #tpu.memory_space<vmem>>
      %dma_wait3A_198 = tpu.memref_squeeze %dma_wait3A_197 : memref<1x64xf32, #tpu.memory_space<vmem>> -> memref<64xf32, #tpu.memory_space<vmem>>
      %dma_wait3A_199 = arith.constant 0 : i32
      %dma_wait3A_200 = tpu.memref_slice %arg4[%dma_wait3A_187, %dma_wait3A_188, %dma_wait3A_199] : memref<125000x8x64xf32, #tpu.memory_space<hbm>> -> memref<1x1x64xf32, #tpu.memory_space<hbm>>
      %dma_wait3A_201 = tpu.memref_squeeze %dma_wait3A_200 : memref<1x1x64xf32, #tpu.memory_space<hbm>> -> memref<64xf32, #tpu.memory_space<hbm>>
      tpu.wait_dma2 semaphore(%arg10 : memref<!tpu.dma_semaphore, #tpu.memory_space<semaphore_mem>>) src(%dma_wait3A_201 : memref<64xf32, #tpu.memory_space<hbm>>) dst(%dma_wait3A_198 : memref<64xf32, #tpu.memory_space<vmem>>)
      %dma_wait3A_202 = arith.constant 0 : i32
      %dma_wait3A_203 = arith.constant 0 : i32
      %dma_wait3A_204 = arith.constant 0 : i32
      %dma_wait3A_205 = arith.constant 0 : i32
      %dma_wait3A_206 = tpu.memref_slice %arg9[%dma_wait3A_204, %dma_wait3A_205] : memref<512x64xf32, #tpu.memory_space<vmem>> -> memref<1x64xf32, #tpu.memory_space<vmem>>
      %dma_wait3A_207 = tpu.memref_squeeze %dma_wait3A_206 : memref<1x64xf32, #tpu.memory_space<vmem>> -> memref<64xf32, #tpu.memory_space<vmem>>
      %dma_wait3A_208 = arith.constant 0 : i32
      %dma_wait3A_209 = tpu.memref_slice %arg4[%dma_wait3A_202, %dma_wait3A_203, %dma_wait3A_208] : memref<125000x8x64xf32, #tpu.memory_space<hbm>> -> memref<1x1x64xf32, #tpu.memory_space<hbm>>
      %dma_wait3A_210 = tpu.memref_squeeze %dma_wait3A_209 : memref<1x1x64xf32, #tpu.memory_space<hbm>> -> memref<64xf32, #tpu.memory_space<hbm>>
      %dma_wait3A_211 = arith.constant 0 : i32
      %dma_wait3A_212 = tpu.memref_slice %arg9[%dma_wait3A_204, %dma_wait3A_211] : memref<512x64xf32, #tpu.memory_space<vmem>> -> memref<1x64xf32, #tpu.memory_space<vmem>>
      %dma_wait3A_213 = tpu.memref_squeeze %dma_wait3A_212 : memref<1x64xf32, #tpu.memory_space<vmem>> -> memref<64xf32, #tpu.memory_space<vmem>>
      %dma_wait3A_214 = arith.constant 0 : i32
      %dma_wait3A_215 = tpu.memref_slice %arg4[%dma_wait3A_202, %dma_wait3A_203, %dma_wait3A_214] : memref<125000x8x64xf32, #tpu.memory_space<hbm>> -> memref<1x1x64xf32, #tpu.memory_space<hbm>>
      %dma_wait3A_216 = tpu.memref_squeeze %dma_wait3A_215 : memref<1x1x64xf32, #tpu.memory_space<hbm>> -> memref<64xf32, #tpu.memory_space<hbm>>
      tpu.wait_dma2 semaphore(%arg10 : memref<!tpu.dma_semaphore, #tpu.memory_space<semaphore_mem>>) src(%dma_wait3A_216 : memref<64xf32, #tpu.memory_space<hbm>>) dst(%dma_wait3A_213 : memref<64xf32, #tpu.memory_space<vmem>>)
      %dma_wait3A_217 = arith.constant 0 : i32
      %dma_wait3A_218 = arith.constant 0 : i32
      %dma_wait3A_219 = arith.constant 0 : i32
      %dma_wait3A_220 = arith.constant 0 : i32
      %dma_wait3A_221 = tpu.memref_slice %arg9[%dma_wait3A_219, %dma_wait3A_220] : memref<512x64xf32, #tpu.memory_space<vmem>> -> memref<1x64xf32, #tpu.memory_space<vmem>>
      %dma_wait3A_222 = tpu.memref_squeeze %dma_wait3A_221 : memref<1x64xf32, #tpu.memory_space<vmem>> -> memref<64xf32, #tpu.memory_space<vmem>>
      %dma_wait3A_223 = arith.constant 0 : i32
      %dma_wait3A_224 = tpu.memref_slice %arg4[%dma_wait3A_217, %dma_wait3A_218, %dma_wait3A_223] : memref<125000x8x64xf32, #tpu.memory_space<hbm>> -> memref<1x1x64xf32, #tpu.memory_space<hbm>>
      %dma_wait3A_225 = tpu.memref_squeeze %dma_wait3A_224 : memref<1x1x64xf32, #tpu.memory_space<hbm>> -> memref<64xf32, #tpu.memory_space<hbm>>
      %dma_wait3A_226 = arith.constant 0 : i32
      %dma_wait3A_227 = tpu.memref_slice %arg9[%dma_wait3A_219, %dma_wait3A_226] : memref<512x64xf32, #tpu.memory_space<vmem>> -> memref<1x64xf32, #tpu.memory_space<vmem>>
      %dma_wait3A_228 = tpu.memref_squeeze %dma_wait3A_227 : memref<1x64xf32, #tpu.memory_space<vmem>> -> memref<64xf32, #tpu.memory_space<vmem>>
      %dma_wait3A_229 = arith.constant 0 : i32
      %dma_wait3A_230 = tpu.memref_slice %arg4[%dma_wait3A_217, %dma_wait3A_218, %dma_wait3A_229] : memref<125000x8x64xf32, #tpu.memory_space<hbm>> -> memref<1x1x64xf32, #tpu.memory_space<hbm>>
      %dma_wait3A_231 = tpu.memref_squeeze %dma_wait3A_230 : memref<1x1x64xf32, #tpu.memory_space<hbm>> -> memref<64xf32, #tpu.memory_space<hbm>>
      tpu.wait_dma2 semaphore(%arg10 : memref<!tpu.dma_semaphore, #tpu.memory_space<semaphore_mem>>) src(%dma_wait3A_231 : memref<64xf32, #tpu.memory_space<hbm>>) dst(%dma_wait3A_228 : memref<64xf32, #tpu.memory_space<vmem>>)
      %dma_wait3A_232 = arith.constant 0 : i32
      %dma_wait3A_233 = arith.constant 0 : i32
      %dma_wait3A_234 = arith.constant 0 : i32
      %dma_wait3A_235 = arith.constant 0 : i32
      %dma_wait3A_236 = tpu.memref_slice %arg9[%dma_wait3A_234, %dma_wait3A_235] : memref<512x64xf32, #tpu.memory_space<vmem>> -> memref<1x64xf32, #tpu.memory_space<vmem>>
      %dma_wait3A_237 = tpu.memref_squeeze %dma_wait3A_236 : memref<1x64xf32, #tpu.memory_space<vmem>> -> memref<64xf32, #tpu.memory_space<vmem>>
      %dma_wait3A_238 = arith.constant 0 : i32
      %dma_wait3A_239 = tpu.memref_slice %arg4[%dma_wait3A_232, %dma_wait3A_233, %dma_wait3A_238] : memref<125000x8x64xf32, #tpu.memory_space<hbm>> -> memref<1x1x64xf32, #tpu.memory_space<hbm>>
      %dma_wait3A_240 = tpu.memref_squeeze %dma_wait3A_239 : memref<1x1x64xf32, #tpu.memory_space<hbm>> -> memref<64xf32, #tpu.memory_space<hbm>>
      %dma_wait3A_241 = arith.constant 0 : i32
      %dma_wait3A_242 = tpu.memref_slice %arg9[%dma_wait3A_234, %dma_wait3A_241] : memref<512x64xf32, #tpu.memory_space<vmem>> -> memref<1x64xf32, #tpu.memory_space<vmem>>
      %dma_wait3A_243 = tpu.memref_squeeze %dma_wait3A_242 : memref<1x64xf32, #tpu.memory_space<vmem>> -> memref<64xf32, #tpu.memory_space<vmem>>
      %dma_wait3A_244 = arith.constant 0 : i32
      %dma_wait3A_245 = tpu.memref_slice %arg4[%dma_wait3A_232, %dma_wait3A_233, %dma_wait3A_244] : memref<125000x8x64xf32, #tpu.memory_space<hbm>> -> memref<1x1x64xf32, #tpu.memory_space<hbm>>
      %dma_wait3A_246 = tpu.memref_squeeze %dma_wait3A_245 : memref<1x1x64xf32, #tpu.memory_space<hbm>> -> memref<64xf32, #tpu.memory_space<hbm>>
      tpu.wait_dma2 semaphore(%arg10 : memref<!tpu.dma_semaphore, #tpu.memory_space<semaphore_mem>>) src(%dma_wait3A_246 : memref<64xf32, #tpu.memory_space<hbm>>) dst(%dma_wait3A_243 : memref<64xf32, #tpu.memory_space<vmem>>)
      %dma_wait3A_247 = arith.constant 0 : i32
      %dma_wait3A_248 = arith.constant 0 : i32
      %dma_wait3A_249 = arith.constant 0 : i32
      %dma_wait3A_250 = arith.constant 0 : i32
      %dma_wait3A_251 = tpu.memref_slice %arg9[%dma_wait3A_249, %dma_wait3A_250] : memref<512x64xf32, #tpu.memory_space<vmem>> -> memref<1x64xf32, #tpu.memory_space<vmem>>
      %dma_wait3A_252 = tpu.memref_squeeze %dma_wait3A_251 : memref<1x64xf32, #tpu.memory_space<vmem>> -> memref<64xf32, #tpu.memory_space<vmem>>
      %dma_wait3A_253 = arith.constant 0 : i32
      %dma_wait3A_254 = tpu.memref_slice %arg4[%dma_wait3A_247, %dma_wait3A_248, %dma_wait3A_253] : memref<125000x8x64xf32, #tpu.memory_space<hbm>> -> memref<1x1x64xf32, #tpu.memory_space<hbm>>
      %dma_wait3A_255 = tpu.memref_squeeze %dma_wait3A_254 : memref<1x1x64xf32, #tpu.memory_space<hbm>> -> memref<64xf32, #tpu.memory_space<hbm>>
      %dma_wait3A_256 = arith.constant 0 : i32
      %dma_wait3A_257 = tpu.memref_slice %arg9[%dma_wait3A_249, %dma_wait3A_256] : memref<512x64xf32, #tpu.memory_space<vmem>> -> memref<1x64xf32, #tpu.memory_space<vmem>>
      %dma_wait3A_258 = tpu.memref_squeeze %dma_wait3A_257 : memref<1x64xf32, #tpu.memory_space<vmem>> -> memref<64xf32, #tpu.memory_space<vmem>>
      %dma_wait3A_259 = arith.constant 0 : i32
      %dma_wait3A_260 = tpu.memref_slice %arg4[%dma_wait3A_247, %dma_wait3A_248, %dma_wait3A_259] : memref<125000x8x64xf32, #tpu.memory_space<hbm>> -> memref<1x1x64xf32, #tpu.memory_space<hbm>>
      %dma_wait3A_261 = tpu.memref_squeeze %dma_wait3A_260 : memref<1x1x64xf32, #tpu.memory_space<hbm>> -> memref<64xf32, #tpu.memory_space<hbm>>
      tpu.wait_dma2 semaphore(%arg10 : memref<!tpu.dma_semaphore, #tpu.memory_space<semaphore_mem>>) src(%dma_wait3A_261 : memref<64xf32, #tpu.memory_space<hbm>>) dst(%dma_wait3A_258 : memref<64xf32, #tpu.memory_space<vmem>>)
    }
    %scan3A_11 = arith.constant 32 : i32
    "tpu.region"() ({
      %run_scoped3A = tpu.sem_alloc : memref<!tpu.dma_semaphore, #tpu.memory_space<semaphore_mem>>
      %dma_start3A = arith.constant 0 : i32
      %dma_start3A_22 = tpu.memref_slice %arg6[%mul3A_2, %dma_start3A] : memref<16384x64xf32, #tpu.memory_space<hbm>> -> memref<512x64xf32, #tpu.memory_space<hbm>>
      %dma_start3A_23 = arith.constant 0 : i32
      %dma_start3A_24 = tpu.memref_slice %arg6[%mul3A_2, %dma_start3A_23] : memref<16384x64xf32, #tpu.memory_space<hbm>> -> memref<512x64xf32, #tpu.memory_space<hbm>>
      tpu.enqueue_dma source(%arg9 : memref<512x64xf32, #tpu.memory_space<vmem>>) target(%dma_start3A_24 : memref<512x64xf32, #tpu.memory_space<hbm>>) target_semaphore(%run_scoped3A : memref<!tpu.dma_semaphore, #tpu.memory_space<semaphore_mem>>)
      %dma_wait3A = arith.constant 0 : i32
      %dma_wait3A_25 = tpu.memref_slice %arg6[%mul3A_2, %dma_wait3A] : memref<16384x64xf32, #tpu.memory_space<hbm>> -> memref<512x64xf32, #tpu.memory_space<hbm>>
      %dma_wait3A_26 = arith.constant 0 : i32
      %dma_wait3A_27 = tpu.memref_slice %arg6[%mul3A_2, %dma_wait3A_26] : memref<16384x64xf32, #tpu.memory_space<hbm>> -> memref<512x64xf32, #tpu.memory_space<hbm>>
      tpu.wait_dma2 semaphore(%run_scoped3A : memref<!tpu.dma_semaphore, #tpu.memory_space<semaphore_mem>>) src(%arg9 : memref<512x64xf32, #tpu.memory_space<vmem>>) dst(%dma_wait3A_27 : memref<512x64xf32, #tpu.memory_space<hbm>>)
      tpu.yield
    }) : () -> ()
    "tpu.region"() ({
      %run_scoped3A = tpu.sem_alloc : memref<!tpu.dma_semaphore, #tpu.memory_space<semaphore_mem>>
      %dma_start3A = arith.constant 0 : i32
      %dma_start3A_22 = tpu.memref_slice %arg3[%add3A, %dma_start3A] : memref<32x512xi32, #tpu.memory_space<hbm>> -> memref<1x512xi32, #tpu.memory_space<hbm>>
      %dma_start3A_23 = tpu.memref_squeeze %dma_start3A_22 : memref<1x512xi32, #tpu.memory_space<hbm>> -> memref<512xi32, #tpu.memory_space<hbm>>
      %dma_start3A_24 = arith.constant 0 : i32
      %dma_start3A_25 = tpu.memref_slice %arg3[%add3A, %dma_start3A_24] : memref<32x512xi32, #tpu.memory_space<hbm>> -> memref<1x512xi32, #tpu.memory_space<hbm>>
      %dma_start3A_26 = tpu.memref_squeeze %dma_start3A_25 : memref<1x512xi32, #tpu.memory_space<hbm>> -> memref<512xi32, #tpu.memory_space<hbm>>
      tpu.enqueue_dma source(%dma_start3A_26 : memref<512xi32, #tpu.memory_space<hbm>>) target(%arg8 : memref<512xi32, #tpu.memory_space<vmem>>) target_semaphore(%run_scoped3A : memref<!tpu.dma_semaphore, #tpu.memory_space<semaphore_mem>>)
      %dma_wait3A = arith.constant 0 : i32
      %dma_wait3A_27 = tpu.memref_slice %arg3[%add3A, %dma_wait3A] : memref<32x512xi32, #tpu.memory_space<hbm>> -> memref<1x512xi32, #tpu.memory_space<hbm>>
      %dma_wait3A_28 = tpu.memref_squeeze %dma_wait3A_27 : memref<1x512xi32, #tpu.memory_space<hbm>> -> memref<512xi32, #tpu.memory_space<hbm>>
      %dma_wait3A_29 = arith.constant 0 : i32
      %dma_wait3A_30 = tpu.memref_slice %arg3[%add3A, %dma_wait3A_29] : memref<32x512xi32, #tpu.memory_space<hbm>> -> memref<1x512xi32, #tpu.memory_space<hbm>>
      %dma_wait3A_31 = tpu.memref_squeeze %dma_wait3A_30 : memref<1x512xi32, #tpu.memory_space<hbm>> -> memref<512xi32, #tpu.memory_space<hbm>>
      tpu.wait_dma2 semaphore(%run_scoped3A : memref<!tpu.dma_semaphore, #tpu.memory_space<semaphore_mem>>) src(%dma_wait3A_31 : memref<512xi32, #tpu.memory_space<hbm>>) dst(%arg8 : memref<512xi32, #tpu.memory_space<vmem>>)
      tpu.yield
    }) : () -> ()
    %scan3A_12 = arith.constant 0 : i32
    %scan3A_13 = arith.constant 32 : i32
    %scan3A_14 = arith.addi %scan3A_12, %scan3A_13 : i32
    %scan3A_15 = arith.constant 1 : i32
    scf.for %scan3A_22 = %scan3A_12 to %scan3A_14 step %scan3A_15  : i32 {
      %mul3A_23 = arith.constant 16 : i32
      %mul3A_24 = arith.muli %scan3A_22, %mul3A_23 : i32
      %multiple_of3A = tpu.assume_multiple %mul3A_24, 16 : i32
      %get3A = arith.index_cast %multiple_of3A : i32 to index
      %get3A_25 = tpu.vector_load %arg8[%get3A] {strides = array<i32>} : memref<512xi32, #tpu.memory_space<vmem>>, vector<16xi32>,
      %get3A_26 = vector.shape_cast %get3A_25 : vector<16xi32> to vector<16xi32>
      %slice3A = vector.extract_strided_slice %get3A_26 {offsets = [0], sizes = [1], strides = [1]} : vector<16xi32> to vector<1xi32>
      %squeeze3A = vector.extract %slice3A[0] : i32 from vector<1xi32>
      %shift_right_arithmetic3A = arith.constant 3 : i32
      %shift_right_arithmetic3A_27 = arith.shrsi %squeeze3A, %shift_right_arithmetic3A : i32
      %and3A = arith.constant 7 : i32
      %and3A_28 = arith.andi %squeeze3A, %and3A : i32
      %mul3A_29 = arith.constant 16 : i32
      %mul3A_30 = arith.muli %scan3A_22, %mul3A_29 : i32
      %add3A_31 = arith.constant 0 : i32
      %add3A_32 = arith.addi %mul3A_30, %add3A_31 : i32
      %dma_start3A = arith.constant 0 : i32
      %dma_start3A_33 = tpu.memref_slice %arg9[%add3A_32, %dma_start3A] : memref<512x64xf32, #tpu.memory_space<vmem>> -> memref<1x64xf32, #tpu.memory_space<vmem>>
      %dma_start3A_34 = tpu.memref_squeeze %dma_start3A_33 : memref<1x64xf32, #tpu.memory_space<vmem>> -> memref<64xf32, #tpu.memory_space<vmem>>
      %dma_start3A_35 = arith.constant 0 : i32
      %dma_start3A_36 = tpu.memref_slice %arg5[%shift_right_arithmetic3A_27, %and3A_28, %dma_start3A_35] : memref<125000x8x64xf32, #tpu.memory_space<hbm>> -> memref<1x1x64xf32, #tpu.memory_space<hbm>>
      %dma_start3A_37 = tpu.memref_squeeze %dma_start3A_36 : memref<1x1x64xf32, #tpu.memory_space<hbm>> -> memref<64xf32, #tpu.memory_space<hbm>>
      %dma_start3A_38 = arith.constant 0 : i32
      %dma_start3A_39 = tpu.memref_slice %arg9[%add3A_32, %dma_start3A_38] : memref<512x64xf32, #tpu.memory_space<vmem>> -> memref<1x64xf32, #tpu.memory_space<vmem>>
      %dma_start3A_40 = tpu.memref_squeeze %dma_start3A_39 : memref<1x64xf32, #tpu.memory_space<vmem>> -> memref<64xf32, #tpu.memory_space<vmem>>
      %dma_start3A_41 = arith.constant 0 : i32
      %dma_start3A_42 = tpu.memref_slice %arg5[%shift_right_arithmetic3A_27, %and3A_28, %dma_start3A_41] : memref<125000x8x64xf32, #tpu.memory_space<hbm>> -> memref<1x1x64xf32, #tpu.memory_space<hbm>>
      %dma_start3A_43 = tpu.memref_squeeze %dma_start3A_42 : memref<1x1x64xf32, #tpu.memory_space<hbm>> -> memref<64xf32, #tpu.memory_space<hbm>>
      tpu.enqueue_dma source(%dma_start3A_43 : memref<64xf32, #tpu.memory_space<hbm>>) target(%dma_start3A_40 : memref<64xf32, #tpu.memory_space<vmem>>) target_semaphore(%arg10 : memref<!tpu.dma_semaphore, #tpu.memory_space<semaphore_mem>>)
      %slice3A_44 = vector.extract_strided_slice %get3A_26 {offsets = [1], sizes = [1], strides = [1]} : vector<16xi32> to vector<1xi32>
      %squeeze3A_45 = vector.extract %slice3A_44[0] : i32 from vector<1xi32>
      %shift_right_arithmetic3A_46 = arith.constant 3 : i32
      %shift_right_arithmetic3A_47 = arith.shrsi %squeeze3A_45, %shift_right_arithmetic3A_46 : i32
      %and3A_48 = arith.constant 7 : i32
      %and3A_49 = arith.andi %squeeze3A_45, %and3A_48 : i32
      %mul3A_50 = arith.constant 16 : i32
      %mul3A_51 = arith.muli %scan3A_22, %mul3A_50 : i32
      %add3A_52 = arith.constant 1 : i32
      %add3A_53 = arith.addi %mul3A_51, %add3A_52 : i32
      %dma_start3A_54 = arith.constant 0 : i32
      %dma_start3A_55 = tpu.memref_slice %arg9[%add3A_53, %dma_start3A_54] : memref<512x64xf32, #tpu.memory_space<vmem>> -> memref<1x64xf32, #tpu.memory_space<vmem>>
      %dma_start3A_56 = tpu.memref_squeeze %dma_start3A_55 : memref<1x64xf32, #tpu.memory_space<vmem>> -> memref<64xf32, #tpu.memory_space<vmem>>
      %dma_start3A_57 = arith.constant 0 : i32
      %dma_start3A_58 = tpu.memref_slice %arg5[%shift_right_arithmetic3A_47, %and3A_49, %dma_start3A_57] : memref<125000x8x64xf32, #tpu.memory_space<hbm>> -> memref<1x1x64xf32, #tpu.memory_space<hbm>>
      %dma_start3A_59 = tpu.memref_squeeze %dma_start3A_58 : memref<1x1x64xf32, #tpu.memory_space<hbm>> -> memref<64xf32, #tpu.memory_space<hbm>>
      %dma_start3A_60 = arith.constant 0 : i32
      %dma_start3A_61 = tpu.memref_slice %arg9[%add3A_53, %dma_start3A_60] : memref<512x64xf32, #tpu.memory_space<vmem>> -> memref<1x64xf32, #tpu.memory_space<vmem>>
      %dma_start3A_62 = tpu.memref_squeeze %dma_start3A_61 : memref<1x64xf32, #tpu.memory_space<vmem>> -> memref<64xf32, #tpu.memory_space<vmem>>
      %dma_start3A_63 = arith.constant 0 : i32
      %dma_start3A_64 = tpu.memref_slice %arg5[%shift_right_arithmetic3A_47, %and3A_49, %dma_start3A_63] : memref<125000x8x64xf32, #tpu.memory_space<hbm>> -> memref<1x1x64xf32, #tpu.memory_space<hbm>>
      %dma_start3A_65 = tpu.memref_squeeze %dma_start3A_64 : memref<1x1x64xf32, #tpu.memory_space<hbm>> -> memref<64xf32, #tpu.memory_space<hbm>>
      tpu.enqueue_dma source(%dma_start3A_65 : memref<64xf32, #tpu.memory_space<hbm>>) target(%dma_start3A_62 : memref<64xf32, #tpu.memory_space<vmem>>) target_semaphore(%arg10 : memref<!tpu.dma_semaphore, #tpu.memory_space<semaphore_mem>>)
      %slice3A_66 = vector.extract_strided_slice %get3A_26 {offsets = [2], sizes = [1], strides = [1]} : vector<16xi32> to vector<1xi32>
      %squeeze3A_67 = vector.extract %slice3A_66[0] : i32 from vector<1xi32>
      %shift_right_arithmetic3A_68 = arith.constant 3 : i32
      %shift_right_arithmetic3A_69 = arith.shrsi %squeeze3A_67, %shift_right_arithmetic3A_68 : i32
      %and3A_70 = arith.constant 7 : i32
      %and3A_71 = arith.andi %squeeze3A_67, %and3A_70 : i32
      %mul3A_72 = arith.constant 16 : i32
      %mul3A_73 = arith.muli %scan3A_22, %mul3A_72 : i32
      %add3A_74 = arith.constant 2 : i32
      %add3A_75 = arith.addi %mul3A_73, %add3A_74 : i32
      %dma_start3A_76 = arith.constant 0 : i32
      %dma_start3A_77 = tpu.memref_slice %arg9[%add3A_75, %dma_start3A_76] : memref<512x64xf32, #tpu.memory_space<vmem>> -> memref<1x64xf32, #tpu.memory_space<vmem>>
      %dma_start3A_78 = tpu.memref_squeeze %dma_start3A_77 : memref<1x64xf32, #tpu.memory_space<vmem>> -> memref<64xf32, #tpu.memory_space<vmem>>
      %dma_start3A_79 = arith.constant 0 : i32
      %dma_start3A_80 = tpu.memref_slice %arg5[%shift_right_arithmetic3A_69, %and3A_71, %dma_start3A_79] : memref<125000x8x64xf32, #tpu.memory_space<hbm>> -> memref<1x1x64xf32, #tpu.memory_space<hbm>>
      %dma_start3A_81 = tpu.memref_squeeze %dma_start3A_80 : memref<1x1x64xf32, #tpu.memory_space<hbm>> -> memref<64xf32, #tpu.memory_space<hbm>>
      %dma_start3A_82 = arith.constant 0 : i32
      %dma_start3A_83 = tpu.memref_slice %arg9[%add3A_75, %dma_start3A_82] : memref<512x64xf32, #tpu.memory_space<vmem>> -> memref<1x64xf32, #tpu.memory_space<vmem>>
      %dma_start3A_84 = tpu.memref_squeeze %dma_start3A_83 : memref<1x64xf32, #tpu.memory_space<vmem>> -> memref<64xf32, #tpu.memory_space<vmem>>
      %dma_start3A_85 = arith.constant 0 : i32
      %dma_start3A_86 = tpu.memref_slice %arg5[%shift_right_arithmetic3A_69, %and3A_71, %dma_start3A_85] : memref<125000x8x64xf32, #tpu.memory_space<hbm>> -> memref<1x1x64xf32, #tpu.memory_space<hbm>>
      %dma_start3A_87 = tpu.memref_squeeze %dma_start3A_86 : memref<1x1x64xf32, #tpu.memory_space<hbm>> -> memref<64xf32, #tpu.memory_space<hbm>>
      tpu.enqueue_dma source(%dma_start3A_87 : memref<64xf32, #tpu.memory_space<hbm>>) target(%dma_start3A_84 : memref<64xf32, #tpu.memory_space<vmem>>) target_semaphore(%arg10 : memref<!tpu.dma_semaphore, #tpu.memory_space<semaphore_mem>>)
      %slice3A_88 = vector.extract_strided_slice %get3A_26 {offsets = [3], sizes = [1], strides = [1]} : vector<16xi32> to vector<1xi32>
      %squeeze3A_89 = vector.extract %slice3A_88[0] : i32 from vector<1xi32>
      %shift_right_arithmetic3A_90 = arith.constant 3 : i32
      %shift_right_arithmetic3A_91 = arith.shrsi %squeeze3A_89, %shift_right_arithmetic3A_90 : i32
      %and3A_92 = arith.constant 7 : i32
      %and3A_93 = arith.andi %squeeze3A_89, %and3A_92 : i32
      %mul3A_94 = arith.constant 16 : i32
      %mul3A_95 = arith.muli %scan3A_22, %mul3A_94 : i32
      %add3A_96 = arith.constant 3 : i32
      %add3A_97 = arith.addi %mul3A_95, %add3A_96 : i32
      %dma_start3A_98 = arith.constant 0 : i32
      %dma_start3A_99 = tpu.memref_slice %arg9[%add3A_97, %dma_start3A_98] : memref<512x64xf32, #tpu.memory_space<vmem>> -> memref<1x64xf32, #tpu.memory_space<vmem>>
      %dma_start3A_100 = tpu.memref_squeeze %dma_start3A_99 : memref<1x64xf32, #tpu.memory_space<vmem>> -> memref<64xf32, #tpu.memory_space<vmem>>
      %dma_start3A_101 = arith.constant 0 : i32
      %dma_start3A_102 = tpu.memref_slice %arg5[%shift_right_arithmetic3A_91, %and3A_93, %dma_start3A_101] : memref<125000x8x64xf32, #tpu.memory_space<hbm>> -> memref<1x1x64xf32, #tpu.memory_space<hbm>>
      %dma_start3A_103 = tpu.memref_squeeze %dma_start3A_102 : memref<1x1x64xf32, #tpu.memory_space<hbm>> -> memref<64xf32, #tpu.memory_space<hbm>>
      %dma_start3A_104 = arith.constant 0 : i32
      %dma_start3A_105 = tpu.memref_slice %arg9[%add3A_97, %dma_start3A_104] : memref<512x64xf32, #tpu.memory_space<vmem>> -> memref<1x64xf32, #tpu.memory_space<vmem>>
      %dma_start3A_106 = tpu.memref_squeeze %dma_start3A_105 : memref<1x64xf32, #tpu.memory_space<vmem>> -> memref<64xf32, #tpu.memory_space<vmem>>
      %dma_start3A_107 = arith.constant 0 : i32
      %dma_start3A_108 = tpu.memref_slice %arg5[%shift_right_arithmetic3A_91, %and3A_93, %dma_start3A_107] : memref<125000x8x64xf32, #tpu.memory_space<hbm>> -> memref<1x1x64xf32, #tpu.memory_space<hbm>>
      %dma_start3A_109 = tpu.memref_squeeze %dma_start3A_108 : memref<1x1x64xf32, #tpu.memory_space<hbm>> -> memref<64xf32, #tpu.memory_space<hbm>>
      tpu.enqueue_dma source(%dma_start3A_109 : memref<64xf32, #tpu.memory_space<hbm>>) target(%dma_start3A_106 : memref<64xf32, #tpu.memory_space<vmem>>) target_semaphore(%arg10 : memref<!tpu.dma_semaphore, #tpu.memory_space<semaphore_mem>>)
      %slice3A_110 = vector.extract_strided_slice %get3A_26 {offsets = [4], sizes = [1], strides = [1]} : vector<16xi32> to vector<1xi32>
      %squeeze3A_111 = vector.extract %slice3A_110[0] : i32 from vector<1xi32>
      %shift_right_arithmetic3A_112 = arith.constant 3 : i32
      %shift_right_arithmetic3A_113 = arith.shrsi %squeeze3A_111, %shift_right_arithmetic3A_112 : i32
      %and3A_114 = arith.constant 7 : i32
      %and3A_115 = arith.andi %squeeze3A_111, %and3A_114 : i32
      %mul3A_116 = arith.constant 16 : i32
      %mul3A_117 = arith.muli %scan3A_22, %mul3A_116 : i32
      %add3A_118 = arith.constant 4 : i32
      %add3A_119 = arith.addi %mul3A_117, %add3A_118 : i32
      %dma_start3A_120 = arith.constant 0 : i32
      %dma_start3A_121 = tpu.memref_slice %arg9[%add3A_119, %dma_start3A_120] : memref<512x64xf32, #tpu.memory_space<vmem>> -> memref<1x64xf32, #tpu.memory_space<vmem>>
      %dma_start3A_122 = tpu.memref_squeeze %dma_start3A_121 : memref<1x64xf32, #tpu.memory_space<vmem>> -> memref<64xf32, #tpu.memory_space<vmem>>
      %dma_start3A_123 = arith.constant 0 : i32
      %dma_start3A_124 = tpu.memref_slice %arg5[%shift_right_arithmetic3A_113, %and3A_115, %dma_start3A_123] : memref<125000x8x64xf32, #tpu.memory_space<hbm>> -> memref<1x1x64xf32, #tpu.memory_space<hbm>>
      %dma_start3A_125 = tpu.memref_squeeze %dma_start3A_124 : memref<1x1x64xf32, #tpu.memory_space<hbm>> -> memref<64xf32, #tpu.memory_space<hbm>>
      %dma_start3A_126 = arith.constant 0 : i32
      %dma_start3A_127 = tpu.memref_slice %arg9[%add3A_119, %dma_start3A_126] : memref<512x64xf32, #tpu.memory_space<vmem>> -> memref<1x64xf32, #tpu.memory_space<vmem>>
      %dma_start3A_128 = tpu.memref_squeeze %dma_start3A_127 : memref<1x64xf32, #tpu.memory_space<vmem>> -> memref<64xf32, #tpu.memory_space<vmem>>
      %dma_start3A_129 = arith.constant 0 : i32
      %dma_start3A_130 = tpu.memref_slice %arg5[%shift_right_arithmetic3A_113, %and3A_115, %dma_start3A_129] : memref<125000x8x64xf32, #tpu.memory_space<hbm>> -> memref<1x1x64xf32, #tpu.memory_space<hbm>>
      %dma_start3A_131 = tpu.memref_squeeze %dma_start3A_130 : memref<1x1x64xf32, #tpu.memory_space<hbm>> -> memref<64xf32, #tpu.memory_space<hbm>>
      tpu.enqueue_dma source(%dma_start3A_131 : memref<64xf32, #tpu.memory_space<hbm>>) target(%dma_start3A_128 : memref<64xf32, #tpu.memory_space<vmem>>) target_semaphore(%arg10 : memref<!tpu.dma_semaphore, #tpu.memory_space<semaphore_mem>>)
      %slice3A_132 = vector.extract_strided_slice %get3A_26 {offsets = [5], sizes = [1], strides = [1]} : vector<16xi32> to vector<1xi32>
      %squeeze3A_133 = vector.extract %slice3A_132[0] : i32 from vector<1xi32>
      %shift_right_arithmetic3A_134 = arith.constant 3 : i32
      %shift_right_arithmetic3A_135 = arith.shrsi %squeeze3A_133, %shift_right_arithmetic3A_134 : i32
      %and3A_136 = arith.constant 7 : i32
      %and3A_137 = arith.andi %squeeze3A_133, %and3A_136 : i32
      %mul3A_138 = arith.constant 16 : i32
      %mul3A_139 = arith.muli %scan3A_22, %mul3A_138 : i32
      %add3A_140 = arith.constant 5 : i32
      %add3A_141 = arith.addi %mul3A_139, %add3A_140 : i32
      %dma_start3A_142 = arith.constant 0 : i32
      %dma_start3A_143 = tpu.memref_slice %arg9[%add3A_141, %dma_start3A_142] : memref<512x64xf32, #tpu.memory_space<vmem>> -> memref<1x64xf32, #tpu.memory_space<vmem>>
      %dma_start3A_144 = tpu.memref_squeeze %dma_start3A_143 : memref<1x64xf32, #tpu.memory_space<vmem>> -> memref<64xf32, #tpu.memory_space<vmem>>
      %dma_start3A_145 = arith.constant 0 : i32
      %dma_start3A_146 = tpu.memref_slice %arg5[%shift_right_arithmetic3A_135, %and3A_137, %dma_start3A_145] : memref<125000x8x64xf32, #tpu.memory_space<hbm>> -> memref<1x1x64xf32, #tpu.memory_space<hbm>>
      %dma_start3A_147 = tpu.memref_squeeze %dma_start3A_146 : memref<1x1x64xf32, #tpu.memory_space<hbm>> -> memref<64xf32, #tpu.memory_space<hbm>>
      %dma_start3A_148 = arith.constant 0 : i32
      %dma_start3A_149 = tpu.memref_slice %arg9[%add3A_141, %dma_start3A_148] : memref<512x64xf32, #tpu.memory_space<vmem>> -> memref<1x64xf32, #tpu.memory_space<vmem>>
      %dma_start3A_150 = tpu.memref_squeeze %dma_start3A_149 : memref<1x64xf32, #tpu.memory_space<vmem>> -> memref<64xf32, #tpu.memory_space<vmem>>
      %dma_start3A_151 = arith.constant 0 : i32
      %dma_start3A_152 = tpu.memref_slice %arg5[%shift_right_arithmetic3A_135, %and3A_137, %dma_start3A_151] : memref<125000x8x64xf32, #tpu.memory_space<hbm>> -> memref<1x1x64xf32, #tpu.memory_space<hbm>>
      %dma_start3A_153 = tpu.memref_squeeze %dma_start3A_152 : memref<1x1x64xf32, #tpu.memory_space<hbm>> -> memref<64xf32, #tpu.memory_space<hbm>>
      tpu.enqueue_dma source(%dma_start3A_153 : memref<64xf32, #tpu.memory_space<hbm>>) target(%dma_start3A_150 : memref<64xf32, #tpu.memory_space<vmem>>) target_semaphore(%arg10 : memref<!tpu.dma_semaphore, #tpu.memory_space<semaphore_mem>>)
      %slice3A_154 = vector.extract_strided_slice %get3A_26 {offsets = [6], sizes = [1], strides = [1]} : vector<16xi32> to vector<1xi32>
      %squeeze3A_155 = vector.extract %slice3A_154[0] : i32 from vector<1xi32>
      %shift_right_arithmetic3A_156 = arith.constant 3 : i32
      %shift_right_arithmetic3A_157 = arith.shrsi %squeeze3A_155, %shift_right_arithmetic3A_156 : i32
      %and3A_158 = arith.constant 7 : i32
      %and3A_159 = arith.andi %squeeze3A_155, %and3A_158 : i32
      %mul3A_160 = arith.constant 16 : i32
      %mul3A_161 = arith.muli %scan3A_22, %mul3A_160 : i32
      %add3A_162 = arith.constant 6 : i32
      %add3A_163 = arith.addi %mul3A_161, %add3A_162 : i32
      %dma_start3A_164 = arith.constant 0 : i32
      %dma_start3A_165 = tpu.memref_slice %arg9[%add3A_163, %dma_start3A_164] : memref<512x64xf32, #tpu.memory_space<vmem>> -> memref<1x64xf32, #tpu.memory_space<vmem>>
      %dma_start3A_166 = tpu.memref_squeeze %dma_start3A_165 : memref<1x64xf32, #tpu.memory_space<vmem>> -> memref<64xf32, #tpu.memory_space<vmem>>
      %dma_start3A_167 = arith.constant 0 : i32
      %dma_start3A_168 = tpu.memref_slice %arg5[%shift_right_arithmetic3A_157, %and3A_159, %dma_start3A_167] : memref<125000x8x64xf32, #tpu.memory_space<hbm>> -> memref<1x1x64xf32, #tpu.memory_space<hbm>>
      %dma_start3A_169 = tpu.memref_squeeze %dma_start3A_168 : memref<1x1x64xf32, #tpu.memory_space<hbm>> -> memref<64xf32, #tpu.memory_space<hbm>>
      %dma_start3A_170 = arith.constant 0 : i32
      %dma_start3A_171 = tpu.memref_slice %arg9[%add3A_163, %dma_start3A_170] : memref<512x64xf32, #tpu.memory_space<vmem>> -> memref<1x64xf32, #tpu.memory_space<vmem>>
      %dma_start3A_172 = tpu.memref_squeeze %dma_start3A_171 : memref<1x64xf32, #tpu.memory_space<vmem>> -> memref<64xf32, #tpu.memory_space<vmem>>
      %dma_start3A_173 = arith.constant 0 : i32
      %dma_start3A_174 = tpu.memref_slice %arg5[%shift_right_arithmetic3A_157, %and3A_159, %dma_start3A_173] : memref<125000x8x64xf32, #tpu.memory_space<hbm>> -> memref<1x1x64xf32, #tpu.memory_space<hbm>>
      %dma_start3A_175 = tpu.memref_squeeze %dma_start3A_174 : memref<1x1x64xf32, #tpu.memory_space<hbm>> -> memref<64xf32, #tpu.memory_space<hbm>>
      tpu.enqueue_dma source(%dma_start3A_175 : memref<64xf32, #tpu.memory_space<hbm>>) target(%dma_start3A_172 : memref<64xf32, #tpu.memory_space<vmem>>) target_semaphore(%arg10 : memref<!tpu.dma_semaphore, #tpu.memory_space<semaphore_mem>>)
      %slice3A_176 = vector.extract_strided_slice %get3A_26 {offsets = [7], sizes = [1], strides = [1]} : vector<16xi32> to vector<1xi32>
      %squeeze3A_177 = vector.extract %slice3A_176[0] : i32 from vector<1xi32>
      %shift_right_arithmetic3A_178 = arith.constant 3 : i32
      %shift_right_arithmetic3A_179 = arith.shrsi %squeeze3A_177, %shift_right_arithmetic3A_178 : i32
      %and3A_180 = arith.constant 7 : i32
      %and3A_181 = arith.andi %squeeze3A_177, %and3A_180 : i32
      %mul3A_182 = arith.constant 16 : i32
      %mul3A_183 = arith.muli %scan3A_22, %mul3A_182 : i32
      %add3A_184 = arith.constant 7 : i32
      %add3A_185 = arith.addi %mul3A_183, %add3A_184 : i32
      %dma_start3A_186 = arith.constant 0 : i32
      %dma_start3A_187 = tpu.memref_slice %arg9[%add3A_185, %dma_start3A_186] : memref<512x64xf32, #tpu.memory_space<vmem>> -> memref<1x64xf32, #tpu.memory_space<vmem>>
      %dma_start3A_188 = tpu.memref_squeeze %dma_start3A_187 : memref<1x64xf32, #tpu.memory_space<vmem>> -> memref<64xf32, #tpu.memory_space<vmem>>
      %dma_start3A_189 = arith.constant 0 : i32
      %dma_start3A_190 = tpu.memref_slice %arg5[%shift_right_arithmetic3A_179, %and3A_181, %dma_start3A_189] : memref<125000x8x64xf32, #tpu.memory_space<hbm>> -> memref<1x1x64xf32, #tpu.memory_space<hbm>>
      %dma_start3A_191 = tpu.memref_squeeze %dma_start3A_190 : memref<1x1x64xf32, #tpu.memory_space<hbm>> -> memref<64xf32, #tpu.memory_space<hbm>>
      %dma_start3A_192 = arith.constant 0 : i32
      %dma_start3A_193 = tpu.memref_slice %arg9[%add3A_185, %dma_start3A_192] : memref<512x64xf32, #tpu.memory_space<vmem>> -> memref<1x64xf32, #tpu.memory_space<vmem>>
      %dma_start3A_194 = tpu.memref_squeeze %dma_start3A_193 : memref<1x64xf32, #tpu.memory_space<vmem>> -> memref<64xf32, #tpu.memory_space<vmem>>
      %dma_start3A_195 = arith.constant 0 : i32
      %dma_start3A_196 = tpu.memref_slice %arg5[%shift_right_arithmetic3A_179, %and3A_181, %dma_start3A_195] : memref<125000x8x64xf32, #tpu.memory_space<hbm>> -> memref<1x1x64xf32, #tpu.memory_space<hbm>>
      %dma_start3A_197 = tpu.memref_squeeze %dma_start3A_196 : memref<1x1x64xf32, #tpu.memory_space<hbm>> -> memref<64xf32, #tpu.memory_space<hbm>>
      tpu.enqueue_dma source(%dma_start3A_197 : memref<64xf32, #tpu.memory_space<hbm>>) target(%dma_start3A_194 : memref<64xf32, #tpu.memory_space<vmem>>) target_semaphore(%arg10 : memref<!tpu.dma_semaphore, #tpu.memory_space<semaphore_mem>>)
      %slice3A_198 = vector.extract_strided_slice %get3A_26 {offsets = [8], sizes = [1], strides = [1]} : vector<16xi32> to vector<1xi32>
      %squeeze3A_199 = vector.extract %slice3A_198[0] : i32 from vector<1xi32>
      %shift_right_arithmetic3A_200 = arith.constant 3 : i32
      %shift_right_arithmetic3A_201 = arith.shrsi %squeeze3A_199, %shift_right_arithmetic3A_200 : i32
      %and3A_202 = arith.constant 7 : i32
      %and3A_203 = arith.andi %squeeze3A_199, %and3A_202 : i32
      %mul3A_204 = arith.constant 16 : i32
      %mul3A_205 = arith.muli %scan3A_22, %mul3A_204 : i32
      %add3A_206 = arith.constant 8 : i32
      %add3A_207 = arith.addi %mul3A_205, %add3A_206 : i32
      %dma_start3A_208 = arith.constant 0 : i32
      %dma_start3A_209 = tpu.memref_slice %arg9[%add3A_207, %dma_start3A_208] : memref<512x64xf32, #tpu.memory_space<vmem>> -> memref<1x64xf32, #tpu.memory_space<vmem>>
      %dma_start3A_210 = tpu.memref_squeeze %dma_start3A_209 : memref<1x64xf32, #tpu.memory_space<vmem>> -> memref<64xf32, #tpu.memory_space<vmem>>
      %dma_start3A_211 = arith.constant 0 : i32
      %dma_start3A_212 = tpu.memref_slice %arg5[%shift_right_arithmetic3A_201, %and3A_203, %dma_start3A_211] : memref<125000x8x64xf32, #tpu.memory_space<hbm>> -> memref<1x1x64xf32, #tpu.memory_space<hbm>>
      %dma_start3A_213 = tpu.memref_squeeze %dma_start3A_212 : memref<1x1x64xf32, #tpu.memory_space<hbm>> -> memref<64xf32, #tpu.memory_space<hbm>>
      %dma_start3A_214 = arith.constant 0 : i32
      %dma_start3A_215 = tpu.memref_slice %arg9[%add3A_207, %dma_start3A_214] : memref<512x64xf32, #tpu.memory_space<vmem>> -> memref<1x64xf32, #tpu.memory_space<vmem>>
      %dma_start3A_216 = tpu.memref_squeeze %dma_start3A_215 : memref<1x64xf32, #tpu.memory_space<vmem>> -> memref<64xf32, #tpu.memory_space<vmem>>
      %dma_start3A_217 = arith.constant 0 : i32
      %dma_start3A_218 = tpu.memref_slice %arg5[%shift_right_arithmetic3A_201, %and3A_203, %dma_start3A_217] : memref<125000x8x64xf32, #tpu.memory_space<hbm>> -> memref<1x1x64xf32, #tpu.memory_space<hbm>>
      %dma_start3A_219 = tpu.memref_squeeze %dma_start3A_218 : memref<1x1x64xf32, #tpu.memory_space<hbm>> -> memref<64xf32, #tpu.memory_space<hbm>>
      tpu.enqueue_dma source(%dma_start3A_219 : memref<64xf32, #tpu.memory_space<hbm>>) target(%dma_start3A_216 : memref<64xf32, #tpu.memory_space<vmem>>) target_semaphore(%arg10 : memref<!tpu.dma_semaphore, #tpu.memory_space<semaphore_mem>>)
      %slice3A_220 = vector.extract_strided_slice %get3A_26 {offsets = [9], sizes = [1], strides = [1]} : vector<16xi32> to vector<1xi32>
      %squeeze3A_221 = vector.extract %slice3A_220[0] : i32 from vector<1xi32>
      %shift_right_arithmetic3A_222 = arith.constant 3 : i32
      %shift_right_arithmetic3A_223 = arith.shrsi %squeeze3A_221, %shift_right_arithmetic3A_222 : i32
      %and3A_224 = arith.constant 7 : i32
      %and3A_225 = arith.andi %squeeze3A_221, %and3A_224 : i32
      %mul3A_226 = arith.constant 16 : i32
      %mul3A_227 = arith.muli %scan3A_22, %mul3A_226 : i32
      %add3A_228 = arith.constant 9 : i32
      %add3A_229 = arith.addi %mul3A_227, %add3A_228 : i32
      %dma_start3A_230 = arith.constant 0 : i32
      %dma_start3A_231 = tpu.memref_slice %arg9[%add3A_229, %dma_start3A_230] : memref<512x64xf32, #tpu.memory_space<vmem>> -> memref<1x64xf32, #tpu.memory_space<vmem>>
      %dma_start3A_232 = tpu.memref_squeeze %dma_start3A_231 : memref<1x64xf32, #tpu.memory_space<vmem>> -> memref<64xf32, #tpu.memory_space<vmem>>
      %dma_start3A_233 = arith.constant 0 : i32
      %dma_start3A_234 = tpu.memref_slice %arg5[%shift_right_arithmetic3A_223, %and3A_225, %dma_start3A_233] : memref<125000x8x64xf32, #tpu.memory_space<hbm>> -> memref<1x1x64xf32, #tpu.memory_space<hbm>>
      %dma_start3A_235 = tpu.memref_squeeze %dma_start3A_234 : memref<1x1x64xf32, #tpu.memory_space<hbm>> -> memref<64xf32, #tpu.memory_space<hbm>>
      %dma_start3A_236 = arith.constant 0 : i32
      %dma_start3A_237 = tpu.memref_slice %arg9[%add3A_229, %dma_start3A_236] : memref<512x64xf32, #tpu.memory_space<vmem>> -> memref<1x64xf32, #tpu.memory_space<vmem>>
      %dma_start3A_238 = tpu.memref_squeeze %dma_start3A_237 : memref<1x64xf32, #tpu.memory_space<vmem>> -> memref<64xf32, #tpu.memory_space<vmem>>
      %dma_start3A_239 = arith.constant 0 : i32
      %dma_start3A_240 = tpu.memref_slice %arg5[%shift_right_arithmetic3A_223, %and3A_225, %dma_start3A_239] : memref<125000x8x64xf32, #tpu.memory_space<hbm>> -> memref<1x1x64xf32, #tpu.memory_space<hbm>>
      %dma_start3A_241 = tpu.memref_squeeze %dma_start3A_240 : memref<1x1x64xf32, #tpu.memory_space<hbm>> -> memref<64xf32, #tpu.memory_space<hbm>>
      tpu.enqueue_dma source(%dma_start3A_241 : memref<64xf32, #tpu.memory_space<hbm>>) target(%dma_start3A_238 : memref<64xf32, #tpu.memory_space<vmem>>) target_semaphore(%arg10 : memref<!tpu.dma_semaphore, #tpu.memory_space<semaphore_mem>>)
      %slice3A_242 = vector.extract_strided_slice %get3A_26 {offsets = [10], sizes = [1], strides = [1]} : vector<16xi32> to vector<1xi32>
      %squeeze3A_243 = vector.extract %slice3A_242[0] : i32 from vector<1xi32>
      %shift_right_arithmetic3A_244 = arith.constant 3 : i32
      %shift_right_arithmetic3A_245 = arith.shrsi %squeeze3A_243, %shift_right_arithmetic3A_244 : i32
      %and3A_246 = arith.constant 7 : i32
      %and3A_247 = arith.andi %squeeze3A_243, %and3A_246 : i32
      %mul3A_248 = arith.constant 16 : i32
      %mul3A_249 = arith.muli %scan3A_22, %mul3A_248 : i32
      %add3A_250 = arith.constant 10 : i32
      %add3A_251 = arith.addi %mul3A_249, %add3A_250 : i32
      %dma_start3A_252 = arith.constant 0 : i32
      %dma_start3A_253 = tpu.memref_slice %arg9[%add3A_251, %dma_start3A_252] : memref<512x64xf32, #tpu.memory_space<vmem>> -> memref<1x64xf32, #tpu.memory_space<vmem>>
      %dma_start3A_254 = tpu.memref_squeeze %dma_start3A_253 : memref<1x64xf32, #tpu.memory_space<vmem>> -> memref<64xf32, #tpu.memory_space<vmem>>
      %dma_start3A_255 = arith.constant 0 : i32
      %dma_start3A_256 = tpu.memref_slice %arg5[%shift_right_arithmetic3A_245, %and3A_247, %dma_start3A_255] : memref<125000x8x64xf32, #tpu.memory_space<hbm>> -> memref<1x1x64xf32, #tpu.memory_space<hbm>>
      %dma_start3A_257 = tpu.memref_squeeze %dma_start3A_256 : memref<1x1x64xf32, #tpu.memory_space<hbm>> -> memref<64xf32, #tpu.memory_space<hbm>>
      %dma_start3A_258 = arith.constant 0 : i32
      %dma_start3A_259 = tpu.memref_slice %arg9[%add3A_251, %dma_start3A_258] : memref<512x64xf32, #tpu.memory_space<vmem>> -> memref<1x64xf32, #tpu.memory_space<vmem>>
      %dma_start3A_260 = tpu.memref_squeeze %dma_start3A_259 : memref<1x64xf32, #tpu.memory_space<vmem>> -> memref<64xf32, #tpu.memory_space<vmem>>
      %dma_start3A_261 = arith.constant 0 : i32
      %dma_start3A_262 = tpu.memref_slice %arg5[%shift_right_arithmetic3A_245, %and3A_247, %dma_start3A_261] : memref<125000x8x64xf32, #tpu.memory_space<hbm>> -> memref<1x1x64xf32, #tpu.memory_space<hbm>>
      %dma_start3A_263 = tpu.memref_squeeze %dma_start3A_262 : memref<1x1x64xf32, #tpu.memory_space<hbm>> -> memref<64xf32, #tpu.memory_space<hbm>>
      tpu.enqueue_dma source(%dma_start3A_263 : memref<64xf32, #tpu.memory_space<hbm>>) target(%dma_start3A_260 : memref<64xf32, #tpu.memory_space<vmem>>) target_semaphore(%arg10 : memref<!tpu.dma_semaphore, #tpu.memory_space<semaphore_mem>>)
      %slice3A_264 = vector.extract_strided_slice %get3A_26 {offsets = [11], sizes = [1], strides = [1]} : vector<16xi32> to vector<1xi32>
      %squeeze3A_265 = vector.extract %slice3A_264[0] : i32 from vector<1xi32>
      %shift_right_arithmetic3A_266 = arith.constant 3 : i32
      %shift_right_arithmetic3A_267 = arith.shrsi %squeeze3A_265, %shift_right_arithmetic3A_266 : i32
      %and3A_268 = arith.constant 7 : i32
      %and3A_269 = arith.andi %squeeze3A_265, %and3A_268 : i32
      %mul3A_270 = arith.constant 16 : i32
      %mul3A_271 = arith.muli %scan3A_22, %mul3A_270 : i32
      %add3A_272 = arith.constant 11 : i32
      %add3A_273 = arith.addi %mul3A_271, %add3A_272 : i32
      %dma_start3A_274 = arith.constant 0 : i32
      %dma_start3A_275 = tpu.memref_slice %arg9[%add3A_273, %dma_start3A_274] : memref<512x64xf32, #tpu.memory_space<vmem>> -> memref<1x64xf32, #tpu.memory_space<vmem>>
      %dma_start3A_276 = tpu.memref_squeeze %dma_start3A_275 : memref<1x64xf32, #tpu.memory_space<vmem>> -> memref<64xf32, #tpu.memory_space<vmem>>
      %dma_start3A_277 = arith.constant 0 : i32
      %dma_start3A_278 = tpu.memref_slice %arg5[%shift_right_arithmetic3A_267, %and3A_269, %dma_start3A_277] : memref<125000x8x64xf32, #tpu.memory_space<hbm>> -> memref<1x1x64xf32, #tpu.memory_space<hbm>>
      %dma_start3A_279 = tpu.memref_squeeze %dma_start3A_278 : memref<1x1x64xf32, #tpu.memory_space<hbm>> -> memref<64xf32, #tpu.memory_space<hbm>>
      %dma_start3A_280 = arith.constant 0 : i32
      %dma_start3A_281 = tpu.memref_slice %arg9[%add3A_273, %dma_start3A_280] : memref<512x64xf32, #tpu.memory_space<vmem>> -> memref<1x64xf32, #tpu.memory_space<vmem>>
      %dma_start3A_282 = tpu.memref_squeeze %dma_start3A_281 : memref<1x64xf32, #tpu.memory_space<vmem>> -> memref<64xf32, #tpu.memory_space<vmem>>
      %dma_start3A_283 = arith.constant 0 : i32
      %dma_start3A_284 = tpu.memref_slice %arg5[%shift_right_arithmetic3A_267, %and3A_269, %dma_start3A_283] : memref<125000x8x64xf32, #tpu.memory_space<hbm>> -> memref<1x1x64xf32, #tpu.memory_space<hbm>>
      %dma_start3A_285 = tpu.memref_squeeze %dma_start3A_284 : memref<1x1x64xf32, #tpu.memory_space<hbm>> -> memref<64xf32, #tpu.memory_space<hbm>>
      tpu.enqueue_dma source(%dma_start3A_285 : memref<64xf32, #tpu.memory_space<hbm>>) target(%dma_start3A_282 : memref<64xf32, #tpu.memory_space<vmem>>) target_semaphore(%arg10 : memref<!tpu.dma_semaphore, #tpu.memory_space<semaphore_mem>>)
      %slice3A_286 = vector.extract_strided_slice %get3A_26 {offsets = [12], sizes = [1], strides = [1]} : vector<16xi32> to vector<1xi32>
      %squeeze3A_287 = vector.extract %slice3A_286[0] : i32 from vector<1xi32>
      %shift_right_arithmetic3A_288 = arith.constant 3 : i32
      %shift_right_arithmetic3A_289 = arith.shrsi %squeeze3A_287, %shift_right_arithmetic3A_288 : i32
      %and3A_290 = arith.constant 7 : i32
      %and3A_291 = arith.andi %squeeze3A_287, %and3A_290 : i32
      %mul3A_292 = arith.constant 16 : i32
      %mul3A_293 = arith.muli %scan3A_22, %mul3A_292 : i32
      %add3A_294 = arith.constant 12 : i32
      %add3A_295 = arith.addi %mul3A_293, %add3A_294 : i32
      %dma_start3A_296 = arith.constant 0 : i32
      %dma_start3A_297 = tpu.memref_slice %arg9[%add3A_295, %dma_start3A_296] : memref<512x64xf32, #tpu.memory_space<vmem>> -> memref<1x64xf32, #tpu.memory_space<vmem>>
      %dma_start3A_298 = tpu.memref_squeeze %dma_start3A_297 : memref<1x64xf32, #tpu.memory_space<vmem>> -> memref<64xf32, #tpu.memory_space<vmem>>
      %dma_start3A_299 = arith.constant 0 : i32
      %dma_start3A_300 = tpu.memref_slice %arg5[%shift_right_arithmetic3A_289, %and3A_291, %dma_start3A_299] : memref<125000x8x64xf32, #tpu.memory_space<hbm>> -> memref<1x1x64xf32, #tpu.memory_space<hbm>>
      %dma_start3A_301 = tpu.memref_squeeze %dma_start3A_300 : memref<1x1x64xf32, #tpu.memory_space<hbm>> -> memref<64xf32, #tpu.memory_space<hbm>>
      %dma_start3A_302 = arith.constant 0 : i32
      %dma_start3A_303 = tpu.memref_slice %arg9[%add3A_295, %dma_start3A_302] : memref<512x64xf32, #tpu.memory_space<vmem>> -> memref<1x64xf32, #tpu.memory_space<vmem>>
      %dma_start3A_304 = tpu.memref_squeeze %dma_start3A_303 : memref<1x64xf32, #tpu.memory_space<vmem>> -> memref<64xf32, #tpu.memory_space<vmem>>
      %dma_start3A_305 = arith.constant 0 : i32
      %dma_start3A_306 = tpu.memref_slice %arg5[%shift_right_arithmetic3A_289, %and3A_291, %dma_start3A_305] : memref<125000x8x64xf32, #tpu.memory_space<hbm>> -> memref<1x1x64xf32, #tpu.memory_space<hbm>>
      %dma_start3A_307 = tpu.memref_squeeze %dma_start3A_306 : memref<1x1x64xf32, #tpu.memory_space<hbm>> -> memref<64xf32, #tpu.memory_space<hbm>>
      tpu.enqueue_dma source(%dma_start3A_307 : memref<64xf32, #tpu.memory_space<hbm>>) target(%dma_start3A_304 : memref<64xf32, #tpu.memory_space<vmem>>) target_semaphore(%arg10 : memref<!tpu.dma_semaphore, #tpu.memory_space<semaphore_mem>>)
      %slice3A_308 = vector.extract_strided_slice %get3A_26 {offsets = [13], sizes = [1], strides = [1]} : vector<16xi32> to vector<1xi32>
      %squeeze3A_309 = vector.extract %slice3A_308[0] : i32 from vector<1xi32>
      %shift_right_arithmetic3A_310 = arith.constant 3 : i32
      %shift_right_arithmetic3A_311 = arith.shrsi %squeeze3A_309, %shift_right_arithmetic3A_310 : i32
      %and3A_312 = arith.constant 7 : i32
      %and3A_313 = arith.andi %squeeze3A_309, %and3A_312 : i32
      %mul3A_314 = arith.constant 16 : i32
      %mul3A_315 = arith.muli %scan3A_22, %mul3A_314 : i32
      %add3A_316 = arith.constant 13 : i32
      %add3A_317 = arith.addi %mul3A_315, %add3A_316 : i32
      %dma_start3A_318 = arith.constant 0 : i32
      %dma_start3A_319 = tpu.memref_slice %arg9[%add3A_317, %dma_start3A_318] : memref<512x64xf32, #tpu.memory_space<vmem>> -> memref<1x64xf32, #tpu.memory_space<vmem>>
      %dma_start3A_320 = tpu.memref_squeeze %dma_start3A_319 : memref<1x64xf32, #tpu.memory_space<vmem>> -> memref<64xf32, #tpu.memory_space<vmem>>
      %dma_start3A_321 = arith.constant 0 : i32
      %dma_start3A_322 = tpu.memref_slice %arg5[%shift_right_arithmetic3A_311, %and3A_313, %dma_start3A_321] : memref<125000x8x64xf32, #tpu.memory_space<hbm>> -> memref<1x1x64xf32, #tpu.memory_space<hbm>>
      %dma_start3A_323 = tpu.memref_squeeze %dma_start3A_322 : memref<1x1x64xf32, #tpu.memory_space<hbm>> -> memref<64xf32, #tpu.memory_space<hbm>>
      %dma_start3A_324 = arith.constant 0 : i32
      %dma_start3A_325 = tpu.memref_slice %arg9[%add3A_317, %dma_start3A_324] : memref<512x64xf32, #tpu.memory_space<vmem>> -> memref<1x64xf32, #tpu.memory_space<vmem>>
      %dma_start3A_326 = tpu.memref_squeeze %dma_start3A_325 : memref<1x64xf32, #tpu.memory_space<vmem>> -> memref<64xf32, #tpu.memory_space<vmem>>
      %dma_start3A_327 = arith.constant 0 : i32
      %dma_start3A_328 = tpu.memref_slice %arg5[%shift_right_arithmetic3A_311, %and3A_313, %dma_start3A_327] : memref<125000x8x64xf32, #tpu.memory_space<hbm>> -> memref<1x1x64xf32, #tpu.memory_space<hbm>>
      %dma_start3A_329 = tpu.memref_squeeze %dma_start3A_328 : memref<1x1x64xf32, #tpu.memory_space<hbm>> -> memref<64xf32, #tpu.memory_space<hbm>>
      tpu.enqueue_dma source(%dma_start3A_329 : memref<64xf32, #tpu.memory_space<hbm>>) target(%dma_start3A_326 : memref<64xf32, #tpu.memory_space<vmem>>) target_semaphore(%arg10 : memref<!tpu.dma_semaphore, #tpu.memory_space<semaphore_mem>>)
      %slice3A_330 = vector.extract_strided_slice %get3A_26 {offsets = [14], sizes = [1], strides = [1]} : vector<16xi32> to vector<1xi32>
      %squeeze3A_331 = vector.extract %slice3A_330[0] : i32 from vector<1xi32>
      %shift_right_arithmetic3A_332 = arith.constant 3 : i32
      %shift_right_arithmetic3A_333 = arith.shrsi %squeeze3A_331, %shift_right_arithmetic3A_332 : i32
      %and3A_334 = arith.constant 7 : i32
      %and3A_335 = arith.andi %squeeze3A_331, %and3A_334 : i32
      %mul3A_336 = arith.constant 16 : i32
      %mul3A_337 = arith.muli %scan3A_22, %mul3A_336 : i32
      %add3A_338 = arith.constant 14 : i32
      %add3A_339 = arith.addi %mul3A_337, %add3A_338 : i32
      %dma_start3A_340 = arith.constant 0 : i32
      %dma_start3A_341 = tpu.memref_slice %arg9[%add3A_339, %dma_start3A_340] : memref<512x64xf32, #tpu.memory_space<vmem>> -> memref<1x64xf32, #tpu.memory_space<vmem>>
      %dma_start3A_342 = tpu.memref_squeeze %dma_start3A_341 : memref<1x64xf32, #tpu.memory_space<vmem>> -> memref<64xf32, #tpu.memory_space<vmem>>
      %dma_start3A_343 = arith.constant 0 : i32
      %dma_start3A_344 = tpu.memref_slice %arg5[%shift_right_arithmetic3A_333, %and3A_335, %dma_start3A_343] : memref<125000x8x64xf32, #tpu.memory_space<hbm>> -> memref<1x1x64xf32, #tpu.memory_space<hbm>>
      %dma_start3A_345 = tpu.memref_squeeze %dma_start3A_344 : memref<1x1x64xf32, #tpu.memory_space<hbm>> -> memref<64xf32, #tpu.memory_space<hbm>>
      %dma_start3A_346 = arith.constant 0 : i32
      %dma_start3A_347 = tpu.memref_slice %arg9[%add3A_339, %dma_start3A_346] : memref<512x64xf32, #tpu.memory_space<vmem>> -> memref<1x64xf32, #tpu.memory_space<vmem>>
      %dma_start3A_348 = tpu.memref_squeeze %dma_start3A_347 : memref<1x64xf32, #tpu.memory_space<vmem>> -> memref<64xf32, #tpu.memory_space<vmem>>
      %dma_start3A_349 = arith.constant 0 : i32
      %dma_start3A_350 = tpu.memref_slice %arg5[%shift_right_arithmetic3A_333, %and3A_335, %dma_start3A_349] : memref<125000x8x64xf32, #tpu.memory_space<hbm>> -> memref<1x1x64xf32, #tpu.memory_space<hbm>>
      %dma_start3A_351 = tpu.memref_squeeze %dma_start3A_350 : memref<1x1x64xf32, #tpu.memory_space<hbm>> -> memref<64xf32, #tpu.memory_space<hbm>>
      tpu.enqueue_dma source(%dma_start3A_351 : memref<64xf32, #tpu.memory_space<hbm>>) target(%dma_start3A_348 : memref<64xf32, #tpu.memory_space<vmem>>) target_semaphore(%arg10 : memref<!tpu.dma_semaphore, #tpu.memory_space<semaphore_mem>>)
      %slice3A_352 = vector.extract_strided_slice %get3A_26 {offsets = [15], sizes = [1], strides = [1]} : vector<16xi32> to vector<1xi32>
      %squeeze3A_353 = vector.extract %slice3A_352[0] : i32 from vector<1xi32>
      %shift_right_arithmetic3A_354 = arith.constant 3 : i32
      %shift_right_arithmetic3A_355 = arith.shrsi %squeeze3A_353, %shift_right_arithmetic3A_354 : i32
      %and3A_356 = arith.constant 7 : i32
      %and3A_357 = arith.andi %squeeze3A_353, %and3A_356 : i32
      %mul3A_358 = arith.constant 16 : i32
      %mul3A_359 = arith.muli %scan3A_22, %mul3A_358 : i32
      %add3A_360 = arith.constant 15 : i32
      %add3A_361 = arith.addi %mul3A_359, %add3A_360 : i32
      %dma_start3A_362 = arith.constant 0 : i32
      %dma_start3A_363 = tpu.memref_slice %arg9[%add3A_361, %dma_start3A_362] : memref<512x64xf32, #tpu.memory_space<vmem>> -> memref<1x64xf32, #tpu.memory_space<vmem>>
      %dma_start3A_364 = tpu.memref_squeeze %dma_start3A_363 : memref<1x64xf32, #tpu.memory_space<vmem>> -> memref<64xf32, #tpu.memory_space<vmem>>
      %dma_start3A_365 = arith.constant 0 : i32
      %dma_start3A_366 = tpu.memref_slice %arg5[%shift_right_arithmetic3A_355, %and3A_357, %dma_start3A_365] : memref<125000x8x64xf32, #tpu.memory_space<hbm>> -> memref<1x1x64xf32, #tpu.memory_space<hbm>>
      %dma_start3A_367 = tpu.memref_squeeze %dma_start3A_366 : memref<1x1x64xf32, #tpu.memory_space<hbm>> -> memref<64xf32, #tpu.memory_space<hbm>>
      %dma_start3A_368 = arith.constant 0 : i32
      %dma_start3A_369 = tpu.memref_slice %arg9[%add3A_361, %dma_start3A_368] : memref<512x64xf32, #tpu.memory_space<vmem>> -> memref<1x64xf32, #tpu.memory_space<vmem>>
      %dma_start3A_370 = tpu.memref_squeeze %dma_start3A_369 : memref<1x64xf32, #tpu.memory_space<vmem>> -> memref<64xf32, #tpu.memory_space<vmem>>
      %dma_start3A_371 = arith.constant 0 : i32
      %dma_start3A_372 = tpu.memref_slice %arg5[%shift_right_arithmetic3A_355, %and3A_357, %dma_start3A_371] : memref<125000x8x64xf32, #tpu.memory_space<hbm>> -> memref<1x1x64xf32, #tpu.memory_space<hbm>>
      %dma_start3A_373 = tpu.memref_squeeze %dma_start3A_372 : memref<1x1x64xf32, #tpu.memory_space<hbm>> -> memref<64xf32, #tpu.memory_space<hbm>>
      tpu.enqueue_dma source(%dma_start3A_373 : memref<64xf32, #tpu.memory_space<hbm>>) target(%dma_start3A_370 : memref<64xf32, #tpu.memory_space<vmem>>) target_semaphore(%arg10 : memref<!tpu.dma_semaphore, #tpu.memory_space<semaphore_mem>>)
    }
    %scan3A_16 = arith.constant 32 : i32
    %scan3A_17 = arith.constant 0 : i32
    %scan3A_18 = arith.constant 32 : i32
    %scan3A_19 = arith.addi %scan3A_17, %scan3A_18 : i32
    %scan3A_20 = arith.constant 1 : i32
    scf.for %scan3A_22 = %scan3A_17 to %scan3A_19 step %scan3A_20  : i32 {
      %dma_wait3A = arith.constant 0 : i32
      %dma_wait3A_23 = arith.constant 0 : i32
      %dma_wait3A_24 = arith.constant 0 : i32
      %dma_wait3A_25 = arith.constant 0 : i32
      %dma_wait3A_26 = tpu.memref_slice %arg9[%dma_wait3A_24, %dma_wait3A_25] : memref<512x64xf32, #tpu.memory_space<vmem>> -> memref<1x64xf32, #tpu.memory_space<vmem>>
      %dma_wait3A_27 = tpu.memref_squeeze %dma_wait3A_26 : memref<1x64xf32, #tpu.memory_space<vmem>> -> memref<64xf32, #tpu.memory_space<vmem>>
      %dma_wait3A_28 = arith.constant 0 : i32
      %dma_wait3A_29 = tpu.memref_slice %arg5[%dma_wait3A, %dma_wait3A_23, %dma_wait3A_28] : memref<125000x8x64xf32, #tpu.memory_space<hbm>> -> memref<1x1x64xf32, #tpu.memory_space<hbm>>
      %dma_wait3A_30 = tpu.memref_squeeze %dma_wait3A_29 : memref<1x1x64xf32, #tpu.memory_space<hbm>> -> memref<64xf32, #tpu.memory_space<hbm>>
      %dma_wait3A_31 = arith.constant 0 : i32
      %dma_wait3A_32 = tpu.memref_slice %arg9[%dma_wait3A_24, %dma_wait3A_31] : memref<512x64xf32, #tpu.memory_space<vmem>> -> memref<1x64xf32, #tpu.memory_space<vmem>>
      %dma_wait3A_33 = tpu.memref_squeeze %dma_wait3A_32 : memref<1x64xf32, #tpu.memory_space<vmem>> -> memref<64xf32, #tpu.memory_space<vmem>>
      %dma_wait3A_34 = arith.constant 0 : i32
      %dma_wait3A_35 = tpu.memref_slice %arg5[%dma_wait3A, %dma_wait3A_23, %dma_wait3A_34] : memref<125000x8x64xf32, #tpu.memory_space<hbm>> -> memref<1x1x64xf32, #tpu.memory_space<hbm>>
      %dma_wait3A_36 = tpu.memref_squeeze %dma_wait3A_35 : memref<1x1x64xf32, #tpu.memory_space<hbm>> -> memref<64xf32, #tpu.memory_space<hbm>>
      tpu.wait_dma2 semaphore(%arg10 : memref<!tpu.dma_semaphore, #tpu.memory_space<semaphore_mem>>) src(%dma_wait3A_36 : memref<64xf32, #tpu.memory_space<hbm>>) dst(%dma_wait3A_33 : memref<64xf32, #tpu.memory_space<vmem>>)
      %dma_wait3A_37 = arith.constant 0 : i32
      %dma_wait3A_38 = arith.constant 0 : i32
      %dma_wait3A_39 = arith.constant 0 : i32
      %dma_wait3A_40 = arith.constant 0 : i32
      %dma_wait3A_41 = tpu.memref_slice %arg9[%dma_wait3A_39, %dma_wait3A_40] : memref<512x64xf32, #tpu.memory_space<vmem>> -> memref<1x64xf32, #tpu.memory_space<vmem>>
      %dma_wait3A_42 = tpu.memref_squeeze %dma_wait3A_41 : memref<1x64xf32, #tpu.memory_space<vmem>> -> memref<64xf32, #tpu.memory_space<vmem>>
      %dma_wait3A_43 = arith.constant 0 : i32
      %dma_wait3A_44 = tpu.memref_slice %arg5[%dma_wait3A_37, %dma_wait3A_38, %dma_wait3A_43] : memref<125000x8x64xf32, #tpu.memory_space<hbm>> -> memref<1x1x64xf32, #tpu.memory_space<hbm>>
      %dma_wait3A_45 = tpu.memref_squeeze %dma_wait3A_44 : memref<1x1x64xf32, #tpu.memory_space<hbm>> -> memref<64xf32, #tpu.memory_space<hbm>>
      %dma_wait3A_46 = arith.constant 0 : i32
      %dma_wait3A_47 = tpu.memref_slice %arg9[%dma_wait3A_39, %dma_wait3A_46] : memref<512x64xf32, #tpu.memory_space<vmem>> -> memref<1x64xf32, #tpu.memory_space<vmem>>
      %dma_wait3A_48 = tpu.memref_squeeze %dma_wait3A_47 : memref<1x64xf32, #tpu.memory_space<vmem>> -> memref<64xf32, #tpu.memory_space<vmem>>
      %dma_wait3A_49 = arith.constant 0 : i32
      %dma_wait3A_50 = tpu.memref_slice %arg5[%dma_wait3A_37, %dma_wait3A_38, %dma_wait3A_49] : memref<125000x8x64xf32, #tpu.memory_space<hbm>> -> memref<1x1x64xf32, #tpu.memory_space<hbm>>
      %dma_wait3A_51 = tpu.memref_squeeze %dma_wait3A_50 : memref<1x1x64xf32, #tpu.memory_space<hbm>> -> memref<64xf32, #tpu.memory_space<hbm>>
      tpu.wait_dma2 semaphore(%arg10 : memref<!tpu.dma_semaphore, #tpu.memory_space<semaphore_mem>>) src(%dma_wait3A_51 : memref<64xf32, #tpu.memory_space<hbm>>) dst(%dma_wait3A_48 : memref<64xf32, #tpu.memory_space<vmem>>)
      %dma_wait3A_52 = arith.constant 0 : i32
      %dma_wait3A_53 = arith.constant 0 : i32
      %dma_wait3A_54 = arith.constant 0 : i32
      %dma_wait3A_55 = arith.constant 0 : i32
      %dma_wait3A_56 = tpu.memref_slice %arg9[%dma_wait3A_54, %dma_wait3A_55] : memref<512x64xf32, #tpu.memory_space<vmem>> -> memref<1x64xf32, #tpu.memory_space<vmem>>
      %dma_wait3A_57 = tpu.memref_squeeze %dma_wait3A_56 : memref<1x64xf32, #tpu.memory_space<vmem>> -> memref<64xf32, #tpu.memory_space<vmem>>
      %dma_wait3A_58 = arith.constant 0 : i32
      %dma_wait3A_59 = tpu.memref_slice %arg5[%dma_wait3A_52, %dma_wait3A_53, %dma_wait3A_58] : memref<125000x8x64xf32, #tpu.memory_space<hbm>> -> memref<1x1x64xf32, #tpu.memory_space<hbm>>
      %dma_wait3A_60 = tpu.memref_squeeze %dma_wait3A_59 : memref<1x1x64xf32, #tpu.memory_space<hbm>> -> memref<64xf32, #tpu.memory_space<hbm>>
      %dma_wait3A_61 = arith.constant 0 : i32
      %dma_wait3A_62 = tpu.memref_slice %arg9[%dma_wait3A_54, %dma_wait3A_61] : memref<512x64xf32, #tpu.memory_space<vmem>> -> memref<1x64xf32, #tpu.memory_space<vmem>>
      %dma_wait3A_63 = tpu.memref_squeeze %dma_wait3A_62 : memref<1x64xf32, #tpu.memory_space<vmem>> -> memref<64xf32, #tpu.memory_space<vmem>>
      %dma_wait3A_64 = arith.constant 0 : i32
      %dma_wait3A_65 = tpu.memref_slice %arg5[%dma_wait3A_52, %dma_wait3A_53, %dma_wait3A_64] : memref<125000x8x64xf32, #tpu.memory_space<hbm>> -> memref<1x1x64xf32, #tpu.memory_space<hbm>>
      %dma_wait3A_66 = tpu.memref_squeeze %dma_wait3A_65 : memref<1x1x64xf32, #tpu.memory_space<hbm>> -> memref<64xf32, #tpu.memory_space<hbm>>
      tpu.wait_dma2 semaphore(%arg10 : memref<!tpu.dma_semaphore, #tpu.memory_space<semaphore_mem>>) src(%dma_wait3A_66 : memref<64xf32, #tpu.memory_space<hbm>>) dst(%dma_wait3A_63 : memref<64xf32, #tpu.memory_space<vmem>>)
      %dma_wait3A_67 = arith.constant 0 : i32
      %dma_wait3A_68 = arith.constant 0 : i32
      %dma_wait3A_69 = arith.constant 0 : i32
      %dma_wait3A_70 = arith.constant 0 : i32
      %dma_wait3A_71 = tpu.memref_slice %arg9[%dma_wait3A_69, %dma_wait3A_70] : memref<512x64xf32, #tpu.memory_space<vmem>> -> memref<1x64xf32, #tpu.memory_space<vmem>>
      %dma_wait3A_72 = tpu.memref_squeeze %dma_wait3A_71 : memref<1x64xf32, #tpu.memory_space<vmem>> -> memref<64xf32, #tpu.memory_space<vmem>>
      %dma_wait3A_73 = arith.constant 0 : i32
      %dma_wait3A_74 = tpu.memref_slice %arg5[%dma_wait3A_67, %dma_wait3A_68, %dma_wait3A_73] : memref<125000x8x64xf32, #tpu.memory_space<hbm>> -> memref<1x1x64xf32, #tpu.memory_space<hbm>>
      %dma_wait3A_75 = tpu.memref_squeeze %dma_wait3A_74 : memref<1x1x64xf32, #tpu.memory_space<hbm>> -> memref<64xf32, #tpu.memory_space<hbm>>
      %dma_wait3A_76 = arith.constant 0 : i32
      %dma_wait3A_77 = tpu.memref_slice %arg9[%dma_wait3A_69, %dma_wait3A_76] : memref<512x64xf32, #tpu.memory_space<vmem>> -> memref<1x64xf32, #tpu.memory_space<vmem>>
      %dma_wait3A_78 = tpu.memref_squeeze %dma_wait3A_77 : memref<1x64xf32, #tpu.memory_space<vmem>> -> memref<64xf32, #tpu.memory_space<vmem>>
      %dma_wait3A_79 = arith.constant 0 : i32
      %dma_wait3A_80 = tpu.memref_slice %arg5[%dma_wait3A_67, %dma_wait3A_68, %dma_wait3A_79] : memref<125000x8x64xf32, #tpu.memory_space<hbm>> -> memref<1x1x64xf32, #tpu.memory_space<hbm>>
      %dma_wait3A_81 = tpu.memref_squeeze %dma_wait3A_80 : memref<1x1x64xf32, #tpu.memory_space<hbm>> -> memref<64xf32, #tpu.memory_space<hbm>>
      tpu.wait_dma2 semaphore(%arg10 : memref<!tpu.dma_semaphore, #tpu.memory_space<semaphore_mem>>) src(%dma_wait3A_81 : memref<64xf32, #tpu.memory_space<hbm>>) dst(%dma_wait3A_78 : memref<64xf32, #tpu.memory_space<vmem>>)
      %dma_wait3A_82 = arith.constant 0 : i32
      %dma_wait3A_83 = arith.constant 0 : i32
      %dma_wait3A_84 = arith.constant 0 : i32
      %dma_wait3A_85 = arith.constant 0 : i32
      %dma_wait3A_86 = tpu.memref_slice %arg9[%dma_wait3A_84, %dma_wait3A_85] : memref<512x64xf32, #tpu.memory_space<vmem>> -> memref<1x64xf32, #tpu.memory_space<vmem>>
      %dma_wait3A_87 = tpu.memref_squeeze %dma_wait3A_86 : memref<1x64xf32, #tpu.memory_space<vmem>> -> memref<64xf32, #tpu.memory_space<vmem>>
      %dma_wait3A_88 = arith.constant 0 : i32
      %dma_wait3A_89 = tpu.memref_slice %arg5[%dma_wait3A_82, %dma_wait3A_83, %dma_wait3A_88] : memref<125000x8x64xf32, #tpu.memory_space<hbm>> -> memref<1x1x64xf32, #tpu.memory_space<hbm>>
      %dma_wait3A_90 = tpu.memref_squeeze %dma_wait3A_89 : memref<1x1x64xf32, #tpu.memory_space<hbm>> -> memref<64xf32, #tpu.memory_space<hbm>>
      %dma_wait3A_91 = arith.constant 0 : i32
      %dma_wait3A_92 = tpu.memref_slice %arg9[%dma_wait3A_84, %dma_wait3A_91] : memref<512x64xf32, #tpu.memory_space<vmem>> -> memref<1x64xf32, #tpu.memory_space<vmem>>
      %dma_wait3A_93 = tpu.memref_squeeze %dma_wait3A_92 : memref<1x64xf32, #tpu.memory_space<vmem>> -> memref<64xf32, #tpu.memory_space<vmem>>
      %dma_wait3A_94 = arith.constant 0 : i32
      %dma_wait3A_95 = tpu.memref_slice %arg5[%dma_wait3A_82, %dma_wait3A_83, %dma_wait3A_94] : memref<125000x8x64xf32, #tpu.memory_space<hbm>> -> memref<1x1x64xf32, #tpu.memory_space<hbm>>
      %dma_wait3A_96 = tpu.memref_squeeze %dma_wait3A_95 : memref<1x1x64xf32, #tpu.memory_space<hbm>> -> memref<64xf32, #tpu.memory_space<hbm>>
      tpu.wait_dma2 semaphore(%arg10 : memref<!tpu.dma_semaphore, #tpu.memory_space<semaphore_mem>>) src(%dma_wait3A_96 : memref<64xf32, #tpu.memory_space<hbm>>) dst(%dma_wait3A_93 : memref<64xf32, #tpu.memory_space<vmem>>)
      %dma_wait3A_97 = arith.constant 0 : i32
      %dma_wait3A_98 = arith.constant 0 : i32
      %dma_wait3A_99 = arith.constant 0 : i32
      %dma_wait3A_100 = arith.constant 0 : i32
      %dma_wait3A_101 = tpu.memref_slice %arg9[%dma_wait3A_99, %dma_wait3A_100] : memref<512x64xf32, #tpu.memory_space<vmem>> -> memref<1x64xf32, #tpu.memory_space<vmem>>
      %dma_wait3A_102 = tpu.memref_squeeze %dma_wait3A_101 : memref<1x64xf32, #tpu.memory_space<vmem>> -> memref<64xf32, #tpu.memory_space<vmem>>
      %dma_wait3A_103 = arith.constant 0 : i32
      %dma_wait3A_104 = tpu.memref_slice %arg5[%dma_wait3A_97, %dma_wait3A_98, %dma_wait3A_103] : memref<125000x8x64xf32, #tpu.memory_space<hbm>> -> memref<1x1x64xf32, #tpu.memory_space<hbm>>
      %dma_wait3A_105 = tpu.memref_squeeze %dma_wait3A_104 : memref<1x1x64xf32, #tpu.memory_space<hbm>> -> memref<64xf32, #tpu.memory_space<hbm>>
      %dma_wait3A_106 = arith.constant 0 : i32
      %dma_wait3A_107 = tpu.memref_slice %arg9[%dma_wait3A_99, %dma_wait3A_106] : memref<512x64xf32, #tpu.memory_space<vmem>> -> memref<1x64xf32, #tpu.memory_space<vmem>>
      %dma_wait3A_108 = tpu.memref_squeeze %dma_wait3A_107 : memref<1x64xf32, #tpu.memory_space<vmem>> -> memref<64xf32, #tpu.memory_space<vmem>>
      %dma_wait3A_109 = arith.constant 0 : i32
      %dma_wait3A_110 = tpu.memref_slice %arg5[%dma_wait3A_97, %dma_wait3A_98, %dma_wait3A_109] : memref<125000x8x64xf32, #tpu.memory_space<hbm>> -> memref<1x1x64xf32, #tpu.memory_space<hbm>>
      %dma_wait3A_111 = tpu.memref_squeeze %dma_wait3A_110 : memref<1x1x64xf32, #tpu.memory_space<hbm>> -> memref<64xf32, #tpu.memory_space<hbm>>
      tpu.wait_dma2 semaphore(%arg10 : memref<!tpu.dma_semaphore, #tpu.memory_space<semaphore_mem>>) src(%dma_wait3A_111 : memref<64xf32, #tpu.memory_space<hbm>>) dst(%dma_wait3A_108 : memref<64xf32, #tpu.memory_space<vmem>>)
      %dma_wait3A_112 = arith.constant 0 : i32
      %dma_wait3A_113 = arith.constant 0 : i32
      %dma_wait3A_114 = arith.constant 0 : i32
      %dma_wait3A_115 = arith.constant 0 : i32
      %dma_wait3A_116 = tpu.memref_slice %arg9[%dma_wait3A_114, %dma_wait3A_115] : memref<512x64xf32, #tpu.memory_space<vmem>> -> memref<1x64xf32, #tpu.memory_space<vmem>>
      %dma_wait3A_117 = tpu.memref_squeeze %dma_wait3A_116 : memref<1x64xf32, #tpu.memory_space<vmem>> -> memref<64xf32, #tpu.memory_space<vmem>>
      %dma_wait3A_118 = arith.constant 0 : i32
      %dma_wait3A_119 = tpu.memref_slice %arg5[%dma_wait3A_112, %dma_wait3A_113, %dma_wait3A_118] : memref<125000x8x64xf32, #tpu.memory_space<hbm>> -> memref<1x1x64xf32, #tpu.memory_space<hbm>>
      %dma_wait3A_120 = tpu.memref_squeeze %dma_wait3A_119 : memref<1x1x64xf32, #tpu.memory_space<hbm>> -> memref<64xf32, #tpu.memory_space<hbm>>
      %dma_wait3A_121 = arith.constant 0 : i32
      %dma_wait3A_122 = tpu.memref_slice %arg9[%dma_wait3A_114, %dma_wait3A_121] : memref<512x64xf32, #tpu.memory_space<vmem>> -> memref<1x64xf32, #tpu.memory_space<vmem>>
      %dma_wait3A_123 = tpu.memref_squeeze %dma_wait3A_122 : memref<1x64xf32, #tpu.memory_space<vmem>> -> memref<64xf32, #tpu.memory_space<vmem>>
      %dma_wait3A_124 = arith.constant 0 : i32
      %dma_wait3A_125 = tpu.memref_slice %arg5[%dma_wait3A_112, %dma_wait3A_113, %dma_wait3A_124] : memref<125000x8x64xf32, #tpu.memory_space<hbm>> -> memref<1x1x64xf32, #tpu.memory_space<hbm>>
      %dma_wait3A_126 = tpu.memref_squeeze %dma_wait3A_125 : memref<1x1x64xf32, #tpu.memory_space<hbm>> -> memref<64xf32, #tpu.memory_space<hbm>>
      tpu.wait_dma2 semaphore(%arg10 : memref<!tpu.dma_semaphore, #tpu.memory_space<semaphore_mem>>) src(%dma_wait3A_126 : memref<64xf32, #tpu.memory_space<hbm>>) dst(%dma_wait3A_123 : memref<64xf32, #tpu.memory_space<vmem>>)
      %dma_wait3A_127 = arith.constant 0 : i32
      %dma_wait3A_128 = arith.constant 0 : i32
      %dma_wait3A_129 = arith.constant 0 : i32
      %dma_wait3A_130 = arith.constant 0 : i32
      %dma_wait3A_131 = tpu.memref_slice %arg9[%dma_wait3A_129, %dma_wait3A_130] : memref<512x64xf32, #tpu.memory_space<vmem>> -> memref<1x64xf32, #tpu.memory_space<vmem>>
      %dma_wait3A_132 = tpu.memref_squeeze %dma_wait3A_131 : memref<1x64xf32, #tpu.memory_space<vmem>> -> memref<64xf32, #tpu.memory_space<vmem>>
      %dma_wait3A_133 = arith.constant 0 : i32
      %dma_wait3A_134 = tpu.memref_slice %arg5[%dma_wait3A_127, %dma_wait3A_128, %dma_wait3A_133] : memref<125000x8x64xf32, #tpu.memory_space<hbm>> -> memref<1x1x64xf32, #tpu.memory_space<hbm>>
      %dma_wait3A_135 = tpu.memref_squeeze %dma_wait3A_134 : memref<1x1x64xf32, #tpu.memory_space<hbm>> -> memref<64xf32, #tpu.memory_space<hbm>>
      %dma_wait3A_136 = arith.constant 0 : i32
      %dma_wait3A_137 = tpu.memref_slice %arg9[%dma_wait3A_129, %dma_wait3A_136] : memref<512x64xf32, #tpu.memory_space<vmem>> -> memref<1x64xf32, #tpu.memory_space<vmem>>
      %dma_wait3A_138 = tpu.memref_squeeze %dma_wait3A_137 : memref<1x64xf32, #tpu.memory_space<vmem>> -> memref<64xf32, #tpu.memory_space<vmem>>
      %dma_wait3A_139 = arith.constant 0 : i32
      %dma_wait3A_140 = tpu.memref_slice %arg5[%dma_wait3A_127, %dma_wait3A_128, %dma_wait3A_139] : memref<125000x8x64xf32, #tpu.memory_space<hbm>> -> memref<1x1x64xf32, #tpu.memory_space<hbm>>
      %dma_wait3A_141 = tpu.memref_squeeze %dma_wait3A_140 : memref<1x1x64xf32, #tpu.memory_space<hbm>> -> memref<64xf32, #tpu.memory_space<hbm>>
      tpu.wait_dma2 semaphore(%arg10 : memref<!tpu.dma_semaphore, #tpu.memory_space<semaphore_mem>>) src(%dma_wait3A_141 : memref<64xf32, #tpu.memory_space<hbm>>) dst(%dma_wait3A_138 : memref<64xf32, #tpu.memory_space<vmem>>)
      %dma_wait3A_142 = arith.constant 0 : i32
      %dma_wait3A_143 = arith.constant 0 : i32
      %dma_wait3A_144 = arith.constant 0 : i32
      %dma_wait3A_145 = arith.constant 0 : i32
      %dma_wait3A_146 = tpu.memref_slice %arg9[%dma_wait3A_144, %dma_wait3A_145] : memref<512x64xf32, #tpu.memory_space<vmem>> -> memref<1x64xf32, #tpu.memory_space<vmem>>
      %dma_wait3A_147 = tpu.memref_squeeze %dma_wait3A_146 : memref<1x64xf32, #tpu.memory_space<vmem>> -> memref<64xf32, #tpu.memory_space<vmem>>
      %dma_wait3A_148 = arith.constant 0 : i32
      %dma_wait3A_149 = tpu.memref_slice %arg5[%dma_wait3A_142, %dma_wait3A_143, %dma_wait3A_148] : memref<125000x8x64xf32, #tpu.memory_space<hbm>> -> memref<1x1x64xf32, #tpu.memory_space<hbm>>
      %dma_wait3A_150 = tpu.memref_squeeze %dma_wait3A_149 : memref<1x1x64xf32, #tpu.memory_space<hbm>> -> memref<64xf32, #tpu.memory_space<hbm>>
      %dma_wait3A_151 = arith.constant 0 : i32
      %dma_wait3A_152 = tpu.memref_slice %arg9[%dma_wait3A_144, %dma_wait3A_151] : memref<512x64xf32, #tpu.memory_space<vmem>> -> memref<1x64xf32, #tpu.memory_space<vmem>>
      %dma_wait3A_153 = tpu.memref_squeeze %dma_wait3A_152 : memref<1x64xf32, #tpu.memory_space<vmem>> -> memref<64xf32, #tpu.memory_space<vmem>>
      %dma_wait3A_154 = arith.constant 0 : i32
      %dma_wait3A_155 = tpu.memref_slice %arg5[%dma_wait3A_142, %dma_wait3A_143, %dma_wait3A_154] : memref<125000x8x64xf32, #tpu.memory_space<hbm>> -> memref<1x1x64xf32, #tpu.memory_space<hbm>>
      %dma_wait3A_156 = tpu.memref_squeeze %dma_wait3A_155 : memref<1x1x64xf32, #tpu.memory_space<hbm>> -> memref<64xf32, #tpu.memory_space<hbm>>
      tpu.wait_dma2 semaphore(%arg10 : memref<!tpu.dma_semaphore, #tpu.memory_space<semaphore_mem>>) src(%dma_wait3A_156 : memref<64xf32, #tpu.memory_space<hbm>>) dst(%dma_wait3A_153 : memref<64xf32, #tpu.memory_space<vmem>>)
      %dma_wait3A_157 = arith.constant 0 : i32
      %dma_wait3A_158 = arith.constant 0 : i32
      %dma_wait3A_159 = arith.constant 0 : i32
      %dma_wait3A_160 = arith.constant 0 : i32
      %dma_wait3A_161 = tpu.memref_slice %arg9[%dma_wait3A_159, %dma_wait3A_160] : memref<512x64xf32, #tpu.memory_space<vmem>> -> memref<1x64xf32, #tpu.memory_space<vmem>>
      %dma_wait3A_162 = tpu.memref_squeeze %dma_wait3A_161 : memref<1x64xf32, #tpu.memory_space<vmem>> -> memref<64xf32, #tpu.memory_space<vmem>>
      %dma_wait3A_163 = arith.constant 0 : i32
      %dma_wait3A_164 = tpu.memref_slice %arg5[%dma_wait3A_157, %dma_wait3A_158, %dma_wait3A_163] : memref<125000x8x64xf32, #tpu.memory_space<hbm>> -> memref<1x1x64xf32, #tpu.memory_space<hbm>>
      %dma_wait3A_165 = tpu.memref_squeeze %dma_wait3A_164 : memref<1x1x64xf32, #tpu.memory_space<hbm>> -> memref<64xf32, #tpu.memory_space<hbm>>
      %dma_wait3A_166 = arith.constant 0 : i32
      %dma_wait3A_167 = tpu.memref_slice %arg9[%dma_wait3A_159, %dma_wait3A_166] : memref<512x64xf32, #tpu.memory_space<vmem>> -> memref<1x64xf32, #tpu.memory_space<vmem>>
      %dma_wait3A_168 = tpu.memref_squeeze %dma_wait3A_167 : memref<1x64xf32, #tpu.memory_space<vmem>> -> memref<64xf32, #tpu.memory_space<vmem>>
      %dma_wait3A_169 = arith.constant 0 : i32
      %dma_wait3A_170 = tpu.memref_slice %arg5[%dma_wait3A_157, %dma_wait3A_158, %dma_wait3A_169] : memref<125000x8x64xf32, #tpu.memory_space<hbm>> -> memref<1x1x64xf32, #tpu.memory_space<hbm>>
      %dma_wait3A_171 = tpu.memref_squeeze %dma_wait3A_170 : memref<1x1x64xf32, #tpu.memory_space<hbm>> -> memref<64xf32, #tpu.memory_space<hbm>>
      tpu.wait_dma2 semaphore(%arg10 : memref<!tpu.dma_semaphore, #tpu.memory_space<semaphore_mem>>) src(%dma_wait3A_171 : memref<64xf32, #tpu.memory_space<hbm>>) dst(%dma_wait3A_168 : memref<64xf32, #tpu.memory_space<vmem>>)
      %dma_wait3A_172 = arith.constant 0 : i32
      %dma_wait3A_173 = arith.constant 0 : i32
      %dma_wait3A_174 = arith.constant 0 : i32
      %dma_wait3A_175 = arith.constant 0 : i32
      %dma_wait3A_176 = tpu.memref_slice %arg9[%dma_wait3A_174, %dma_wait3A_175] : memref<512x64xf32, #tpu.memory_space<vmem>> -> memref<1x64xf32, #tpu.memory_space<vmem>>
      %dma_wait3A_177 = tpu.memref_squeeze %dma_wait3A_176 : memref<1x64xf32, #tpu.memory_space<vmem>> -> memref<64xf32, #tpu.memory_space<vmem>>
      %dma_wait3A_178 = arith.constant 0 : i32
      %dma_wait3A_179 = tpu.memref_slice %arg5[%dma_wait3A_172, %dma_wait3A_173, %dma_wait3A_178] : memref<125000x8x64xf32, #tpu.memory_space<hbm>> -> memref<1x1x64xf32, #tpu.memory_space<hbm>>
      %dma_wait3A_180 = tpu.memref_squeeze %dma_wait3A_179 : memref<1x1x64xf32, #tpu.memory_space<hbm>> -> memref<64xf32, #tpu.memory_space<hbm>>
      %dma_wait3A_181 = arith.constant 0 : i32
      %dma_wait3A_182 = tpu.memref_slice %arg9[%dma_wait3A_174, %dma_wait3A_181] : memref<512x64xf32, #tpu.memory_space<vmem>> -> memref<1x64xf32, #tpu.memory_space<vmem>>
      %dma_wait3A_183 = tpu.memref_squeeze %dma_wait3A_182 : memref<1x64xf32, #tpu.memory_space<vmem>> -> memref<64xf32, #tpu.memory_space<vmem>>
      %dma_wait3A_184 = arith.constant 0 : i32
      %dma_wait3A_185 = tpu.memref_slice %arg5[%dma_wait3A_172, %dma_wait3A_173, %dma_wait3A_184] : memref<125000x8x64xf32, #tpu.memory_space<hbm>> -> memref<1x1x64xf32, #tpu.memory_space<hbm>>
      %dma_wait3A_186 = tpu.memref_squeeze %dma_wait3A_185 : memref<1x1x64xf32, #tpu.memory_space<hbm>> -> memref<64xf32, #tpu.memory_space<hbm>>
      tpu.wait_dma2 semaphore(%arg10 : memref<!tpu.dma_semaphore, #tpu.memory_space<semaphore_mem>>) src(%dma_wait3A_186 : memref<64xf32, #tpu.memory_space<hbm>>) dst(%dma_wait3A_183 : memref<64xf32, #tpu.memory_space<vmem>>)
      %dma_wait3A_187 = arith.constant 0 : i32
      %dma_wait3A_188 = arith.constant 0 : i32
      %dma_wait3A_189 = arith.constant 0 : i32
      %dma_wait3A_190 = arith.constant 0 : i32
      %dma_wait3A_191 = tpu.memref_slice %arg9[%dma_wait3A_189, %dma_wait3A_190] : memref<512x64xf32, #tpu.memory_space<vmem>> -> memref<1x64xf32, #tpu.memory_space<vmem>>
      %dma_wait3A_192 = tpu.memref_squeeze %dma_wait3A_191 : memref<1x64xf32, #tpu.memory_space<vmem>> -> memref<64xf32, #tpu.memory_space<vmem>>
      %dma_wait3A_193 = arith.constant 0 : i32
      %dma_wait3A_194 = tpu.memref_slice %arg5[%dma_wait3A_187, %dma_wait3A_188, %dma_wait3A_193] : memref<125000x8x64xf32, #tpu.memory_space<hbm>> -> memref<1x1x64xf32, #tpu.memory_space<hbm>>
      %dma_wait3A_195 = tpu.memref_squeeze %dma_wait3A_194 : memref<1x1x64xf32, #tpu.memory_space<hbm>> -> memref<64xf32, #tpu.memory_space<hbm>>
      %dma_wait3A_196 = arith.constant 0 : i32
      %dma_wait3A_197 = tpu.memref_slice %arg9[%dma_wait3A_189, %dma_wait3A_196] : memref<512x64xf32, #tpu.memory_space<vmem>> -> memref<1x64xf32, #tpu.memory_space<vmem>>
      %dma_wait3A_198 = tpu.memref_squeeze %dma_wait3A_197 : memref<1x64xf32, #tpu.memory_space<vmem>> -> memref<64xf32, #tpu.memory_space<vmem>>
      %dma_wait3A_199 = arith.constant 0 : i32
      %dma_wait3A_200 = tpu.memref_slice %arg5[%dma_wait3A_187, %dma_wait3A_188, %dma_wait3A_199] : memref<125000x8x64xf32, #tpu.memory_space<hbm>> -> memref<1x1x64xf32, #tpu.memory_space<hbm>>
      %dma_wait3A_201 = tpu.memref_squeeze %dma_wait3A_200 : memref<1x1x64xf32, #tpu.memory_space<hbm>> -> memref<64xf32, #tpu.memory_space<hbm>>
      tpu.wait_dma2 semaphore(%arg10 : memref<!tpu.dma_semaphore, #tpu.memory_space<semaphore_mem>>) src(%dma_wait3A_201 : memref<64xf32, #tpu.memory_space<hbm>>) dst(%dma_wait3A_198 : memref<64xf32, #tpu.memory_space<vmem>>)
      %dma_wait3A_202 = arith.constant 0 : i32
      %dma_wait3A_203 = arith.constant 0 : i32
      %dma_wait3A_204 = arith.constant 0 : i32
      %dma_wait3A_205 = arith.constant 0 : i32
      %dma_wait3A_206 = tpu.memref_slice %arg9[%dma_wait3A_204, %dma_wait3A_205] : memref<512x64xf32, #tpu.memory_space<vmem>> -> memref<1x64xf32, #tpu.memory_space<vmem>>
      %dma_wait3A_207 = tpu.memref_squeeze %dma_wait3A_206 : memref<1x64xf32, #tpu.memory_space<vmem>> -> memref<64xf32, #tpu.memory_space<vmem>>
      %dma_wait3A_208 = arith.constant 0 : i32
      %dma_wait3A_209 = tpu.memref_slice %arg5[%dma_wait3A_202, %dma_wait3A_203, %dma_wait3A_208] : memref<125000x8x64xf32, #tpu.memory_space<hbm>> -> memref<1x1x64xf32, #tpu.memory_space<hbm>>
      %dma_wait3A_210 = tpu.memref_squeeze %dma_wait3A_209 : memref<1x1x64xf32, #tpu.memory_space<hbm>> -> memref<64xf32, #tpu.memory_space<hbm>>
      %dma_wait3A_211 = arith.constant 0 : i32
      %dma_wait3A_212 = tpu.memref_slice %arg9[%dma_wait3A_204, %dma_wait3A_211] : memref<512x64xf32, #tpu.memory_space<vmem>> -> memref<1x64xf32, #tpu.memory_space<vmem>>
      %dma_wait3A_213 = tpu.memref_squeeze %dma_wait3A_212 : memref<1x64xf32, #tpu.memory_space<vmem>> -> memref<64xf32, #tpu.memory_space<vmem>>
      %dma_wait3A_214 = arith.constant 0 : i32
      %dma_wait3A_215 = tpu.memref_slice %arg5[%dma_wait3A_202, %dma_wait3A_203, %dma_wait3A_214] : memref<125000x8x64xf32, #tpu.memory_space<hbm>> -> memref<1x1x64xf32, #tpu.memory_space<hbm>>
      %dma_wait3A_216 = tpu.memref_squeeze %dma_wait3A_215 : memref<1x1x64xf32, #tpu.memory_space<hbm>> -> memref<64xf32, #tpu.memory_space<hbm>>
      tpu.wait_dma2 semaphore(%arg10 : memref<!tpu.dma_semaphore, #tpu.memory_space<semaphore_mem>>) src(%dma_wait3A_216 : memref<64xf32, #tpu.memory_space<hbm>>) dst(%dma_wait3A_213 : memref<64xf32, #tpu.memory_space<vmem>>)
      %dma_wait3A_217 = arith.constant 0 : i32
      %dma_wait3A_218 = arith.constant 0 : i32
      %dma_wait3A_219 = arith.constant 0 : i32
      %dma_wait3A_220 = arith.constant 0 : i32
      %dma_wait3A_221 = tpu.memref_slice %arg9[%dma_wait3A_219, %dma_wait3A_220] : memref<512x64xf32, #tpu.memory_space<vmem>> -> memref<1x64xf32, #tpu.memory_space<vmem>>
      %dma_wait3A_222 = tpu.memref_squeeze %dma_wait3A_221 : memref<1x64xf32, #tpu.memory_space<vmem>> -> memref<64xf32, #tpu.memory_space<vmem>>
      %dma_wait3A_223 = arith.constant 0 : i32
      %dma_wait3A_224 = tpu.memref_slice %arg5[%dma_wait3A_217, %dma_wait3A_218, %dma_wait3A_223] : memref<125000x8x64xf32, #tpu.memory_space<hbm>> -> memref<1x1x64xf32, #tpu.memory_space<hbm>>
      %dma_wait3A_225 = tpu.memref_squeeze %dma_wait3A_224 : memref<1x1x64xf32, #tpu.memory_space<hbm>> -> memref<64xf32, #tpu.memory_space<hbm>>
      %dma_wait3A_226 = arith.constant 0 : i32
      %dma_wait3A_227 = tpu.memref_slice %arg9[%dma_wait3A_219, %dma_wait3A_226] : memref<512x64xf32, #tpu.memory_space<vmem>> -> memref<1x64xf32, #tpu.memory_space<vmem>>
      %dma_wait3A_228 = tpu.memref_squeeze %dma_wait3A_227 : memref<1x64xf32, #tpu.memory_space<vmem>> -> memref<64xf32, #tpu.memory_space<vmem>>
      %dma_wait3A_229 = arith.constant 0 : i32
      %dma_wait3A_230 = tpu.memref_slice %arg5[%dma_wait3A_217, %dma_wait3A_218, %dma_wait3A_229] : memref<125000x8x64xf32, #tpu.memory_space<hbm>> -> memref<1x1x64xf32, #tpu.memory_space<hbm>>
      %dma_wait3A_231 = tpu.memref_squeeze %dma_wait3A_230 : memref<1x1x64xf32, #tpu.memory_space<hbm>> -> memref<64xf32, #tpu.memory_space<hbm>>
      tpu.wait_dma2 semaphore(%arg10 : memref<!tpu.dma_semaphore, #tpu.memory_space<semaphore_mem>>) src(%dma_wait3A_231 : memref<64xf32, #tpu.memory_space<hbm>>) dst(%dma_wait3A_228 : memref<64xf32, #tpu.memory_space<vmem>>)
      %dma_wait3A_232 = arith.constant 0 : i32
      %dma_wait3A_233 = arith.constant 0 : i32
      %dma_wait3A_234 = arith.constant 0 : i32
      %dma_wait3A_235 = arith.constant 0 : i32
      %dma_wait3A_236 = tpu.memref_slice %arg9[%dma_wait3A_234, %dma_wait3A_235] : memref<512x64xf32, #tpu.memory_space<vmem>> -> memref<1x64xf32, #tpu.memory_space<vmem>>
      %dma_wait3A_237 = tpu.memref_squeeze %dma_wait3A_236 : memref<1x64xf32, #tpu.memory_space<vmem>> -> memref<64xf32, #tpu.memory_space<vmem>>
      %dma_wait3A_238 = arith.constant 0 : i32
      %dma_wait3A_239 = tpu.memref_slice %arg5[%dma_wait3A_232, %dma_wait3A_233, %dma_wait3A_238] : memref<125000x8x64xf32, #tpu.memory_space<hbm>> -> memref<1x1x64xf32, #tpu.memory_space<hbm>>
      %dma_wait3A_240 = tpu.memref_squeeze %dma_wait3A_239 : memref<1x1x64xf32, #tpu.memory_space<hbm>> -> memref<64xf32, #tpu.memory_space<hbm>>
      %dma_wait3A_241 = arith.constant 0 : i32
      %dma_wait3A_242 = tpu.memref_slice %arg9[%dma_wait3A_234, %dma_wait3A_241] : memref<512x64xf32, #tpu.memory_space<vmem>> -> memref<1x64xf32, #tpu.memory_space<vmem>>
      %dma_wait3A_243 = tpu.memref_squeeze %dma_wait3A_242 : memref<1x64xf32, #tpu.memory_space<vmem>> -> memref<64xf32, #tpu.memory_space<vmem>>
      %dma_wait3A_244 = arith.constant 0 : i32
      %dma_wait3A_245 = tpu.memref_slice %arg5[%dma_wait3A_232, %dma_wait3A_233, %dma_wait3A_244] : memref<125000x8x64xf32, #tpu.memory_space<hbm>> -> memref<1x1x64xf32, #tpu.memory_space<hbm>>
      %dma_wait3A_246 = tpu.memref_squeeze %dma_wait3A_245 : memref<1x1x64xf32, #tpu.memory_space<hbm>> -> memref<64xf32, #tpu.memory_space<hbm>>
      tpu.wait_dma2 semaphore(%arg10 : memref<!tpu.dma_semaphore, #tpu.memory_space<semaphore_mem>>) src(%dma_wait3A_246 : memref<64xf32, #tpu.memory_space<hbm>>) dst(%dma_wait3A_243 : memref<64xf32, #tpu.memory_space<vmem>>)
      %dma_wait3A_247 = arith.constant 0 : i32
      %dma_wait3A_248 = arith.constant 0 : i32
      %dma_wait3A_249 = arith.constant 0 : i32
      %dma_wait3A_250 = arith.constant 0 : i32
      %dma_wait3A_251 = tpu.memref_slice %arg9[%dma_wait3A_249, %dma_wait3A_250] : memref<512x64xf32, #tpu.memory_space<vmem>> -> memref<1x64xf32, #tpu.memory_space<vmem>>
      %dma_wait3A_252 = tpu.memref_squeeze %dma_wait3A_251 : memref<1x64xf32, #tpu.memory_space<vmem>> -> memref<64xf32, #tpu.memory_space<vmem>>
      %dma_wait3A_253 = arith.constant 0 : i32
      %dma_wait3A_254 = tpu.memref_slice %arg5[%dma_wait3A_247, %dma_wait3A_248, %dma_wait3A_253] : memref<125000x8x64xf32, #tpu.memory_space<hbm>> -> memref<1x1x64xf32, #tpu.memory_space<hbm>>
      %dma_wait3A_255 = tpu.memref_squeeze %dma_wait3A_254 : memref<1x1x64xf32, #tpu.memory_space<hbm>> -> memref<64xf32, #tpu.memory_space<hbm>>
      %dma_wait3A_256 = arith.constant 0 : i32
      %dma_wait3A_257 = tpu.memref_slice %arg9[%dma_wait3A_249, %dma_wait3A_256] : memref<512x64xf32, #tpu.memory_space<vmem>> -> memref<1x64xf32, #tpu.memory_space<vmem>>
      %dma_wait3A_258 = tpu.memref_squeeze %dma_wait3A_257 : memref<1x64xf32, #tpu.memory_space<vmem>> -> memref<64xf32, #tpu.memory_space<vmem>>
      %dma_wait3A_259 = arith.constant 0 : i32
      %dma_wait3A_260 = tpu.memref_slice %arg5[%dma_wait3A_247, %dma_wait3A_248, %dma_wait3A_259] : memref<125000x8x64xf32, #tpu.memory_space<hbm>> -> memref<1x1x64xf32, #tpu.memory_space<hbm>>
      %dma_wait3A_261 = tpu.memref_squeeze %dma_wait3A_260 : memref<1x1x64xf32, #tpu.memory_space<hbm>> -> memref<64xf32, #tpu.memory_space<hbm>>
      tpu.wait_dma2 semaphore(%arg10 : memref<!tpu.dma_semaphore, #tpu.memory_space<semaphore_mem>>) src(%dma_wait3A_261 : memref<64xf32, #tpu.memory_space<hbm>>) dst(%dma_wait3A_258 : memref<64xf32, #tpu.memory_space<vmem>>)
    }
    %scan3A_21 = arith.constant 32 : i32
    "tpu.region"() ({
      %run_scoped3A = tpu.sem_alloc : memref<!tpu.dma_semaphore, #tpu.memory_space<semaphore_mem>>
      %dma_start3A = arith.constant 0 : i32
      %dma_start3A_22 = tpu.memref_slice %arg7[%mul3A_2, %dma_start3A] : memref<16384x64xf32, #tpu.memory_space<hbm>> -> memref<512x64xf32, #tpu.memory_space<hbm>>
      %dma_start3A_23 = arith.constant 0 : i32
      %dma_start3A_24 = tpu.memref_slice %arg7[%mul3A_2, %dma_start3A_23] : memref<16384x64xf32, #tpu.memory_space<hbm>> -> memref<512x64xf32, #tpu.memory_space<hbm>>
      tpu.enqueue_dma source(%arg9 : memref<512x64xf32, #tpu.memory_space<vmem>>) target(%dma_start3A_24 : memref<512x64xf32, #tpu.memory_space<hbm>>) target_semaphore(%run_scoped3A : memref<!tpu.dma_semaphore, #tpu.memory_space<semaphore_mem>>)
      %dma_wait3A = arith.constant 0 : i32
      %dma_wait3A_25 = tpu.memref_slice %arg7[%mul3A_2, %dma_wait3A] : memref<16384x64xf32, #tpu.memory_space<hbm>> -> memref<512x64xf32, #tpu.memory_space<hbm>>
      %dma_wait3A_26 = arith.constant 0 : i32
      %dma_wait3A_27 = tpu.memref_slice %arg7[%mul3A_2, %dma_wait3A_26] : memref<16384x64xf32, #tpu.memory_space<hbm>> -> memref<512x64xf32, #tpu.memory_space<hbm>>
      tpu.wait_dma2 semaphore(%run_scoped3A : memref<!tpu.dma_semaphore, #tpu.memory_space<semaphore_mem>>) src(%arg9 : memref<512x64xf32, #tpu.memory_space<vmem>>) dst(%dma_wait3A_27 : memref<512x64xf32, #tpu.memory_space<hbm>>)
      tpu.yield
    }) : () -> ()
    return
  }
}

module attributes {stable_mosaic.version = 14 : i64} {
  func.func @_mlp_body(%arg0: i32, %arg1: memref<2048x64xf32, #tpu.memory_space<vmem>>, %arg2: memref<2048x64xf32, #tpu.memory_space<vmem>>, %arg3: memref<32x32xf32, #tpu.memory_space<vmem>>, %arg4: memref<32x32xf32, #tpu.memory_space<vmem>>, %arg5: memref<1x32xf32, #tpu.memory_space<vmem>>, %arg6: memref<32x16xf32, #tpu.memory_space<vmem>>, %arg7: memref<1x16xf32, #tpu.memory_space<vmem>>, %arg8: memref<1x32xf32, #tpu.memory_space<vmem>>, %arg9: memref<1x16xf32, #tpu.memory_space<vmem>>, %arg10: memref<1xf32, #tpu.memory_space<vmem>>, %arg11: memref<2048xf32, #tpu.memory_space<vmem>>) attributes {dimension_semantics = [#tpu.dimension_semantics<arbitrary>], iteration_bounds = array<i64: 8>, scalar_prefetch = 0 : i64, scratch_operands = 0 : i64, tpu.core_type = #tpu.core_type<tc>, window_params = [{transform_indices = @transform_0, window_bounds = array<i64: 2048, 64>}, {transform_indices = @transform_1, window_bounds = array<i64: 2048, 64>}, {pipeline_mode = #tpu.pipeline_mode<synchronous>, transform_indices = @transform_2, window_bounds = array<i64: 32, 32>}, {pipeline_mode = #tpu.pipeline_mode<synchronous>, transform_indices = @transform_3, window_bounds = array<i64: 32, 32>}, {pipeline_mode = #tpu.pipeline_mode<synchronous>, transform_indices = @transform_4, window_bounds = array<i64: 1, 32>}, {pipeline_mode = #tpu.pipeline_mode<synchronous>, transform_indices = @transform_5, window_bounds = array<i64: 32, 16>}, {pipeline_mode = #tpu.pipeline_mode<synchronous>, transform_indices = @transform_6, window_bounds = array<i64: 1, 16>}, {pipeline_mode = #tpu.pipeline_mode<synchronous>, transform_indices = @transform_7, window_bounds = array<i64: 1, 32>}, {pipeline_mode = #tpu.pipeline_mode<synchronous>, transform_indices = @transform_8, window_bounds = array<i64: 1, 16>}, {pipeline_mode = #tpu.pipeline_mode<synchronous>, transform_indices = @transform_9, window_bounds = array<i64: 1>}, {transform_indices = @transform_10, window_bounds = array<i64: 2048>}]} {
    %get3A = arith.constant 0 : index
    %get3A_0 = arith.constant 0 : index
    %get3A_1 = vector.load %arg1[%get3A, %get3A_0] : memref<2048x64xf32, #tpu.memory_space<vmem>>, vector<2048x64xf32>
    %get3A_2 = arith.constant 0 : index
    %get3A_3 = arith.constant 0 : index
    %get3A_4 = vector.load %arg2[%get3A_2, %get3A_3] : memref<2048x64xf32, #tpu.memory_space<vmem>>, vector<2048x64xf32>
    %slice3A = vector.extract_strided_slice %get3A_1 {offsets = [0, 0], sizes = [2048, 32], strides = [1, 1]} : vector<2048x64xf32> to vector<2048x32xf32>
    %slice3A_5 = vector.extract_strided_slice %get3A_4 {offsets = [0, 0], sizes = [2048, 32], strides = [1, 1]} : vector<2048x64xf32> to vector<2048x32xf32>
    %mul3A = arith.mulf %slice3A, %slice3A_5 : vector<2048x32xf32>
    %slice3A_6 = vector.extract_strided_slice %get3A_1 {offsets = [0, 32], sizes = [2048, 32], strides = [1, 1]} : vector<2048x64xf32> to vector<2048x32xf32>
    %get3A_7 = arith.constant 0 : index
    %get3A_8 = arith.constant 0 : index
    %get3A_9 = vector.load %arg3[%get3A_7, %get3A_8] : memref<32x32xf32, #tpu.memory_space<vmem>>, vector<32x32xf32>
    %dot_general3A = arith.constant dense<0.000000e+00> : vector<2048x32xf32>
    %dot_general3A_10 = tpu.matmul %slice3A_6, %get3A_9, %dot_general3A {dimension_numbers = #tpu.dot_dimension_numbers<[1], [0], [0], [1], [0, 0, 1, 1], [], []>, transpose_lhs_hint = false} : vector<2048x32xf32>, vector<32x32xf32>, vector<2048x32xf32> -> vector<2048x32xf32>
    %slice3A_11 = vector.extract_strided_slice %get3A_4 {offsets = [0, 32], sizes = [2048, 32], strides = [1, 1]} : vector<2048x64xf32> to vector<2048x32xf32>
    %get3A_12 = arith.constant 0 : index
    %get3A_13 = arith.constant 0 : index
    %get3A_14 = vector.load %arg4[%get3A_12, %get3A_13] : memref<32x32xf32, #tpu.memory_space<vmem>>, vector<32x32xf32>
    %dot_general3A_15 = arith.constant dense<0.000000e+00> : vector<2048x32xf32>
    %dot_general3A_16 = tpu.matmul %slice3A_11, %get3A_14, %dot_general3A_15 {dimension_numbers = #tpu.dot_dimension_numbers<[1], [0], [0], [1], [0, 0, 1, 1], [], []>, transpose_lhs_hint = false} : vector<2048x32xf32>, vector<32x32xf32>, vector<2048x32xf32> -> vector<2048x32xf32>
    %add3A = arith.addf %dot_general3A_10, %dot_general3A_16 : vector<2048x32xf32>
    %get3A_17 = arith.constant 0 : index
    %get3A_18 = arith.constant 0 : index
    %get3A_19 = vector.load %arg5[%get3A_17, %get3A_18] : memref<1x32xf32, #tpu.memory_space<vmem>>, vector<1x32xf32>
    %add3A_20 = vector.broadcast %get3A_19 : vector<1x32xf32> to vector<2048x32xf32>
    %add3A_21 = arith.addf %add3A, %add3A_20 : vector<2048x32xf32>
    %max3A = arith.constant 0.000000e+00 : f32
    %max3A_22 = vector.broadcast %max3A : f32 to vector<2048x32xf32>
    %max3A_23 = arith.maximumf %add3A_21, %max3A_22 : vector<2048x32xf32>
    %get3A_24 = arith.constant 0 : index
    %get3A_25 = arith.constant 0 : index
    %get3A_26 = vector.load %arg6[%get3A_24, %get3A_25] : memref<32x16xf32, #tpu.memory_space<vmem>>, vector<32x16xf32>
    %dot_general3A_27 = arith.constant dense<0.000000e+00> : vector<2048x16xf32>
    %dot_general3A_28 = tpu.matmul %max3A_23, %get3A_26, %dot_general3A_27 {dimension_numbers = #tpu.dot_dimension_numbers<[1], [0], [0], [1], [0, 0, 1, 1], [], []>, transpose_lhs_hint = false} : vector<2048x32xf32>, vector<32x16xf32>, vector<2048x16xf32> -> vector<2048x16xf32>
    %get3A_29 = arith.constant 0 : index
    %get3A_30 = arith.constant 0 : index
    %get3A_31 = vector.load %arg7[%get3A_29, %get3A_30] : memref<1x16xf32, #tpu.memory_space<vmem>>, vector<1x16xf32>
    %add3A_32 = vector.broadcast %get3A_31 : vector<1x16xf32> to vector<2048x16xf32>
    %add3A_33 = arith.addf %dot_general3A_28, %add3A_32 : vector<2048x16xf32>
    %max3A_34 = arith.constant 0.000000e+00 : f32
    %max3A_35 = vector.broadcast %max3A_34 : f32 to vector<2048x16xf32>
    %max3A_36 = arith.maximumf %add3A_33, %max3A_35 : vector<2048x16xf32>
    %get3A_37 = arith.constant 0 : index
    %get3A_38 = arith.constant 0 : index
    %get3A_39 = vector.load %arg8[%get3A_37, %get3A_38] : memref<1x32xf32, #tpu.memory_space<vmem>>, vector<1x32xf32>
    %mul3A_40 = vector.broadcast %get3A_39 : vector<1x32xf32> to vector<2048x32xf32>
    %mul3A_41 = arith.mulf %mul3A, %mul3A_40 : vector<2048x32xf32>
    %reduce_sum3A = arith.constant dense<0.000000e+00> : vector<2048xf32>
    %reduce_sum3A_42 = vector.multi_reduction <add>, %mul3A_41, %reduce_sum3A [1] : vector<2048x32xf32> to vector<2048xf32>
    %get3A_43 = arith.constant 0 : index
    %get3A_44 = arith.constant 0 : index
    %get3A_45 = vector.load %arg9[%get3A_43, %get3A_44] : memref<1x16xf32, #tpu.memory_space<vmem>>, vector<1x16xf32>
    %mul3A_46 = vector.broadcast %get3A_45 : vector<1x16xf32> to vector<2048x16xf32>
    %mul3A_47 = arith.mulf %max3A_36, %mul3A_46 : vector<2048x16xf32>
    %reduce_sum3A_48 = arith.constant dense<0.000000e+00> : vector<2048xf32>
    %reduce_sum3A_49 = vector.multi_reduction <add>, %mul3A_47, %reduce_sum3A_48 [1] : vector<2048x16xf32> to vector<2048xf32>
    %add3A_50 = arith.addf %reduce_sum3A_42, %reduce_sum3A_49 : vector<2048xf32>
    %get3A_51 = arith.constant 0 : index
    %get3A_52 = vector.load %arg10[%get3A_51] : memref<1xf32, #tpu.memory_space<vmem>>, vector<1xf32>
    %add3A_53 = vector.broadcast %get3A_52 : vector<1xf32> to vector<2048xf32>
    %add3A_54 = arith.addf %add3A_50, %add3A_53 : vector<2048xf32>
    %swap3A = arith.constant 0 : index
    %swap3A_55 = vector.load %arg11[%swap3A] : memref<2048xf32, #tpu.memory_space<vmem>>, vector<2048xf32>
    tpu.vector_store %arg11[%swap3A], %add3A_54 {strides = array<i32>} : memref<2048xf32, #tpu.memory_space<vmem>>, vector<2048xf32>,
    return
  }
  func.func @transform_0(%arg0: i32) -> (i32, i32) {
    %c0_i32 = arith.constant 0 : i32
    %c0_i32_0 = arith.constant 0 : i32
    return %arg0, %c0_i32 : i32, i32
  }
  func.func @transform_1(%arg0: i32) -> (i32, i32) {
    %c0_i32 = arith.constant 0 : i32
    %c0_i32_0 = arith.constant 0 : i32
    return %arg0, %c0_i32 : i32, i32
  }
  func.func @transform_2(%arg0: i32) -> (i32, i32) {
    %c0_i32 = arith.constant 0 : i32
    %c0_i32_0 = arith.constant 0 : i32
    %c0_i32_1 = arith.constant 0 : i32
    return %c0_i32, %c0_i32_0 : i32, i32
  }
  func.func @transform_3(%arg0: i32) -> (i32, i32) {
    %c0_i32 = arith.constant 0 : i32
    %c0_i32_0 = arith.constant 0 : i32
    %c0_i32_1 = arith.constant 0 : i32
    return %c0_i32, %c0_i32_0 : i32, i32
  }
  func.func @transform_4(%arg0: i32) -> (i32, i32) {
    %c0_i32 = arith.constant 0 : i32
    %c0_i32_0 = arith.constant 0 : i32
    %c0_i32_1 = arith.constant 0 : i32
    return %c0_i32, %c0_i32_0 : i32, i32
  }
  func.func @transform_5(%arg0: i32) -> (i32, i32) {
    %c0_i32 = arith.constant 0 : i32
    %c0_i32_0 = arith.constant 0 : i32
    %c0_i32_1 = arith.constant 0 : i32
    return %c0_i32, %c0_i32_0 : i32, i32
  }
  func.func @transform_6(%arg0: i32) -> (i32, i32) {
    %c0_i32 = arith.constant 0 : i32
    %c0_i32_0 = arith.constant 0 : i32
    %c0_i32_1 = arith.constant 0 : i32
    return %c0_i32, %c0_i32_0 : i32, i32
  }
  func.func @transform_7(%arg0: i32) -> (i32, i32) {
    %c0_i32 = arith.constant 0 : i32
    %c0_i32_0 = arith.constant 0 : i32
    %c0_i32_1 = arith.constant 0 : i32
    return %c0_i32, %c0_i32_0 : i32, i32
  }
  func.func @transform_8(%arg0: i32) -> (i32, i32) {
    %c0_i32 = arith.constant 0 : i32
    %c0_i32_0 = arith.constant 0 : i32
    %c0_i32_1 = arith.constant 0 : i32
    return %c0_i32, %c0_i32_0 : i32, i32
  }
  func.func @transform_9(%arg0: i32) -> i32 {
    %c0_i32 = arith.constant 0 : i32
    %c0_i32_0 = arith.constant 0 : i32
    return %c0_i32 : i32
  }
  func.func @transform_10(%arg0: i32) -> i32 {
    %c0_i32 = arith.constant 0 : i32
    return %arg0 : i32
  }
}

</mosaic_0001>

<sc_bundles>
// kernel: kernel.4.cloned.1.call-start
scs
__scs_entry_jumppad:
0x0: {  	(pc) =	sbr.rel $0x88, $3  }
0x1: {  	(tag) =	ssettag $0x0;
	lr =	simm.s32 $0x1  }
0x2: {  	[smem:$0x3F97] =	sst lr;
	_ =	strace $0xD0000000  }
0x3: {  	_ = 	snop  }
0x4: {  	_ = 	snop  }
0x5: {  	_ = 	snop  }
0x6: {  	_ = 	snop  }
0x7: {  	_ = 	snop  }
__scs_overlays_trampoline_lowered:
0x8: {  	[smem:$0x3FA6] =	sst s0  }
0x9: {  	[smem:$0x3FA7] =	sst s1  }
0xa: {  	[smem:$0x3FA8] =	sst s2  }
0xb: {  	[smem:$0x3FA9] =	sst s3  }
0xc: {  	[smem:$0x3FAA] =	sst s4  }
0xd: {  	[smem:$0x3FAB] =	sst s5  }
0xe: {  	[smem:$0x3FAC] =	sst s6  }
0xf: {  	[smem:$0x3FAD] =	sst s7  }
0x10: {  	[smem:$0x3FAE] =	sst s8  }
0x11: {  	[smem:$0x3FAF] =	sst s9;
	s0 =	simm.s32 @!p0 $0x0  }
0x12: {  	s1 =	sld [smem:$0x3F95];
	s0 =	simm.s32 @p0 $0x1  }
0x13: {  	[smem:$0x3FB0] =	sst s0;
	s0 =	simm.s32 @!p1 $0x0  }
0x14: {  	s2 =	sld [smem:$0x3F94];
	s0 =	simm.s32 @p1 $0x1  }
0x15: {  	[smem:$0x3FB1] =	sst s0;
	s0 =	simm.s32 @!p2 $0x0  }
0x16: {  	s3 =	sld [smem:$0x3FDB];
	s0 =	simm.s32 @p2 $0x1  }
0x17: {  	s4 =	simm.s32 $0x1BF5;
	[smem:$0x3FB3] =	sst s0  }
0x18: {  	s0 =	sld [smem:$0x3F96];
	_ =	swait.ge [sflag:s4], $0x0  }
0x19: {  	s7 =	sld [smem:$0x3F97]  }
0x1a: {  	s8 =	sadd.s32 $0xFFFFE003, lr  }
0x1b: {  	s9 =	sadd.s32 $0xFFFFFEF7, lr;
	s5 =	simm.s32 $0xFFFFFFFF;
	p2 =	slt.u32 s8, $0xFFFFF086  }
0x1c: {  	p1 =	slt.u32 s9, $0xF7A;
	s5 =	simm.s32 @!p2 $0x0  }
0x1d: {  	s5 =	simm.s32 @p1 $0x1;
	p0 =	seq.s32 s7, s2  }
0x1e: {  	s7 =	smul.u32 @!p0 $0xF7A, s2;
	p2 =	seq.s32 @!p0 s5, $0x0  }
0x1f: {  	s9 =	smul.u32 $0xF7A, s1;
	s8 =	simm.s32 @!p0 $0x1BF5;
	p2 =	por !p2, p0  }
0x20: {  	[sflag:s8] =	ssyncset.s32 @!p0 $0xFFFFF086;
	s6 =	sadd.s32 @!p0 s3, s7;
	s7 =	simm.s32 @!p0 $0x108  }
0x21: {  	s3 =	sadd.s32 s3, s9;
	s6 =	sadd.s32 @!p0 $0x88, s6;
	s7 =	simm.s32 @p2 $0x1082  }
0x22: {  	[simem:s7], [sflag:s8] =	dma.local @!p0 [hbm:s6], $0xF7A  }
0x23: {  	s9 =	sor.u32 $0xD0000000, s2;
	s6 =	simm.s32 $0x108;
	_ =	swait.ge @!p0 [sflag:s8], $0x0  }
0x24: {  	s3 =	sadd.s32 $0x88, s3;
	s6 =	simm.s32 @!p1 $0x1082;
	[sflag:s4] =	ssyncset.s32 $0xFFFFF086  }
0x25: {  	[simem:s6], [sflag:s4] =	dma.local [hbm:s3], $0xF7A  }
0x26: {  	[smem:$0x3F97] =	sst s1;
	(tag) =	ssettag s2;
	_ =	strace s9  }
0x27: {  	s1 =	sld [smem:$0x3FA7]  }
0x28: {  	s2 =	sld [smem:$0x3FA8]  }
0x29: {  	s4 =	sld [smem:$0x3FAA]  }
0x2a: {  	p0 =	seq.s32 s5, $0x0;
	s5 =	sld [smem:$0x3FAB]  }
0x2b: {  	s6 =	sld [smem:$0x3FAC]  }
0x2c: {  	s7 =	sld [smem:$0x3FAD]  }
0x2d: {  	s3 =	simm.s32 $0x108;
	s8 =	sld [smem:$0x3FAE]  }
0x2e: {  	s3 =	simm.s32 @!p0 $0x1082;
	s9 =	sld [smem:$0x3FAF]  }
0x2f: {  	lr =	sadd.s32 s0, s3;
	s0 =	sld [smem:$0x3FA6]  }
0x30: {  	s3 =	sld [smem:$0x3FA9]  }
0x31: {  	[smem:$0x3FB2] =	sst s10  }
0x32: {  	s10 =	sld [smem:$0x3FB0];
	_ =	sdelay $0x3  }
0x33: {  	p0 =	seq.s32 s10, $0x1;
	s10 =	sld [smem:$0x3FB2];
	_ =	sdelay $0x3  }
0x34: {  	[smem:$0x3FB2] =	sst s10  }
0x35: {  	s10 =	sld [smem:$0x3FB1];
	_ =	sdelay $0x3  }
0x36: {  	p1 =	seq.s32 s10, $0x1;
	s10 =	sld [smem:$0x3FB2];
	_ =	sdelay $0x3  }
0x37: {  	[smem:$0x3FB2] =	sst s10  }
0x38: {  	s10 =	sld [smem:$0x3FB3]  }
0x39: {  	_ = 	snop;
	(pc) =	sbr.ind lr, $3  }
0x3a: {  	_ = 	snop  }
0x3b: {  	_ = 	snop  }
0x3c: {  	p2 =	seq.s32 s10, $0x1;
	s10 =	sld [smem:$0x3FB2]  }
0x3d: {  	_ =	shalt  }
0x3e: {  	_ =	shalt  }
0x3f: {  	_ =	shalt  }
0x40: {  	_ =	shalt  }
0x41: {  	_ =	shalt  }
0x42: {  	_ =	shalt  }
0x43: {  	_ =	shalt  }
0x44: {  	_ =	shalt  }
0x45: {  	_ =	shalt  }
0x46: {  	_ =	shalt  }
0x47: {  	_ =	shalt  }
0x48: {  	_ =	shalt  }
0x49: {  	_ =	shalt  }
0x4a: {  	_ =	shalt  }
0x4b: {  	_ =	shalt  }
0x4c: {  	_ =	shalt  }
0x4d: {  	_ =	shalt  }
0x4e: {  	_ =	shalt  }
0x4f: {  	_ =	shalt  }
0x50: {  	_ =	shalt  }
0x51: {  	_ =	shalt  }
0x52: {  	_ =	shalt  }
0x53: {  	_ =	shalt  }
0x54: {  	_ =	shalt  }
0x55: {  	_ =	shalt  }
0x56: {  	_ =	shalt  }
0x57: {  	_ =	shalt  }
0x58: {  	_ =	shalt  }
0x59: {  	_ =	shalt  }
0x5a: {  	_ =	shalt  }
0x5b: {  	_ =	shalt  }
0x5c: {  	_ =	shalt  }
0x5d: {  	_ =	shalt  }
0x5e: {  	_ =	shalt  }
0x5f: {  	_ =	shalt  }
0x60: {  	_ =	shalt  }
0x61: {  	_ =	shalt  }
0x62: {  	_ =	shalt  }
0x63: {  	_ =	shalt  }
0x64: {  	_ =	shalt  }
0x65: {  	_ =	shalt  }
0x66: {  	_ =	shalt  }
0x67: {  	_ =	shalt  }
0x68: {  	_ =	shalt  }
0x69: {  	_ =	shalt  }
0x6a: {  	_ =	shalt  }
0x6b: {  	_ =	shalt  }
0x6c: {  	_ =	shalt  }
0x6d: {  	_ =	shalt  }
0x6e: {  	_ =	shalt  }
0x6f: {  	_ =	shalt  }
0x70: {  	_ =	shalt  }
0x71: {  	_ =	shalt  }
0x72: {  	_ =	shalt  }
0x73: {  	_ =	shalt  }
0x74: {  	_ =	shalt  }
0x75: {  	_ =	shalt  }
0x76: {  	_ =	shalt  }
0x77: {  	_ =	shalt  }
0x78: {  	_ =	shalt  }
0x79: {  	_ =	shalt  }
0x7a: {  	_ =	shalt  }
0x7b: {  	_ =	shalt  }
0x7c: {  	_ =	shalt  }
0x7d: {  	_ =	shalt  }
0x7e: {  	_ =	shalt  }
0x7f: {  	_ =	shalt  }
0x80: {  	_ =	shalt  }
0x81: {  	_ =	shalt  }
0x82: {  	_ =	shalt  }
0x83: {  	_ =	shalt  }
0x84: {  	_ =	shalt  }
0x85: {  	_ =	shalt  }
0x86: {  	_ =	shalt  }
0x87: {  	_ =	shalt  }
.Lfunc_end0:
.L_simem_size_0:
called_computation_lowered:
.L_overlay_start_0:
0x88: {  	s2 =	sld [smem:$0x3FD9]  }
0x89: {  	s3 =	sld [smem:$0x3FFE];
	_ =	sdelay $0x1  }
0x8a: {  	s1 =	srdreg.scid  }
0x8b: {  	s0 =	sand.u32 $0x1, s1  }
0x8c: {  	s17 =	sshll.u32 s0, $0xA;
	s2 =	sadd.s32 s3, s2  }
0x8d: {  	s2 =	sadd.s32 s2, s17  }
0x8e: {  	[smem:$0x3FBE] =	sst s2  }
0x8f: {  	_ = 	snop  }
0x90: {  	s2 =	sld [smem:$0x3FD0];
	(tm) =	ssettm $0x1  }
0x91: {  	s18 =	sld [smem:$0x3FFB];
	_ =	sdelay $0x3  }
0x92: {  	_ =	strace s18  }
0x93: {  	s3 =	sld [smem:$0x3FFC];
	_ =	sdelay $0x3  }
0x94: {  	_ =	strace s3  }
0x95: {  	s3 =	sld [smem:$0x3FFD];
	_ =	sdelay $0x3  }
0x96: {  	_ =	strace s3  }
0x97: {  	_ =	strace $0x8FFFFFFF  }
0x98: {  	s19 =	sld [smem:$0x3FDB];
	_ =	sdelay $0x1  }
0x99: {  	s4 =	simm.s32 $_scs_section_size  }
0x9a: {  	s5 =	simm.s32 $_size__tile_overlayer_lowered;
	s6 =	simm.s32 $_tile_overlayer_lowered  }
0x9b: {  	s22 =	simm.s32 $0x1BFF;
	s21 =	sshll.u32 s6, $0x1;
	s3 =	sadd.s32 s4, s19  }
0x9c: {  	s7 =	simm.s32 $0x0;
	s20 =	sshll.u32 s5, $0x1;
	s5 =	sadd.s32 s21, s3  }
0x9d: {  	[timem:s7], [sflag:s22] =	dma.local [hbm:s5], s20  }
0x9e: {  	_ =	swait.ge [sflag:s22], s20  }
0x9f: {  	s4 =	ssub.s32 $0x0, s20;
	[sflag:s22] =	ssyncset.done $0x0  }
0xa0: {  	[sflag:s22] =	ssyncadd.s32 s4;
	_ =	sdelay $0x1  }
0xa1: {  	s23 =	simm.s32 $0x1B8B  }
0xa2: {  	_ =	swait.ge [sflag:s23], $0x1  }
0xa3: {  	[sflag:s23] =	ssyncset.done $0x0  }
0xa4: {  	s25 =	simm.s32 $0x1B8E;
	s24 =	sld [smem:$0x3FFE];
	[sflag:s23] =	ssyncadd.s32 $0xFFFFFFFF  }
0xa5: {  	s26 =	simm.s32 $execute0_lowered;
	[smem:$0x3FD2] =	sst s25  }
0xa6: {  	s5 =	sshll.u32 s26, $0x1;
	_ =	strace $0x80000046;
	[dreg:$0x1] =	wrdreg $0xFFFFFFFF  }
0xa7: {  	s28 =	simm.s32 $_size_execute0_lowered;
	s3 =	sadd.s32 s3, s5;
	[dreg:$0x0] =	wrdreg $0x0  }
0xa8: {  	s5 =	sshll.u32 s28, $0x1;
	[dreg:$0x2] =	wrdreg s3  }
0xa9: {  	[dreg:$0x3] =	wrdreg s5  }
0xaa: {  	[dreg:$0x4] =	wrdreg $0xC0  }
0xab: {  	_ =	task [dreg:s7], $0x5FFFF  }
0xac: {  	[dreg:$0x1] =	wrdreg $0xFFFFFFFF  }
0xad: {  	[dreg:$0x0] =	wrdreg $0x60  }
0xae: {  	[dreg:$0x2] =	wrdreg s2  }
0xaf: {  	[dreg:$0x3] =	wrdreg s24  }
0xb0: {  	[dreg:$0x4] =	wrdreg $0x9  }
0xb1: {  	_ =	task.clear_ibuf [dreg:s7], $0x5FFFF;
	_ =	strace $0x90000046  }
0xb2: {  	s29 =	simm.s32 $0x9;
	_ =	strace $0x80000048  }
0xb3: {  	_ =	swait.ge [sflag:s29], $0x1  }
0xb4: {  	[sflag:s29] =	ssyncadd.s32 $0xFFFFFFFF  }
0xb5: {  	_ =	strace $0x90000048  }
0xb6: {  	_ =	sfence  }
0xb7: {  	s30 =	sld [smem:$0x0];
	_ =	sdelay $0x2  }
0xb8: {  	s31 =	sshll.u32 s1, $0xD;
	s1 =	sshrl.u32 s1, $0x2  }
0xb9: {  	s3 =	sand.u32 $0x4000, s31;
	s1 =	sadd.s32 s1, s30  }
0xba: {  	s0 =	sor.u32 s3, s0;
	s1 =	sshll.u32 s1, $0x11  }
0xbb: {  	s0 =	sor.u32 s1, s0  }
0xbc: {  	s0 =	sadd.s32 $0x8F2B, s0  }
0xbd: {  	[sflag:s0] =	ssyncadd.remote.s32 $0x1  }
0xbe: {  	_ =	sfence.sel $0xFFFF  }
0xbf: {  	[dreg:$0x0] =	wrdreg $0xFFFFFFFF;
	(pc) =	sbr.abs _section_cstart, $3  }
0xc0: {  	[dreg:$0x1] =	wrdreg $0xFFFFFFFF  }
0xc1: {  	_ =	task.clear_ibuf [dreg:s7], $0x2FFFF;
	_ =	strace $0x9FFFFFFF  }
0xc2: {  	(tm) =	ssettm $0x7FFFFFFF  }
0xc3: {  	_ =	shalt  }
tec
execute0_lowered:
.L_overlay_start_1:
0x0: {  	(tag) =	ssettag $0x1  }
0x1: {  	s1 =	srdreg.scid  }
0x2: {  	s0 =	stileid.u32;
	s5 =	rddreg [dreg:$0x0]  }
0x3: {  	s7 =	rddreg [dreg:$0x1];
	s2 =	simm.s32 $0x0;
	s12 =	simm.s32 $0x2  }
0x4: {  	s13 =	simm.s32 $0x1;
	s15 =	simm.s32 $0x0;
	s4 =	sand.u32 $0x1, s1  }
0x5: {  	s30 =	sshll.u32 s0, $0x1;
	s3 =	sshll.u32 s0, $0x7;
	[smem:$0x7FF] =	sst s2  }
0x6: {  	s6 =	sor.u32 s4, s30;
	_ =	strace $0x80000047;
	s10 =	ssub.s32 $0x2, s4  }
0x7: {  	s4 =	sadd.s32 $0xF44000, s7;
	s8 =	sshll.u32 s6, $0x4;
	s6 =	sshll.u32 s6, $0xD  }
0x8: {  	s31 =	sshrl.u32 s10, $0x1;
	s3 =	sor.u32 s3, s8;
	s11 =	sadd.s32 s6, s7  }
0x9: {  	s10 =	ssub.s32 s10, s31;
	s8 =	sand.u32 $0x670, s3;
	s3 =	sadd.s32 $0x1C00, s7  }
0xa: {  	s6 =	sadd.s32 $0x1E86C00, s11;
	s9 =	sadd.s32 s8, s7;
	s5 =	sadd.s32 s5, s8  }
0xb: {  	s8 =	sadd.s32 $0x1EC6C00, s11;
	s7 =	sadd.s32 $0x1E86400, s9;
	s9 =	smax.u32 s10, $0x1  }
.LBB2_1:
0xc: {  	s0 =	simm.s32 $0x80;
	s1 =	simm.s32 $0x400  }
0xd: {  	[tilespmem:s2], [sflag:$0x2] =	stream.strided.gather [hbm4b:s5+s0], $0x200, s1, s0, $0x38;
	[tilespmem:$0x10200] =	vst v63  }
0xe: {  	_ =	swait.ge [sflag:s12], $0x200  }
0xf: {  	[sflag:s12] =	ssyncset.done $0x0  }
0x10: {  	[sflag:s12] =	ssyncadd.s32 $0xFFFFFE00  }
0x11: {  	v0 =	vld [tilespmem:s2+$0x0];
	_ =	sdelay $0x4  }
0x12: {  	v0 =	vshll.u32 v0, $0x4  }
0x13: {  	(v2sf) =	vpush v0, $0x0  }
0x14: {  	(v2sf) =	vpush v0, $0x1  }
0x15: {  	(v2sf) =	vpush v0, $0x2;
	_ =	sdelay $0x1  }
0x16: {  	(v2sf) =	vpush v0, $0x4;
	_ =	sdelay $0x1  }
0x17: {  	(v2sf) =	vpush v0, $0x3  }
0x18: {  	(v2sf) =	vpush v0, $0x5  }
0x19: {  	s17 =	simm.s32 $0x2000;
	s16 =	simm.s32 $0x0;
	s18 =	simm.s32 $0x0;
	(v2sf) =	vpush v0, $0x6  }
.LBB2_2:
0x1a: {  	p0 =	sne.s32 s17, $0x3E000  }
0x1b: {  	s29 =	sadd.s32 $0x280, s16;
	s22 =	sadd.s32 $0x780, s16;
	s19 =	smov.u32 s17  }
0x1c: {  	s17 =	sadd.s32 $0x2000, s17;
	s25 =	sadd.s32 $0x580, s16;
	s20 =	sadd.s32 $0x800, s16;
	(v2sf) =	vpush v0, $0x7  }
0x1d: {  	s28 =	sadd.s32 $0x480, s16;
	s24 =	sadd.s32 $0x600, s16;
	s21 =	sadd.s32 $0x880, s16  }
0x1e: {  	s30 =	sadd.s32 $0x200, s16;
	s31 =	sadd.s32 $0x400, s16;
	(v2sf) =	vpush v0, $0x8  }
0x1f: {  	s1 =	sadd.s32 $0x500, s16;
	s18 =	sadd.s32 $0x10, s18  }
0x20: {  	s0 =	sadd.s32 $0x300, s16;
	s23 =	sadd.s32 $0x700, s16;
	s26 =	spop (v2sf);
	(v2sf) =	vpush v0, $0x9  }
0x21: {  	s10 =	sand.u32 $0x1FFFFFF0, s26;
	s26 =	sadd.s32 $0x680, s16;
	s11 =	spop (v2sf)  }
0x22: {  	s10 =	sadd.s32 s3, s10;
	s11 =	sand.u32 $0x1FFFFFF0, s11;
	s14 =	spop (v2sf);
	(v2sf) =	vpush v0, $0xA  }
0x23: {  	[tilespmem:s30], [sflag:$0x1] =	stream.linear.gather [hbm4b:s10+s2], $0x80, $0x38;
	[tilespmem:$0x10200] =	vst v63  }
0x24: {  	s10 =	sadd.s32 s3, s11;
	s11 =	sadd.s32 $0x380, s16;
	s30 =	spop (v2sf);
	(v2sf) =	vpush v0, $0xB  }
0x25: {  	[tilespmem:s29], [sflag:$0x1] =	stream.linear.gather [hbm4b:s10+s2], $0x80, $0x38;
	[tilespmem:$0x10200] =	vst v63  }
0x26: {  	s10 =	sand.u32 $0x1FFFFFF0, s14;
	s14 =	sand.u32 $0x1FFFFFF0, s30;
	s29 =	spop (v2sf);
	(v2sf) =	vpush v0, $0xC  }
0x27: {  	s10 =	sadd.s32 s3, s10;
	s29 =	sand.u32 $0x1FFFFFF0, s29;
	s30 =	spop (v2sf)  }
0x28: {  	[tilespmem:s0], [sflag:$0x1] =	stream.linear.gather [hbm4b:s10+s2], $0x80, $0x38;
	(v2sf) =	vpush v0, $0xD;
	[tilespmem:$0x10200] =	vst v63  }
0x29: {  	s0 =	sadd.s32 s3, s29;
	s10 =	sand.u32 $0x1FFFFFF0, s30;
	s29 =	spop (v2sf)  }
0x2a: {  	[tilespmem:s11], [sflag:$0x1] =	stream.linear.gather [hbm4b:s0+s2], $0x80, $0x38;
	(v2sf) =	vpush v0, $0xE;
	[tilespmem:$0x10200] =	vst v63  }
0x2b: {  	s0 =	sadd.s32 s3, s14;
	s11 =	sand.u32 $0x1FFFFFF0, s29;
	s14 =	spop (v2sf)  }
0x2c: {  	[tilespmem:s31], [sflag:$0x1] =	stream.linear.gather [hbm4b:s0+s2], $0x80, $0x38;
	(v2sf) =	vpush v0, $0xF;
	[tilespmem:$0x10200] =	vst v63  }
0x2d: {  	s0 =	sadd.s32 s3, s10;
	s10 =	sand.u32 $0x1FFFFFF0, s14;
	s14 =	spop (v2sf)  }
0x2e: {  	[tilespmem:s28], [sflag:$0x1] =	stream.linear.gather [hbm4b:s0+s2], $0x80, $0x38;
	[tilespmem:$0x10200] =	vst v63  }
0x2f: {  	s0 =	sadd.s32 s3, s11;
	s11 =	sand.u32 $0x1FFFFFF0, s14;
	s14 =	spop (v2sf)  }
0x30: {  	[tilespmem:s1], [sflag:$0x1] =	stream.linear.gather [hbm4b:s0+s2], $0x80, $0x38;
	[tilespmem:$0x10200] =	vst v63  }
0x31: {  	s0 =	sadd.s32 s3, s10;
	s1 =	sand.u32 $0x1FFFFFF0, s14;
	s10 =	spop (v2sf)  }
0x32: {  	[tilespmem:s25], [sflag:$0x1] =	stream.linear.gather [hbm4b:s0+s2], $0x80, $0x38;
	[tilespmem:$0x10200] =	vst v63  }
0x33: {  	s0 =	sadd.s32 s3, s11;
	s10 =	sand.u32 $0x1FFFFFF0, s10;
	s11 =	spop (v2sf)  }
0x34: {  	[tilespmem:s24], [sflag:$0x1] =	stream.linear.gather [hbm4b:s0+s2], $0x80, $0x38;
	[tilespmem:$0x10200] =	vst v63  }
0x35: {  	s0 =	sadd.s32 s3, s1;
	s1 =	sand.u32 $0x1FFFFFF0, s11;
	s11 =	spop (v2sf)  }
0x36: {  	[tilespmem:s26], [sflag:$0x1] =	stream.linear.gather [hbm4b:s0+s2], $0x80, $0x38;
	[tilespmem:$0x10200] =	vst v63  }
0x37: {  	s0 =	sadd.s32 s3, s10;
	s10 =	sand.u32 $0x1FFFFFF0, s11;
	s11 =	spop (v2sf)  }
0x38: {  	[tilespmem:s23], [sflag:$0x1] =	stream.linear.gather [hbm4b:s0+s2], $0x80, $0x38;
	[tilespmem:$0x10200] =	vst v63  }
0x39: {  	s0 =	sadd.s32 s3, s1;
	s1 =	sand.u32 $0x1FFFFFF0, s11;
	s11 =	spop (v2sf)  }
0x3a: {  	[tilespmem:s22], [sflag:$0x1] =	stream.linear.gather [hbm4b:s0+s2], $0x80, $0x38;
	[tilespmem:$0x10200] =	vst v63  }
0x3b: {  	s0 =	sadd.s32 s3, s10;
	s10 =	sand.u32 $0x1FFFFFF0, s11;
	s11 =	spop (v2sf)  }
0x3c: {  	[tilespmem:s20], [sflag:$0x1] =	stream.linear.gather [hbm4b:s0+s2], $0x80, $0x38;
	[tilespmem:$0x10200] =	vst v63  }
0x3d: {  	s0 =	sadd.s32 s3, s1;
	s1 =	sand.u32 $0x1FFFFFF0, s11  }
0x3e: {  	[tilespmem:s21], [sflag:$0x1] =	stream.linear.gather [hbm4b:s0+s2], $0x80, $0x38;
	[tilespmem:$0x10200] =	vst v63  }
0x3f: {  	s10 =	sadd.s32 s3, s10;
	s0 =	sadd.s32 $0x900, s16  }
0x40: {  	[tilespmem:s0], [sflag:$0x1] =	stream.linear.gather [hbm4b:s10+s2], $0x80, $0x38;
	[tilespmem:$0x10200] =	vst v63  }
0x41: {  	s1 =	sadd.s32 s3, s1;
	s0 =	sadd.s32 $0x980, s16  }
0x42: {  	[tilespmem:s0], [sflag:$0x1] =	stream.linear.gather [hbm4b:s1+s2], $0x80, $0x38;
	[tilespmem:$0x10200] =	vst v63  }
0x43: {  	v0 =	vld [tilespmem:s18+$0x0];
	_ =	sdelay $0x4  }
0x44: {  	v0 =	vshll.u32 v0, $0x4  }
0x45: {  	(v2sf) =	vpush v0, $0x0  }
0x46: {  	(v2sf) =	vpush v0, $0x1  }
0x47: {  	(v2sf) =	vpush v0, $0x2;
	_ =	sdelay $0x1  }
0x48: {  	(v2sf) =	vpush v0, $0x4  }
.Ltmp0:
0x49: {  	(pc) =	sbr.rel @p0 .LBB2_2-.Ltmp0, $3  }
0x4a: {  	(v2sf) =	vpush v0, $0x3  }
0x4b: {  	(v2sf) =	vpush v0, $0x5;
	_ =	sdelay $0x1  }
0x4c: {  	s16 =	sshra.s32 s19, $0x2;
	(v2sf) =	vpush v0, $0x6  }
0x4d: {  	_ =	sdelay $0x1  }
0x4e: {  	s0 =	sadd.s32 $0x280, s16;
	s19 =	sadd.s32 $0x780, s16  }
0x4f: {  	s1 =	sadd.s32 $0x580, s16;
	s17 =	sadd.s32 $0x800, s16;
	(v2sf) =	vpush v0, $0x7;
	s10 =	sadd.s32 $0x480, s16  }
0x50: {  	s11 =	sadd.s32 $0x600, s16;
	s18 =	sadd.s32 $0x880, s16;
	s14 =	sadd.s32 $0x200, s16  }
0x51: {  	s20 =	sadd.s32 $0x400, s16;
	s21 =	sadd.s32 $0x500, s16;
	(v2sf) =	vpush v0, $0x8;
	s22 =	spop (v2sf)  }
0x52: {  	s23 =	sadd.s32 $0x300, s16;
	s22 =	sand.u32 $0x1FFFFFF0, s22;
	s24 =	spop (v2sf)  }
0x53: {  	(v2sf) =	vpush v0, $0x9;
	s22 =	sadd.s32 s3, s22;
	s24 =	sand.u32 $0x1FFFFFF0, s24;
	s25 =	spop (v2sf)  }
0x54: {  	[tilespmem:s14], [sflag:$0x1] =	stream.linear.gather [hbm4b:s22+s2], $0x80, $0x38;
	[tilespmem:$0x10200] =	vst v63  }
0x55: {  	(v2sf) =	vpush v0, $0xA;
	s26 =	sadd.s32 s3, s24;
	s29 =	sand.u32 $0x1FFFFFF0, s25;
	s28 =	spop (v2sf)  }
0x56: {  	[tilespmem:s0], [sflag:$0x1] =	stream.linear.gather [hbm4b:s26+s2], $0x80, $0x38;
	[tilespmem:$0x10200] =	vst v63  }
0x57: {  	s14 =	sadd.s32 $0x700, s16;
	(v2sf) =	vpush v0, $0xB;
	s22 =	sadd.s32 s3, s29;
	s30 =	spop (v2sf)  }
0x58: {  	s0 =	sadd.s32 $0x680, s16;
	s26 =	sadd.s32 $0x380, s16;
	s25 =	sand.u32 $0x1FFFFFF0, s30  }
0x59: {  	(v2sf) =	vpush v0, $0xC;
	[tilespmem:s23], [sflag:$0x1] =	stream.linear.gather [hbm4b:s22+s2], $0x80, $0x38;
	[tilespmem:$0x10200] =	vst v63  }
0x5a: {  	s31 =	sand.u32 $0x1FFFFFF0, s28;
	s28 =	spop (v2sf);
	s29 =	sadd.s32 s3, s25  }
0x5b: {  	(v2sf) =	vpush v0, $0xD;
	[tilespmem:s26], [sflag:$0x1] =	stream.linear.gather [hbm4b:s29+s2], $0x80, $0x38;
	[tilespmem:$0x10200] =	vst v63  }
0x5c: {  	s22 =	sadd.s32 s3, s31;
	s23 =	sand.u32 $0x1FFFFFF0, s28;
	s30 =	spop (v2sf)  }
0x5d: {  	(v2sf) =	vpush v0, $0xE;
	[tilespmem:s20], [sflag:$0x1] =	stream.linear.gather [hbm4b:s22+s2], $0x80, $0x38;
	[tilespmem:$0x10200] =	vst v63  }
0x5e: {  	s23 =	sadd.s32 s3, s23;
	s31 =	sand.u32 $0x1FFFFFF0, s30;
	s24 =	spop (v2sf)  }
0x5f: {  	(v2sf) =	vpush v0, $0xF;
	[tilespmem:s10], [sflag:$0x1] =	stream.linear.gather [hbm4b:s23+s2], $0x80, $0x38;
	[tilespmem:$0x10200] =	vst v63  }
0x60: {  	s25 =	sand.u32 $0x1FFFFFF0, s24;
	s26 =	spop (v2sf);
	s20 =	sadd.s32 s3, s31  }
0x61: {  	[tilespmem:s21], [sflag:$0x1] =	stream.linear.gather [hbm4b:s20+s2], $0x80, $0x38;
	[tilespmem:$0x10200] =	vst v63  }
0x62: {  	s28 =	sand.u32 $0x1FFFFFF0, s26;
	s10 =	sadd.s32 s3, s25;
	s29 =	spop (v2sf)  }
0x63: {  	[tilespmem:s1], [sflag:$0x1] =	stream.linear.gather [hbm4b:s10+s2], $0x80, $0x38;
	[tilespmem:$0x10200] =	vst v63  }
0x64: {  	s20 =	sadd.s32 s3, s28;
	s30 =	sand.u32 $0x1FFFFFF0, s29;
	s31 =	spop (v2sf)  }
0x65: {  	[tilespmem:s11], [sflag:$0x1] =	stream.linear.gather [hbm4b:s20+s2], $0x80, $0x38;
	[tilespmem:$0x10200] =	vst v63  }
0x66: {  	s10 =	sand.u32 $0x1FFFFFF0, s31;
	s1 =	sadd.s32 s3, s30;
	s20 =	spop (v2sf)  }
0x67: {  	[tilespmem:s0], [sflag:$0x1] =	stream.linear.gather [hbm4b:s1+s2], $0x80, $0x38;
	[tilespmem:$0x10200] =	vst v63  }
0x68: {  	s10 =	sadd.s32 s3, s10;
	s21 =	sand.u32 $0x1FFFFFF0, s20;
	s22 =	spop (v2sf)  }
0x69: {  	[tilespmem:s14], [sflag:$0x1] =	stream.linear.gather [hbm4b:s10+s2], $0x80, $0x38;
	[tilespmem:$0x10200] =	vst v63  }
0x6a: {  	s0 =	sadd.s32 s3, s21;
	s1 =	sand.u32 $0x1FFFFFF0, s22;
	s23 =	spop (v2sf)  }
0x6b: {  	[tilespmem:s19], [sflag:$0x1] =	stream.linear.gather [hbm4b:s0+s2], $0x80, $0x38;
	[tilespmem:$0x10200] =	vst v63  }
0x6c: {  	s24 =	sand.u32 $0x1FFFFFF0, s23;
	s1 =	sadd.s32 s3, s1;
	s25 =	spop (v2sf)  }
0x6d: {  	[tilespmem:s17], [sflag:$0x1] =	stream.linear.gather [hbm4b:s1+s2], $0x80, $0x38;
	[tilespmem:$0x10200] =	vst v63  }
0x6e: {  	s26 =	sand.u32 $0x1FFFFFF0, s25;
	s28 =	spop (v2sf);
	s0 =	sadd.s32 s3, s24  }
0x6f: {  	[tilespmem:s18], [sflag:$0x1] =	stream.linear.gather [hbm4b:s0+s2], $0x80, $0x38;
	[tilespmem:$0x10200] =	vst v63  }
0x70: {  	s30 =	sadd.s32 $0x900, s16;
	s29 =	sand.u32 $0x1FFFFFF0, s28;
	s1 =	sadd.s32 s3, s26  }
0x71: {  	[tilespmem:s30], [sflag:$0x1] =	stream.linear.gather [hbm4b:s1+s2], $0x80, $0x38;
	[tilespmem:$0x10200] =	vst v63  }
0x72: {  	s31 =	sadd.s32 $0x980, s16;
	s0 =	sadd.s32 s3, s29  }
0x73: {  	[tilespmem:s31], [sflag:$0x1] =	stream.linear.gather [hbm4b:s0+s2], $0x80, $0x38;
	[tilespmem:$0x10200] =	vst v63  }
0x74: {  	_ =	swait.ge [sflag:s13], $0x80  }
0x75: {  	[sflag:s13] =	ssyncset.done $0x0  }
0x76: {  	[sflag:s13] =	ssyncadd.s32 $0xFFFFFF80  }
0x77: {  	_ =	swait.ge [sflag:s13], $0x80  }
0x78: {  	[sflag:s13] =	ssyncset.done $0x0  }
0x79: {  	[sflag:s13] =	ssyncadd.s32 $0xFFFFFF80  }
0x7a: {  	_ =	swait.ge [sflag:s13], $0x80  }
0x7b: {  	[sflag:s13] =	ssyncset.done $0x0  }
0x7c: {  	[sflag:s13] =	ssyncadd.s32 $0xFFFFFF80  }
0x7d: {  	_ =	swait.ge [sflag:s13], $0x80  }
0x7e: {  	[sflag:s13] =	ssyncset.done $0x0  }
0x7f: {  	[sflag:s13] =	ssyncadd.s32 $0xFFFFFF80  }
0x80: {  	_ =	swait.ge [sflag:s13], $0x80  }
0x81: {  	[sflag:s13] =	ssyncset.done $0x0  }
0x82: {  	[sflag:s13] =	ssyncadd.s32 $0xFFFFFF80  }
0x83: {  	_ =	swait.ge [sflag:s13], $0x80  }
0x84: {  	[sflag:s13] =	ssyncset.done $0x0  }
0x85: {  	[sflag:s13] =	ssyncadd.s32 $0xFFFFFF80  }
0x86: {  	_ =	swait.ge [sflag:s13], $0x80  }
0x87: {  	[sflag:s13] =	ssyncset.done $0x0  }
0x88: {  	[sflag:s13] =	ssyncadd.s32 $0xFFFFFF80  }
0x89: {  	_ =	swait.ge [sflag:s13], $0x80  }
0x8a: {  	[sflag:s13] =	ssyncset.done $0x0  }
0x8b: {  	[sflag:s13] =	ssyncadd.s32 $0xFFFFFF80  }
0x8c: {  	_ =	swait.ge [sflag:s13], $0x80  }
0x8d: {  	[sflag:s13] =	ssyncset.done $0x0  }
0x8e: {  	[sflag:s13] =	ssyncadd.s32 $0xFFFFFF80  }
0x8f: {  	_ =	swait.ge [sflag:s13], $0x80  }
0x90: {  	[sflag:s13] =	ssyncset.done $0x0  }
0x91: {  	[sflag:s13] =	ssyncadd.s32 $0xFFFFFF80  }
0x92: {  	_ =	swait.ge [sflag:s13], $0x80  }
0x93: {  	[sflag:s13] =	ssyncset.done $0x0  }
0x94: {  	[sflag:s13] =	ssyncadd.s32 $0xFFFFFF80  }
0x95: {  	_ =	swait.ge [sflag:s13], $0x80  }
0x96: {  	[sflag:s13] =	ssyncset.done $0x0  }
0x97: {  	[sflag:s13] =	ssyncadd.s32 $0xFFFFFF80  }
0x98: {  	_ =	swait.ge [sflag:s13], $0x80  }
0x99: {  	[sflag:s13] =	ssyncset.done $0x0  }
0x9a: {  	[sflag:s13] =	ssyncadd.s32 $0xFFFFFF80  }
0x9b: {  	_ =	swait.ge [sflag:s13], $0x80  }
0x9c: {  	[sflag:s13] =	ssyncset.done $0x0  }
0x9d: {  	[sflag:s13] =	ssyncadd.s32 $0xFFFFFF80  }
0x9e: {  	_ =	swait.ge [sflag:s13], $0x80  }
0x9f: {  	[sflag:s13] =	ssyncset.done $0x0  }
0xa0: {  	[sflag:s13] =	ssyncadd.s32 $0xFFFFFF80  }
0xa1: {  	_ =	swait.ge [sflag:s13], $0x80  }
0xa2: {  	s16 =	simm.s32 $0x1F;
	[sflag:s13] =	ssyncset.done $0x0  }
.LBB2_4:
0xa3: {  	p0 =	sne.s32 s16, $0x1;
	s16 =	sadd.s32 $0xFFFFFFFF, s16;
	[sflag:s13] =	ssyncadd.s32 $0xFFFFFF80  }
0xa4: {  	_ =	swait.ge [sflag:s13], $0x80  }
0xa5: {  	[sflag:s13] =	ssyncset.done $0x0  }
0xa6: {  	[sflag:s13] =	ssyncadd.s32 $0xFFFFFF80  }
0xa7: {  	_ =	swait.ge [sflag:s13], $0x80  }
0xa8: {  	[sflag:s13] =	ssyncset.done $0x0  }
0xa9: {  	[sflag:s13] =	ssyncadd.s32 $0xFFFFFF80  }
0xaa: {  	_ =	swait.ge [sflag:s13], $0x80  }
0xab: {  	[sflag:s13] =	ssyncset.done $0x0  }
0xac: {  	[sflag:s13] =	ssyncadd.s32 $0xFFFFFF80  }
0xad: {  	_ =	swait.ge [sflag:s13], $0x80  }
0xae: {  	[sflag:s13] =	ssyncset.done $0x0  }
0xaf: {  	[sflag:s13] =	ssyncadd.s32 $0xFFFFFF80  }
0xb0: {  	_ =	swait.ge [sflag:s13], $0x80  }
0xb1: {  	[sflag:s13] =	ssyncset.done $0x0  }
0xb2: {  	[sflag:s13] =	ssyncadd.s32 $0xFFFFFF80  }
0xb3: {  	_ =	swait.ge [sflag:s13], $0x80  }
0xb4: {  	[sflag:s13] =	ssyncset.done $0x0  }
0xb5: {  	[sflag:s13] =	ssyncadd.s32 $0xFFFFFF80  }
0xb6: {  	_ =	swait.ge [sflag:s13], $0x80  }
0xb7: {  	[sflag:s13] =	ssyncset.done $0x0  }
0xb8: {  	[sflag:s13] =	ssyncadd.s32 $0xFFFFFF80  }
0xb9: {  	_ =	swait.ge [sflag:s13], $0x80  }
0xba: {  	[sflag:s13] =	ssyncset.done $0x0  }
0xbb: {  	[sflag:s13] =	ssyncadd.s32 $0xFFFFFF80  }
0xbc: {  	_ =	swait.ge [sflag:s13], $0x80  }
0xbd: {  	[sflag:s13] =	ssyncset.done $0x0  }
0xbe: {  	[sflag:s13] =	ssyncadd.s32 $0xFFFFFF80  }
0xbf: {  	_ =	swait.ge [sflag:s13], $0x80  }
0xc0: {  	[sflag:s13] =	ssyncset.done $0x0  }
0xc1: {  	[sflag:s13] =	ssyncadd.s32 $0xFFFFFF80  }
0xc2: {  	_ =	swait.ge [sflag:s13], $0x80  }
0xc3: {  	[sflag:s13] =	ssyncset.done $0x0  }
0xc4: {  	[sflag:s13] =	ssyncadd.s32 $0xFFFFFF80  }
0xc5: {  	_ =	swait.ge [sflag:s13], $0x80  }
0xc6: {  	[sflag:s13] =	ssyncset.done $0x0  }
0xc7: {  	[sflag:s13] =	ssyncadd.s32 $0xFFFFFF80  }
0xc8: {  	_ =	swait.ge [sflag:s13], $0x80  }
0xc9: {  	[sflag:s13] =	ssyncset.done $0x0  }
0xca: {  	[sflag:s13] =	ssyncadd.s32 $0xFFFFFF80  }
0xcb: {  	_ =	swait.ge [sflag:s13], $0x80  }
0xcc: {  	[sflag:s13] =	ssyncset.done $0x0  }
0xcd: {  	[sflag:s13] =	ssyncadd.s32 $0xFFFFFF80  }
.Ltmp1:
0xce: {  	_ =	swait.ge [sflag:s13], $0x80;
	(pc) =	sbr.rel @p0 .LBB2_4-.Ltmp1, $4  }
0xcf: {  	[sflag:s13] =	ssyncset.done $0x0  }
0xd0: {  	[sflag:s13] =	ssyncadd.s32 $0xFFFFFF80  }
0xd1: {  	_ =	swait.ge [sflag:s13], $0x80  }
0xd2: {  	[sflag:s13] =	ssyncset.done $0x0  }
0xd3: {  	[sflag:s13] =	ssyncadd.s32 $0xFFFFFF80;
	s17 =	simm.s32 $0x0;
	s0 =	simm.s32 $0x200  }
0xd4: {  	[hbm4b:s6+s17] =	stream.linear.scatter [tilespmem:s0], [sflag:$0x2], $0x10000, $0x38;
	[tilespmem:$0x10200] =	vst v63  }
0xd5: {  	_ =	swait.ge [sflag:s12], $0x10000  }
0xd6: {  	[sflag:s12] =	ssyncset.done $0x0  }
0xd7: {  	s31 =	simm.s32 $0x80;
	s1 =	simm.s32 $0x400;
	[sflag:s12] =	ssyncadd.s32 $0xFFFF0000  }
0xd8: {  	[tilespmem:s17], [sflag:$0x2] =	stream.strided.gather [hbm4b:s7+s31], $0x200, s1, s31, $0x38;
	[tilespmem:$0x10200] =	vst v63  }
0xd9: {  	_ =	swait.ge [sflag:s12], $0x200  }
0xda: {  	[sflag:s12] =	ssyncset.done $0x0  }
0xdb: {  	[sflag:s12] =	ssyncadd.s32 $0xFFFFFE00  }
0xdc: {  	v0 =	vld [tilespmem:s17+$0x0];
	_ =	sdelay $0x4  }
0xdd: {  	v0 =	vshll.u32 v0, $0x4  }
0xde: {  	(v2sf) =	vpush v0, $0x0  }
0xdf: {  	(v2sf) =	vpush v0, $0x1  }
0xe0: {  	(v2sf) =	vpush v0, $0x2;
	_ =	sdelay $0x1  }
0xe1: {  	(v2sf) =	vpush v0, $0x4;
	_ =	sdelay $0x1  }
0xe2: {  	(v2sf) =	vpush v0, $0x3  }
0xe3: {  	(v2sf) =	vpush v0, $0x5  }
0xe4: {  	s18 =	simm.s32 $0x2000;
	s16 =	simm.s32 $0x0;
	(v2sf) =	vpush v0, $0x6  }
.LBB2_6:
0xe5: {  	p0 =	sne.s32 s18, $0x3E000  }
0xe6: {  	s0 =	sadd.s32 $0x280, s16;
	s22 =	sadd.s32 $0x780, s16;
	s19 =	smov.u32 s18  }
0xe7: {  	s18 =	sadd.s32 $0x2000, s18;
	s25 =	sadd.s32 $0x580, s16;
	s20 =	sadd.s32 $0x800, s16;
	(v2sf) =	vpush v0, $0x7  }
0xe8: {  	s28 =	sadd.s32 $0x480, s16;
	s24 =	sadd.s32 $0x600, s16;
	s21 =	sadd.s32 $0x880, s16  }
0xe9: {  	s1 =	sadd.s32 $0x200, s16;
	s10 =	sadd.s32 $0x400, s16;
	(v2sf) =	vpush v0, $0x8  }
0xea: {  	s11 =	sadd.s32 $0x500, s16;
	s17 =	sadd.s32 $0x10, s17  }
0xeb: {  	s14 =	sadd.s32 $0x300, s16;
	s23 =	sadd.s32 $0x700, s16;
	s26 =	spop (v2sf);
	(v2sf) =	vpush v0, $0x9  }
0xec: {  	s29 =	sand.u32 $0x1FFFFFF0, s26;
	s26 =	sadd.s32 $0x680, s16;
	s30 =	spop (v2sf)  }
0xed: {  	s29 =	sadd.s32 s4, s29;
	s30 =	sand.u32 $0x1FFFFFF0, s30;
	s31 =	spop (v2sf);
	(v2sf) =	vpush v0, $0xA  }
0xee: {  	[tilespmem:s1], [sflag:$0x1] =	stream.linear.gather [hbm4b:s29+s2], $0x80, $0x38;
	[tilespmem:$0x10200] =	vst v63  }
0xef: {  	s1 =	sadd.s32 s4, s30;
	s29 =	sadd.s32 $0x380, s16;
	s30 =	spop (v2sf);
	(v2sf) =	vpush v0, $0xB  }
0xf0: {  	[tilespmem:s0], [sflag:$0x1] =	stream.linear.gather [hbm4b:s1+s2], $0x80, $0x38;
	[tilespmem:$0x10200] =	vst v63  }
0xf1: {  	s0 =	sand.u32 $0x1FFFFFF0, s31;
	s1 =	sand.u32 $0x1FFFFFF0, s30;
	s30 =	spop (v2sf);
	(v2sf) =	vpush v0, $0xC  }
0xf2: {  	s0 =	sadd.s32 s4, s0;
	s30 =	sand.u32 $0x1FFFFFF0, s30;
	s31 =	spop (v2sf)  }
0xf3: {  	[tilespmem:s14], [sflag:$0x1] =	stream.linear.gather [hbm4b:s0+s2], $0x80, $0x38;
	(v2sf) =	vpush v0, $0xD;
	[tilespmem:$0x10200] =	vst v63  }
0xf4: {  	s0 =	sadd.s32 s4, s30;
	s14 =	sand.u32 $0x1FFFFFF0, s31;
	s30 =	spop (v2sf)  }
0xf5: {  	[tilespmem:s29], [sflag:$0x1] =	stream.linear.gather [hbm4b:s0+s2], $0x80, $0x38;
	(v2sf) =	vpush v0, $0xE;
	[tilespmem:$0x10200] =	vst v63  }
0xf6: {  	s0 =	sadd.s32 s4, s1;
	s1 =	sand.u32 $0x1FFFFFF0, s30;
	s29 =	spop (v2sf)  }
0xf7: {  	[tilespmem:s10], [sflag:$0x1] =	stream.linear.gather [hbm4b:s0+s2], $0x80, $0x38;
	(v2sf) =	vpush v0, $0xF;
	[tilespmem:$0x10200] =	vst v63  }
0xf8: {  	s0 =	sadd.s32 s4, s14;
	s10 =	sand.u32 $0x1FFFFFF0, s29;
	s14 =	spop (v2sf)  }
0xf9: {  	[tilespmem:s28], [sflag:$0x1] =	stream.linear.gather [hbm4b:s0+s2], $0x80, $0x38;
	[tilespmem:$0x10200] =	vst v63  }
0xfa: {  	s0 =	sadd.s32 s4, s1;
	s1 =	sand.u32 $0x1FFFFFF0, s14;
	s14 =	spop (v2sf)  }
0xfb: {  	[tilespmem:s11], [sflag:$0x1] =	stream.linear.gather [hbm4b:s0+s2], $0x80, $0x38;
	[tilespmem:$0x10200] =	vst v63  }
0xfc: {  	s0 =	sadd.s32 s4, s10;
	s10 =	sand.u32 $0x1FFFFFF0, s14;
	s11 =	spop (v2sf)  }
0xfd: {  	[tilespmem:s25], [sflag:$0x1] =	stream.linear.gather [hbm4b:s0+s2], $0x80, $0x38;
	[tilespmem:$0x10200] =	vst v63  }
0xfe: {  	s0 =	sadd.s32 s4, s1;
	s1 =	sand.u32 $0x1FFFFFF0, s11;
	s11 =	spop (v2sf)  }
0xff: {  	[tilespmem:s24], [sflag:$0x1] =	stream.linear.gather [hbm4b:s0+s2], $0x80, $0x38;
	[tilespmem:$0x10200] =	vst v63  }
0x100: {  	s0 =	sadd.s32 s4, s10;
	s10 =	sand.u32 $0x1FFFFFF0, s11;
	s11 =	spop (v2sf)  }
0x101: {  	[tilespmem:s26], [sflag:$0x1] =	stream.linear.gather [hbm4b:s0+s2], $0x80, $0x38;
	[tilespmem:$0x10200] =	vst v63  }
0x102: {  	s0 =	sadd.s32 s4, s1;
	s1 =	sand.u32 $0x1FFFFFF0, s11;
	s11 =	spop (v2sf)  }
0x103: {  	[tilespmem:s23], [sflag:$0x1] =	stream.linear.gather [hbm4b:s0+s2], $0x80, $0x38;
	[tilespmem:$0x10200] =	vst v63  }
0x104: {  	s0 =	sadd.s32 s4, s10;
	s10 =	sand.u32 $0x1FFFFFF0, s11;
	s11 =	spop (v2sf)  }
0x105: {  	[tilespmem:s22], [sflag:$0x1] =	stream.linear.gather [hbm4b:s0+s2], $0x80, $0x38;
	[tilespmem:$0x10200] =	vst v63  }
0x106: {  	s0 =	sadd.s32 s4, s1;
	s1 =	sand.u32 $0x1FFFFFF0, s11;
	s11 =	spop (v2sf)  }
0x107: {  	[tilespmem:s20], [sflag:$0x1] =	stream.linear.gather [hbm4b:s0+s2], $0x80, $0x38;
	[tilespmem:$0x10200] =	vst v63  }
0x108: {  	s0 =	sadd.s32 s4, s10;
	s10 =	sand.u32 $0x1FFFFFF0, s11  }
0x109: {  	[tilespmem:s21], [sflag:$0x1] =	stream.linear.gather [hbm4b:s0+s2], $0x80, $0x38;
	[tilespmem:$0x10200] =	vst v63  }
0x10a: {  	s1 =	sadd.s32 s4, s1;
	s0 =	sadd.s32 $0x900, s16  }
0x10b: {  	[tilespmem:s0], [sflag:$0x1] =	stream.linear.gather [hbm4b:s1+s2], $0x80, $0x38;
	[tilespmem:$0x10200] =	vst v63  }
0x10c: {  	s0 =	sadd.s32 $0x980, s16;
	s1 =	sadd.s32 s4, s10  }
0x10d: {  	[tilespmem:s0], [sflag:$0x1] =	stream.linear.gather [hbm4b:s1+s2], $0x80, $0x38;
	[tilespmem:$0x10200] =	vst v63  }
0x10e: {  	v0 =	vld [tilespmem:s17+$0x0];
	_ =	sdelay $0x4  }
0x10f: {  	v0 =	vshll.u32 v0, $0x4  }
0x110: {  	(v2sf) =	vpush v0, $0x0  }
0x111: {  	(v2sf) =	vpush v0, $0x1  }
0x112: {  	(v2sf) =	vpush v0, $0x2;
	_ =	sdelay $0x1  }
0x113: {  	(v2sf) =	vpush v0, $0x4  }
.Ltmp2:
0x114: {  	(pc) =	sbr.rel @p0 .LBB2_6-.Ltmp2, $3  }
0x115: {  	(v2sf) =	vpush v0, $0x3  }
0x116: {  	(v2sf) =	vpush v0, $0x5;
	_ =	sdelay $0x1  }
0x117: {  	s16 =	sshra.s32 s19, $0x2;
	(v2sf) =	vpush v0, $0x6  }
0x118: {  	_ =	sdelay $0x1  }
0x119: {  	s0 =	sadd.s32 $0x280, s16;
	s19 =	sadd.s32 $0x780, s16  }
0x11a: {  	s1 =	sadd.s32 $0x580, s16;
	s17 =	sadd.s32 $0x800, s16;
	(v2sf) =	vpush v0, $0x7;
	s10 =	sadd.s32 $0x480, s16  }
0x11b: {  	s11 =	sadd.s32 $0x600, s16;
	s18 =	sadd.s32 $0x880, s16;
	s14 =	sadd.s32 $0x200, s16  }
0x11c: {  	s20 =	sadd.s32 $0x400, s16;
	s21 =	sadd.s32 $0x500, s16;
	(v2sf) =	vpush v0, $0x8;
	s22 =	spop (v2sf)  }
0x11d: {  	s23 =	sadd.s32 $0x300, s16;
	s22 =	sand.u32 $0x1FFFFFF0, s22;
	s24 =	spop (v2sf)  }
0x11e: {  	(v2sf) =	vpush v0, $0x9;
	s22 =	sadd.s32 s4, s22;
	s24 =	sand.u32 $0x1FFFFFF0, s24;
	s25 =	spop (v2sf)  }
0x11f: {  	[tilespmem:s14], [sflag:$0x1] =	stream.linear.gather [hbm4b:s22+s2], $0x80, $0x38;
	[tilespmem:$0x10200] =	vst v63  }
0x120: {  	(v2sf) =	vpush v0, $0xA;
	s26 =	sadd.s32 s4, s24;
	s29 =	sand.u32 $0x1FFFFFF0, s25;
	s28 =	spop (v2sf)  }
0x121: {  	[tilespmem:s0], [sflag:$0x1] =	stream.linear.gather [hbm4b:s26+s2], $0x80, $0x38;
	[tilespmem:$0x10200] =	vst v63  }
0x122: {  	s14 =	sadd.s32 $0x700, s16;
	(v2sf) =	vpush v0, $0xB;
	s22 =	sadd.s32 s4, s29;
	s30 =	spop (v2sf)  }
0x123: {  	s0 =	sadd.s32 $0x680, s16;
	s26 =	sadd.s32 $0x380, s16;
	s25 =	sand.u32 $0x1FFFFFF0, s30  }
0x124: {  	(v2sf) =	vpush v0, $0xC;
	[tilespmem:s23], [sflag:$0x1] =	stream.linear.gather [hbm4b:s22+s2], $0x80, $0x38;
	[tilespmem:$0x10200] =	vst v63  }
0x125: {  	s31 =	sand.u32 $0x1FFFFFF0, s28;
	s28 =	spop (v2sf);
	s29 =	sadd.s32 s4, s25  }
0x126: {  	(v2sf) =	vpush v0, $0xD;
	[tilespmem:s26], [sflag:$0x1] =	stream.linear.gather [hbm4b:s29+s2], $0x80, $0x38;
	[tilespmem:$0x10200] =	vst v63  }
0x127: {  	s22 =	sadd.s32 s4, s31;
	s23 =	sand.u32 $0x1FFFFFF0, s28;
	s30 =	spop (v2sf)  }
0x128: {  	(v2sf) =	vpush v0, $0xE;
	[tilespmem:s20], [sflag:$0x1] =	stream.linear.gather [hbm4b:s22+s2], $0x80, $0x38;
	[tilespmem:$0x10200] =	vst v63  }
0x129: {  	s23 =	sadd.s32 s4, s23;
	s31 =	sand.u32 $0x1FFFFFF0, s30;
	s24 =	spop (v2sf)  }
0x12a: {  	(v2sf) =	vpush v0, $0xF;
	[tilespmem:s10], [sflag:$0x1] =	stream.linear.gather [hbm4b:s23+s2], $0x80, $0x38;
	[tilespmem:$0x10200] =	vst v63  }
0x12b: {  	s25 =	sand.u32 $0x1FFFFFF0, s24;
	s26 =	spop (v2sf);
	s20 =	sadd.s32 s4, s31  }
0x12c: {  	[tilespmem:s21], [sflag:$0x1] =	stream.linear.gather [hbm4b:s20+s2], $0x80, $0x38;
	[tilespmem:$0x10200] =	vst v63  }
0x12d: {  	s28 =	sand.u32 $0x1FFFFFF0, s26;
	s10 =	sadd.s32 s4, s25;
	s29 =	spop (v2sf)  }
0x12e: {  	[tilespmem:s1], [sflag:$0x1] =	stream.linear.gather [hbm4b:s10+s2], $0x80, $0x38;
	[tilespmem:$0x10200] =	vst v63  }
0x12f: {  	s20 =	sadd.s32 s4, s28;
	s30 =	sand.u32 $0x1FFFFFF0, s29;
	s31 =	spop (v2sf)  }
0x130: {  	[tilespmem:s11], [sflag:$0x1] =	stream.linear.gather [hbm4b:s20+s2], $0x80, $0x38;
	[tilespmem:$0x10200] =	vst v63  }
0x131: {  	s10 =	sand.u32 $0x1FFFFFF0, s31;
	s1 =	sadd.s32 s4, s30;
	s20 =	spop (v2sf)  }
0x132: {  	[tilespmem:s0], [sflag:$0x1] =	stream.linear.gather [hbm4b:s1+s2], $0x80, $0x38;
	[tilespmem:$0x10200] =	vst v63  }
0x133: {  	s10 =	sadd.s32 s4, s10;
	s21 =	sand.u32 $0x1FFFFFF0, s20;
	s22 =	spop (v2sf)  }
0x134: {  	[tilespmem:s14], [sflag:$0x1] =	stream.linear.gather [hbm4b:s10+s2], $0x80, $0x38;
	[tilespmem:$0x10200] =	vst v63  }
0x135: {  	s0 =	sadd.s32 s4, s21;
	s1 =	sand.u32 $0x1FFFFFF0, s22;
	s23 =	spop (v2sf)  }
0x136: {  	[tilespmem:s19], [sflag:$0x1] =	stream.linear.gather [hbm4b:s0+s2], $0x80, $0x38;
	[tilespmem:$0x10200] =	vst v63  }
0x137: {  	s24 =	sand.u32 $0x1FFFFFF0, s23;
	s1 =	sadd.s32 s4, s1;
	s25 =	spop (v2sf)  }
0x138: {  	[tilespmem:s17], [sflag:$0x1] =	stream.linear.gather [hbm4b:s1+s2], $0x80, $0x38;
	[tilespmem:$0x10200] =	vst v63  }
0x139: {  	s26 =	sand.u32 $0x1FFFFFF0, s25;
	s28 =	spop (v2sf);
	s0 =	sadd.s32 s4, s24  }
0x13a: {  	[tilespmem:s18], [sflag:$0x1] =	stream.linear.gather [hbm4b:s0+s2], $0x80, $0x38;
	[tilespmem:$0x10200] =	vst v63  }
0x13b: {  	s30 =	sadd.s32 $0x900, s16;
	s29 =	sand.u32 $0x1FFFFFF0, s28;
	s1 =	sadd.s32 s4, s26  }
0x13c: {  	[tilespmem:s30], [sflag:$0x1] =	stream.linear.gather [hbm4b:s1+s2], $0x80, $0x38;
	[tilespmem:$0x10200] =	vst v63  }
0x13d: {  	s31 =	sadd.s32 $0x980, s16;
	s0 =	sadd.s32 s4, s29  }
0x13e: {  	[tilespmem:s31], [sflag:$0x1] =	stream.linear.gather [hbm4b:s0+s2], $0x80, $0x38;
	[tilespmem:$0x10200] =	vst v63  }
0x13f: {  	_ =	swait.ge [sflag:s13], $0x80  }
0x140: {  	[sflag:s13] =	ssyncset.done $0x0  }
0x141: {  	[sflag:s13] =	ssyncadd.s32 $0xFFFFFF80  }
0x142: {  	_ =	swait.ge [sflag:s13], $0x80  }
0x143: {  	[sflag:s13] =	ssyncset.done $0x0  }
0x144: {  	[sflag:s13] =	ssyncadd.s32 $0xFFFFFF80  }
0x145: {  	_ =	swait.ge [sflag:s13], $0x80  }
0x146: {  	[sflag:s13] =	ssyncset.done $0x0  }
0x147: {  	[sflag:s13] =	ssyncadd.s32 $0xFFFFFF80  }
0x148: {  	_ =	swait.ge [sflag:s13], $0x80  }
0x149: {  	[sflag:s13] =	ssyncset.done $0x0  }
0x14a: {  	[sflag:s13] =	ssyncadd.s32 $0xFFFFFF80  }
0x14b: {  	_ =	swait.ge [sflag:s13], $0x80  }
0x14c: {  	[sflag:s13] =	ssyncset.done $0x0  }
0x14d: {  	[sflag:s13] =	ssyncadd.s32 $0xFFFFFF80  }
0x14e: {  	_ =	swait.ge [sflag:s13], $0x80  }
0x14f: {  	[sflag:s13] =	ssyncset.done $0x0  }
0x150: {  	[sflag:s13] =	ssyncadd.s32 $0xFFFFFF80  }
0x151: {  	_ =	swait.ge [sflag:s13], $0x80  }
0x152: {  	[sflag:s13] =	ssyncset.done $0x0  }
0x153: {  	[sflag:s13] =	ssyncadd.s32 $0xFFFFFF80  }
0x154: {  	_ =	swait.ge [sflag:s13], $0x80  }
0x155: {  	[sflag:s13] =	ssyncset.done $0x0  }
0x156: {  	[sflag:s13] =	ssyncadd.s32 $0xFFFFFF80  }
0x157: {  	_ =	swait.ge [sflag:s13], $0x80  }
0x158: {  	[sflag:s13] =	ssyncset.done $0x0  }
0x159: {  	[sflag:s13] =	ssyncadd.s32 $0xFFFFFF80  }
0x15a: {  	_ =	swait.ge [sflag:s13], $0x80  }
0x15b: {  	[sflag:s13] =	ssyncset.done $0x0  }
0x15c: {  	[sflag:s13] =	ssyncadd.s32 $0xFFFFFF80  }
0x15d: {  	_ =	swait.ge [sflag:s13], $0x80  }
0x15e: {  	[sflag:s13] =	ssyncset.done $0x0  }
0x15f: {  	[sflag:s13] =	ssyncadd.s32 $0xFFFFFF80  }
0x160: {  	_ =	swait.ge [sflag:s13], $0x80  }
0x161: {  	[sflag:s13] =	ssyncset.done $0x0  }
0x162: {  	[sflag:s13] =	ssyncadd.s32 $0xFFFFFF80  }
0x163: {  	_ =	swait.ge [sflag:s13], $0x80  }
0x164: {  	[sflag:s13] =	ssyncset.done $0x0  }
0x165: {  	[sflag:s13] =	ssyncadd.s32 $0xFFFFFF80  }
0x166: {  	_ =	swait.ge [sflag:s13], $0x80  }
0x167: {  	[sflag:s13] =	ssyncset.done $0x0  }
0x168: {  	[sflag:s13] =	ssyncadd.s32 $0xFFFFFF80  }
0x169: {  	_ =	swait.ge [sflag:s13], $0x80  }
0x16a: {  	[sflag:s13] =	ssyncset.done $0x0  }
0x16b: {  	[sflag:s13] =	ssyncadd.s32 $0xFFFFFF80  }
0x16c: {  	_ =	swait.ge [sflag:s13], $0x80  }
0x16d: {  	s16 =	simm.s32 $0x1F;
	[sflag:s13] =	ssyncset.done $0x0  }
.LBB2_8:
0x16e: {  	p0 =	sne.s32 s16, $0x1;
	s16 =	sadd.s32 $0xFFFFFFFF, s16;
	[sflag:s13] =	ssyncadd.s32 $0xFFFFFF80  }
0x16f: {  	_ =	swait.ge [sflag:s13], $0x80  }
0x170: {  	[sflag:s13] =	ssyncset.done $0x0  }
0x171: {  	[sflag:s13] =	ssyncadd.s32 $0xFFFFFF80  }
0x172: {  	_ =	swait.ge [sflag:s13], $0x80  }
0x173: {  	[sflag:s13] =	ssyncset.done $0x0  }
0x174: {  	[sflag:s13] =	ssyncadd.s32 $0xFFFFFF80  }
0x175: {  	_ =	swait.ge [sflag:s13], $0x80  }
0x176: {  	[sflag:s13] =	ssyncset.done $0x0  }
0x177: {  	[sflag:s13] =	ssyncadd.s32 $0xFFFFFF80  }
0x178: {  	_ =	swait.ge [sflag:s13], $0x80  }
0x179: {  	[sflag:s13] =	ssyncset.done $0x0  }
0x17a: {  	[sflag:s13] =	ssyncadd.s32 $0xFFFFFF80  }
0x17b: {  	_ =	swait.ge [sflag:s13], $0x80  }
0x17c: {  	[sflag:s13] =	ssyncset.done $0x0  }
0x17d: {  	[sflag:s13] =	ssyncadd.s32 $0xFFFFFF80  }
0x17e: {  	_ =	swait.ge [sflag:s13], $0x80  }
0x17f: {  	[sflag:s13] =	ssyncset.done $0x0  }
0x180: {  	[sflag:s13] =	ssyncadd.s32 $0xFFFFFF80  }
0x181: {  	_ =	swait.ge [sflag:s13], $0x80  }
0x182: {  	[sflag:s13] =	ssyncset.done $0x0  }
0x183: {  	[sflag:s13] =	ssyncadd.s32 $0xFFFFFF80  }
0x184: {  	_ =	swait.ge [sflag:s13], $0x80  }
0x185: {  	[sflag:s13] =	ssyncset.done $0x0  }
0x186: {  	[sflag:s13] =	ssyncadd.s32 $0xFFFFFF80  }
0x187: {  	_ =	swait.ge [sflag:s13], $0x80  }
0x188: {  	[sflag:s13] =	ssyncset.done $0x0  }
0x189: {  	[sflag:s13] =	ssyncadd.s32 $0xFFFFFF80  }
0x18a: {  	_ =	swait.ge [sflag:s13], $0x80  }
0x18b: {  	[sflag:s13] =	ssyncset.done $0x0  }
0x18c: {  	[sflag:s13] =	ssyncadd.s32 $0xFFFFFF80  }
0x18d: {  	_ =	swait.ge [sflag:s13], $0x80  }
0x18e: {  	[sflag:s13] =	ssyncset.done $0x0  }
0x18f: {  	[sflag:s13] =	ssyncadd.s32 $0xFFFFFF80  }
0x190: {  	_ =	swait.ge [sflag:s13], $0x80  }
0x191: {  	[sflag:s13] =	ssyncset.done $0x0  }
0x192: {  	[sflag:s13] =	ssyncadd.s32 $0xFFFFFF80  }
0x193: {  	_ =	swait.ge [sflag:s13], $0x80  }
0x194: {  	[sflag:s13] =	ssyncset.done $0x0  }
0x195: {  	[sflag:s13] =	ssyncadd.s32 $0xFFFFFF80  }
0x196: {  	_ =	swait.ge [sflag:s13], $0x80  }
0x197: {  	[sflag:s13] =	ssyncset.done $0x0  }
0x198: {  	[sflag:s13] =	ssyncadd.s32 $0xFFFFFF80  }
.Ltmp3:
0x199: {  	_ =	swait.ge [sflag:s13], $0x80;
	(pc) =	sbr.rel @p0 .LBB2_8-.Ltmp3, $4  }
0x19a: {  	[sflag:s13] =	ssyncset.done $0x0  }
0x19b: {  	[sflag:s13] =	ssyncadd.s32 $0xFFFFFF80  }
0x19c: {  	_ =	swait.ge [sflag:s13], $0x80  }
0x19d: {  	[sflag:s13] =	ssyncset.done $0x0  }
0x19e: {  	s15 =	sadd.s32 $0x1, s15  }
0x19f: {  	p0 =	sne.s32 s15, s9  }
.Ltmp4:
0x1a0: {  	[sflag:s13] =	ssyncadd.s32 $0xFFFFFF80;
	s0 =	simm.s32 $0x200;
	(pc) =	sbr.rel @p0 .LBB2_1-.Ltmp4, $4  }
0x1a1: {  	[hbm4b:s8+s2] =	stream.linear.scatter [tilespmem:s0], [sflag:$0x2], $0x10000, $0x38;
	[tilespmem:$0x10200] =	vst v63  }
0x1a2: {  	_ =	swait.ge [sflag:s12], $0x10000  }
0x1a3: {  	[sflag:s12] =	ssyncset.done $0x0  }
0x1a4: {  	[sflag:s12] =	ssyncadd.s32 $0xFFFF0000  }
0x1a5: {  	_ =	sfence.sel $0x180000  }
0x1a6: {  	[bflag:$0x0] =	sbarrier.arrive $0xFFFF  }
0x1a7: {  	_ =	strace $0x90000047  }
0x1a8: {  	s0 =	stileid.u32;
	[bflag:$0x2] =	sbarrier.arrive $0xFFFF  }
0x1a9: {  	p0 =	sne.s32 s0, $0x0;
	s0 =	rddreg [dreg:$0x2]  }
0x1aa: {  	s0 =	sadd.s32 @!p0 $0x100000, s0  }
0x1ab: {  	[sflag:s0] =	ssyncadd.tile.s32 @!p0 $0x1;
	_ =	shalt  }
.Lfunc_end2:
_tile_overlayer_lowered:
.L_overlay_start_2:
0x1ac: {  	(tag) =	ssettag $0x2  }
0x1ad: {  	s0 =	rddreg [dreg:$0x0];
	s2 =	stileid.u32  }
0x1ae: {  	s1 =	rddreg [dreg:$0x1];
	p0 =	sne.s32 s2, $0x0  }
0x1af: {  	s3 =	rddreg [dreg:$0x2];
	[bflag:$0x3] =	sbarrier.arrive $0xFFFF;
	s2 =	simm.s32 @!p0 $0x1C02  }
0x1b0: {  	[timem:s3], [sflag:s2] =	dma.local @!p0 [hbm:s0], s1  }
0x1b1: {  	s0 =	simm.s32 @!p0 $0x2  }
0x1b2: {  	_ =	swait.ge @!p0 [sflag:s0], s1  }
0x1b3: {  	s1 =	ssub.s32 @!p0 $0x0, s1;
	[sflag:s0] =	ssyncset.done @!p0 $0x0  }
0x1b4: {  	[sflag:s0] =	ssyncadd.s32 @!p0 s1  }
0x1b5: {  	[bflag:$0x3] =	sbarrier.arrive $0xFFFF  }
0x1b6: {  	_ =	shalt  }

</sc_bundles>
